<compile_context>
chip_gen: v7x
topology: tpu7x:2x2x1
jax: 0.10.2.dev20260603
libtpu: 0.0.44.dev20260713+nightly
codegen_flags: <defaults>
</compile_context>

<pallas_src>
import jax
import jax.numpy as jnp
from jax import lax
from jax.experimental import pallas as pl
from jax.experimental.pallas import tpu as pltpu
from jax.experimental.pallas import tpu_sc as plsc

NUM_NODES = 10000
FEAT = 128
HIDDEN = 128
B = 512
S1 = 10
S2 = 25
NC, NS, LANES = 2, 16, 16
NW = NC * NS
BPW = B // NW
R1 = BPW * S1
SEG_PER_CHUNK = 4
SEG_STRIDE = 32
ROWS_PER_CHUNK = 128
NCHUNK = R1 // SEG_PER_CHUNK
NB = 3
FCH = FEAT // LANES
ADJ_PAD = 128
SREG = R1 + SEG_PER_CHUNK


def _sc_body(feat_hbm, adj_hbm, batch_hbm,
             h0_hbm, h1_hbm, nm1_hbm,
             bidx, adj0, adj1, s2buf, sidxbuf, h1rows, f0rows, fbuf,
             shared, sem0, sem1,
             gsem0, gsem1, gsem2, ssem0, ssem1, ssem2):
    gsems = (gsem0, gsem1, gsem2)
    ssems = (ssem0, ssem1, ssem2)
    wid = lax.axis_index("s") * NC + lax.axis_index("c")
    sid = lax.axis_index("s")
    base = pl.multiple_of(wid * BPW, 8)
    sbase = sid * SREG
    iot = lax.iota(jnp.int32, LANES)

    pltpu.sync_copy(batch_hbm.at[pl.ds(base, BPW)], bidx)
    pltpu.async_copy(adj_hbm.at[bidx], adj0, sem0).wait()

    for r in range(BPW):
        pltpu.async_copy(feat_hbm.at[adj0.at[r, pl.ds(0, S1)]],
                         h1rows.at[pl.ds(r * S1, S1)], sem1)
        pltpu.async_copy(adj_hbm.at[adj0.at[r, pl.ds(0, S1)]],
                         adj1.at[pl.ds(r * S1, S1)], sem0)
    pltpu.async_copy(feat_hbm.at[bidx], f0rows, sem1)

    def zbody(row, carry):
        for cc in range(FCH):
            fbuf[0, row, pl.ds(cc * LANES, LANES)] = jnp.zeros((LANES,),
                                                               jnp.float32)
        return carry

    lax.fori_loop(0, ROWS_PER_CHUNK, zbody, 0)
    pltpu.sync_copy(fbuf.at[0],
                    shared.at[pl.ds(sbase, ROWS_PER_CHUNK)])
    pltpu.sync_copy(fbuf.at[0, pl.ds(0, SREG - ROWS_PER_CHUNK)],
                    shared.at[pl.ds(sbase + ROWS_PER_CHUNK,
                                    SREG - ROWS_PER_CHUNK)])

    for r in range(BPW):
        pltpu.make_async_copy(adj_hbm.at[adj0.at[r, pl.ds(0, S1)]],
                              adj1.at[pl.ds(r * S1, S1)], sem0).wait()

    def build_gidx(k, b):
        for s in range(SEG_PER_CHUNK):
            r = k * SEG_PER_CHUNK + s
            s2buf[b, pl.ds(s * SEG_STRIDE, LANES)] = adj1[r, pl.ds(0, LANES)]
            s2buf[b, pl.ds(s * SEG_STRIDE + LANES, LANES)] = (
                adj1[r, pl.ds(LANES, LANES)])

    def build_sidx(k, b):
        for c in range(2 * SEG_PER_CHUNK):
            t = k * SEG_PER_CHUNK + c // 2
            if c % 2 == 0:
                vals = jnp.zeros((LANES,), jnp.int32) + (sbase + t)
            else:
                trash = sbase + R1 + (c // 2)
                vals = jnp.where(iot < (S2 - LANES), sbase + t, trash)
            sidxbuf[b, pl.ds(c * LANES, LANES)] = vals

    def issue_chunk(b, sem):
        pltpu.async_copy(feat_hbm.at[s2buf.at[b, pl.ds(0, ROWS_PER_CHUNK)]],
                         fbuf.at[b], sem)

    def wait_chunk(b, sem):
        pltpu.make_async_copy(
            feat_hbm.at[s2buf.at[b, pl.ds(0, ROWS_PER_CHUNK)]],
            fbuf.at[b], sem).wait()

    def chunkbody(kk, carry):
        for b in range(NB):
            k = kk * NB + b

            @pl.when(k < NCHUNK)
            def _():
                @pl.when(k >= NB)
                def _():
                    pltpu.make_async_copy(fbuf.at[b],
                                          shared.at[sidxbuf.at[b]],
                                          ssems[b]).wait()
                build_gidx(k, b)
                issue_chunk(b, gsems[b])

            kp = k - (NB - 1)
            bp = (b + 1) % NB

            @pl.when((kp >= 0) & (kp < NCHUNK))
            def _():
                wait_chunk(bp, gsems[bp])
                build_sidx(kp, bp)
                pltpu.async_copy(fbuf.at[bp], shared.at[sidxbuf.at[bp]],
                                 ssems[bp], add=True)
        return carry

    lax.fori_loop(0, (NCHUNK + NB - 1 + (NB - 1)) // NB, chunkbody, 0)
    for r in range(BPW):
        pltpu.make_async_copy(feat_hbm.at[adj0.at[r, pl.ds(0, S1)]],
                              h1rows.at[pl.ds(r * S1, S1)], sem1).wait()
    pltpu.make_async_copy(feat_hbm.at[bidx], f0rows, sem1).wait()
    pltpu.sync_copy(h1rows, h1_hbm.at[pl.ds(pl.multiple_of(wid * R1, 8), R1)])
    pltpu.sync_copy(f0rows, h0_hbm.at[pl.ds(base, BPW)])
    for b in range(NB):
        pltpu.make_async_copy(fbuf.at[b], shared.at[sidxbuf.at[b]],
                              ssems[b]).wait()
    pltpu.sync_copy(shared.at[pl.ds(sbase, R1)],
                    nm1_hbm.at[pl.ds(pl.multiple_of(wid * R1, 8), R1)])


def _sc_gather(features, adj32, batch32):
    f32 = jnp.float32
    kfn = pl.kernel(
        _sc_body,
        out_type=[
            jax.ShapeDtypeStruct((B, FEAT), f32),
            jax.ShapeDtypeStruct((B * S1, FEAT), f32),
            jax.ShapeDtypeStruct((B * S1, FEAT), f32),
        ],
        mesh=plsc.VectorSubcoreMesh(core_axis_name="c", subcore_axis_name="s",
                                    num_cores=NC, num_subcores=NS),
        scratch_types=[
            pltpu.VMEM((BPW,), jnp.int32),
            pltpu.VMEM((BPW, ADJ_PAD), jnp.int32),
            pltpu.VMEM((R1, ADJ_PAD), jnp.int32),
            pltpu.VMEM((NB, ROWS_PER_CHUNK), jnp.int32),
            pltpu.VMEM((NB, ROWS_PER_CHUNK), jnp.int32),
            pltpu.VMEM((R1, FEAT), f32),
            pltpu.VMEM((BPW, FEAT), f32),
            pltpu.VMEM((NB, ROWS_PER_CHUNK, FEAT), f32),
            pltpu.VMEM_SHARED((NS * SREG, FEAT), f32),
        ] + [pltpu.SemaphoreType.DMA] * 8,
    )
    return kfn(features, adj32, batch32)


TCBLK = 1280
TCGRID = B * S1 // TCBLK
GPB = TCBLK // S1


def _tc_body(h1g, nm1, h0g, w0bd1, w0bd0, wn1, ws1, out_ref, macc, nacc):
    i = pl.program_id(0)
    x = jnp.concatenate([h1g[...], nm1[...]], axis=1)
    h = jnp.maximum(jnp.dot(x, w0bd1[...], preferred_element_type=jnp.float32),
                    0.0)
    pblk = jnp.dot(h, wn1[...], preferred_element_type=jnp.float32)
    macc[pl.ds(i * GPB, GPB), :] = jnp.sum(
        pblk.reshape(GPB, S1, HIDDEN), axis=1)
    nacc[pl.ds(i * GPB, GPB), :] = jnp.sum(
        h1g[...].reshape(GPB, S1, FEAT), axis=1)

    @pl.when(i == TCGRID - 1)
    def _():
        x0 = jnp.concatenate([h0g[...], nacc[...]], axis=1)
        h0 = jnp.maximum(
            jnp.dot(x0, w0bd0[...], preferred_element_type=jnp.float32), 0.0)
        out = jnp.concatenate(
            [jnp.dot(h0, ws1[...], preferred_element_type=jnp.float32),
             macc[...] * (1.0 / S1)], axis=1)
        nrm = jnp.sqrt(jnp.sum(out * out, axis=1, keepdims=True))
        out_ref[...] = out / jnp.maximum(nrm, 1e-12)


def _blockdiag(wa, wb):
    z = jnp.zeros((HIDDEN, HIDDEN), jnp.float32)
    return jnp.concatenate(
        [jnp.concatenate([wa, z], axis=1),
         jnp.concatenate([z, wb], axis=1)], axis=0)


def kernel(features, w_self_0, w_neigh_0, w_self_1, w_neigh_1, adj, batch):
    adj32 = jnp.pad(adj.astype(jnp.int32), ((0, 0), (0, ADJ_PAD - 32)))
    batch32 = batch.astype(jnp.int32)
    h0g, h1g, nm1s = _sc_gather(features, adj32, batch32)

    w0bd1 = _blockdiag(w_self_0, w_neigh_0 * (1.0 / S2))
    w0bd0 = _blockdiag(w_self_0, w_neigh_0 * (1.0 / S1))

    out = pl.pallas_call(
        _tc_body,
        grid=(TCGRID,),
        in_specs=[
            pl.BlockSpec((TCBLK, FEAT), lambda i: (i, 0)),
            pl.BlockSpec((TCBLK, FEAT), lambda i: (i, 0)),
            pl.BlockSpec((B, FEAT), lambda i: (0, 0)),
            pl.BlockSpec((2 * HIDDEN, 2 * HIDDEN), lambda i: (0, 0)),
            pl.BlockSpec((2 * HIDDEN, 2 * HIDDEN), lambda i: (0, 0)),
            pl.BlockSpec((2 * HIDDEN, HIDDEN), lambda i: (0, 0)),
            pl.BlockSpec((2 * HIDDEN, HIDDEN), lambda i: (0, 0)),
        ],
        out_specs=pl.BlockSpec((B, 2 * HIDDEN), lambda i: (0, 0)),
        out_shape=jax.ShapeDtypeStruct((B, 2 * HIDDEN), jnp.float32),
        scratch_shapes=[
            pltpu.VMEM((B, HIDDEN), jnp.float32),
            pltpu.VMEM((B, FEAT), jnp.float32),
        ],
    )(h1g, nm1s, h0g, w0bd1, w0bd0, w_neigh_1, w_self_1)
    return out

# --- scband reference (transcript-rebuilt; emitter-appended) ---
"""Pipeline reference for scband-sample-and-aggregate-65068754534945 (READ-ONLY COPY).

The authoritative reference and input builder live on the scoring server;
editing this copy changes nothing except your own understanding.
"""

import jax, jax.numpy as jnp
import numpy as np

NUM_NODES = 10000
MAX_DEGREE = 32
FEAT_DIM = 128
HIDDEN = 128
BATCH = 512
NUM_SAMPLES = [25, 10]  # layer_infos[0].num_samples=25, layer_infos[1].num_samples=10


def setup_inputs(seed: int = 0) -> dict:
    key = jax.random.key(seed)
    k1, k2, k3, k4, k5, k6, k7 = jax.random.split(key, 7)
    features = jax.random.normal(k1, (NUM_NODES, FEAT_DIM), dtype=jnp.float32)
    adj = jax.random.randint(k2, (NUM_NODES, MAX_DEGREE), 0, NUM_NODES, dtype=jnp.int64)
    batch = jax.random.randint(k3, (BATCH,), 0, NUM_NODES, dtype=jnp.int64)
    # MeanAggregator weights (glorot-ish scale). Layer 0: in=128, out=128 (concat -> 256).
    # Layer 1: in=256 (dim_mult=2 because concat and layer!=0), out=128 (concat -> 256).
    s0 = 1.0 / np.sqrt(FEAT_DIM)
    s1 = 1.0 / np.sqrt(2 * HIDDEN)
    w_self_0 = jax.random.normal(k4, (FEAT_DIM, HIDDEN), dtype=jnp.float32) * s0
    w_neigh_0 = jax.random.normal(k5, (FEAT_DIM, HIDDEN), dtype=jnp.float32) * s0
    w_self_1 = jax.random.normal(k6, (2 * HIDDEN, HIDDEN), dtype=jnp.float32) * s1
    w_neigh_1 = jax.random.normal(k7, (2 * HIDDEN, HIDDEN), dtype=jnp.float32) * s1
    return {
        "features": features,
        "w_self_0": w_self_0,
        "w_neigh_0": w_neigh_0,
        "w_self_1": w_self_1,
        "w_neigh_1": w_neigh_1,
        "adj": adj,
        "batch": batch,
    }


def _mean_aggregate(self_vecs, neigh_vecs, w_self, w_neigh, act):
    # MeanAggregator: mean over sampled neighbors, two linear maps, concat (concat=True)
    neigh_means = jnp.mean(neigh_vecs, axis=1)
    from_neighs = neigh_means @ w_neigh
    from_self = self_vecs @ w_self
    out = jnp.concatenate([from_self, from_neighs], axis=1)
    return act(out)


def reference(features, w_self_0, w_neigh_0, w_self_1, w_neigh_1, adj, batch):
    # ---- sample(): uniform neighbor sampling via padded adjacency lists ----
    # k=0 -> t=1 uses layer_infos[1].num_samples = 10
    # k=1 -> t=0 uses layer_infos[0].num_samples = 25
    # support_sizes = [1, 10, 250]
    samples0 = batch                                   # [B]
    n1 = jnp.take(adj, samples0, axis=0)[:, : NUM_SAMPLES[1]]
    samples1 = n1.reshape(BATCH * NUM_SAMPLES[1])      # [B*10]
    n2 = jnp.take(adj, samples1, axis=0)[:, : NUM_SAMPLES[0]]
    samples2 = n2.reshape(BATCH * NUM_SAMPLES[1] * NUM_SAMPLES[0])  # [B*250]

    # ---- aggregate(): gather features, recursively aggregate ----
    hidden = [
        jnp.take(features, samples0, axis=0),
        jnp.take(features, samples1, axis=0),
        jnp.take(features, samples2, axis=0),
    ]

    relu = jax.nn.relu
    ident = lambda x: x

    # layer 0 (ReLU activation) over hops 0 and 1
    h0 = _mean_aggregate(
        hidden[0],
        hidden[1].reshape(BATCH, NUM_SAMPLES[1], FEAT_DIM),
        w_self_0, w_neigh_0, relu,
    )  # [B, 256]
    h1 = _mean_aggregate(
        hidden[1],
        hidden[2].reshape(BATCH * NUM_SAMPLES[1], NUM_SAMPLES[0], FEAT_DIM),
        w_self_0, w_neigh_0, relu,
    )  # [B*10, 256]

    # layer 1 (final layer: identity activation)
    out = _mean_aggregate(
        h0,
        h1.reshape(BATCH, NUM_SAMPLES[1], 2 * HIDDEN),
        w_self_1, w_neigh_1, ident,
    )  # [B, 256]

    # final l2 normalization (as in unsupervised GraphSAGE _build)
    out = out / jnp.maximum(jnp.linalg.norm(out, axis=1, keepdims=True), 1e-12)
    return out

if __name__ == "__main__":
    import jax
    _d = setup_inputs()
    print(jax.jit(kernel)(*tuple(_d.values())))

</pallas_src>

<mosaic_0001>
#map = affine_map<(d0, d1) -> (0, 0)>
#map1 = affine_map<(d0, d1) -> (0)>
module attributes {stable_mosaic.version = 14 : i64} {
  func.func @_sc_body(%arg0: i32, %arg1: i32, %arg2: memref<10000x128xf32, #tpu.memory_space<hbm>>, %arg3: memref<10000x128xi32, #tpu.memory_space<hbm>>, %arg4: memref<512xi32, #tpu.memory_space<hbm>>, %arg5: memref<512x128xf32, #tpu.memory_space<hbm>>, %arg6: memref<5120x128xf32, #tpu.memory_space<hbm>>, %arg7: memref<5120x128xf32, #tpu.memory_space<hbm>>, %arg8: memref<16xi32, #tpu.memory_space<vmem>>, %arg9: memref<16x128xi32, #tpu.memory_space<vmem>>, %arg10: memref<160x128xi32, #tpu.memory_space<vmem>>, %arg11: memref<3x128xi32, #tpu.memory_space<vmem>>, %arg12: memref<3x128xi32, #tpu.memory_space<vmem>>, %arg13: memref<160x128xf32, #tpu.memory_space<vmem>>, %arg14: memref<16x128xf32, #tpu.memory_space<vmem>>, %arg15: memref<3x128x128xf32, #tpu.memory_space<vmem>>, %arg16: memref<2624x128xf32, #tpu.memory_space<vmem_shared>>, %arg17: memref<!tpu.dma_semaphore, #tpu.memory_space<semaphore_mem>>, %arg18: memref<!tpu.dma_semaphore, #tpu.memory_space<semaphore_mem>>, %arg19: memref<!tpu.dma_semaphore, #tpu.memory_space<semaphore_mem>>, %arg20: memref<!tpu.dma_semaphore, #tpu.memory_space<semaphore_mem>>, %arg21: memref<!tpu.dma_semaphore, #tpu.memory_space<semaphore_mem>>, %arg22: memref<!tpu.dma_semaphore, #tpu.memory_space<semaphore_mem>>, %arg23: memref<!tpu.dma_semaphore, #tpu.memory_space<semaphore_mem>>, %arg24: memref<!tpu.dma_semaphore, #tpu.memory_space<semaphore_mem>>) attributes {dimension_semantics = [#tpu.dimension_semantics<core_parallel>, #tpu.dimension_semantics<subcore_parallel>], iteration_bounds = array<i64: 2, 16>, scalar_prefetch = 0 : i64, scratch_operands = 17 : i64, tpu.core_type = #tpu.core_type<sc_vector_subcore>, window_params = [{transform_indices = #map}, {transform_indices = #map}, {transform_indices = #map1}, {transform_indices = #map}, {transform_indices = #map}, {transform_indices = #map}]} {
    %mul3A = arith.constant 2 : i32
    %mul3A_0 = arith.muli %arg1, %mul3A : i32
    %add3A = arith.addi %mul3A_0, %arg0 : i32
    %mul3A_1 = arith.constant 16 : i32
    %mul3A_2 = arith.muli %add3A, %mul3A_1 : i32
    %multiple_of3A = tpu.assume_multiple %mul3A_2, 8 : i32
    %mul3A_3 = arith.constant 164 : i32
    %mul3A_4 = arith.muli %arg1, %mul3A_3 : i32
    %iota3A = tpu.iota {dimensions = array<i32: 0>} : vector<16xi32>
    "tpu.region"() ({
      %run_scoped3A_711 = tpu.sem_alloc : memref<!tpu.dma_semaphore, #tpu.memory_space<semaphore_mem>>
      %dma_start3A_712 = tpu.memref_slice %arg4[%multiple_of3A] : memref<512xi32, #tpu.memory_space<hbm>> -> memref<16xi32, #tpu.memory_space<hbm>>
      %dma_start3A_713 = tpu.memref_slice %arg4[%multiple_of3A] : memref<512xi32, #tpu.memory_space<hbm>> -> memref<16xi32, #tpu.memory_space<hbm>>
      tpu.enqueue_dma source(%dma_start3A_713 : memref<16xi32, #tpu.memory_space<hbm>>) target(%arg8 : memref<16xi32, #tpu.memory_space<vmem>>) target_semaphore(%run_scoped3A_711 : memref<!tpu.dma_semaphore, #tpu.memory_space<semaphore_mem>>)
      %dma_wait3A_714 = tpu.memref_slice %arg4[%multiple_of3A] : memref<512xi32, #tpu.memory_space<hbm>> -> memref<16xi32, #tpu.memory_space<hbm>>
      %dma_wait3A_715 = tpu.memref_slice %arg4[%multiple_of3A] : memref<512xi32, #tpu.memory_space<hbm>> -> memref<16xi32, #tpu.memory_space<hbm>>
      tpu.wait_dma2 semaphore(%run_scoped3A_711 : memref<!tpu.dma_semaphore, #tpu.memory_space<semaphore_mem>>) src(%dma_wait3A_715 : memref<16xi32, #tpu.memory_space<hbm>>) dst(%arg8 : memref<16xi32, #tpu.memory_space<vmem>>)
      tpu.yield
    }) : () -> ()
    %dma_start3A = arith.constant 0 : i32
    %dma_start3A_5 = arith.constant 0 : i32
    %dma_start3A_6 = tpu.memref_slice %arg3[%dma_start3A, %dma_start3A_5] : memref<10000x128xi32, #tpu.memory_space<hbm>> -> memref<10000x128xi32, #tpu.memory_space<hbm>>
    tpu.enqueue_indirect_dma source(%dma_start3A_6 : memref<10000x128xi32, #tpu.memory_space<hbm>>) target(%arg9 : memref<16x128xi32, #tpu.memory_space<vmem>>) offsets(%arg8 : memref<16xi32, #tpu.memory_space<vmem>>) semaphore(%arg17 : memref<!tpu.dma_semaphore, #tpu.memory_space<semaphore_mem>>)
    %dma_wait3A = arith.constant 0 : i32
    %dma_wait3A_7 = arith.constant 0 : i32
    %dma_wait3A_8 = tpu.memref_slice %arg3[%dma_wait3A, %dma_wait3A_7] : memref<10000x128xi32, #tpu.memory_space<hbm>> -> memref<10000x128xi32, #tpu.memory_space<hbm>>
    tpu.wait_indirect_dma semaphore(%arg17 : memref<!tpu.dma_semaphore, #tpu.memory_space<semaphore_mem>>) src(%dma_wait3A_8 : memref<10000x128xi32, #tpu.memory_space<hbm>>) dst(%arg9 : memref<16x128xi32, #tpu.memory_space<vmem>>)
    %dma_start3A_9 = arith.constant 0 : i32
    %dma_start3A_10 = arith.constant 0 : i32
    %dma_start3A_11 = arith.constant 0 : i32
    %dma_start3A_12 = tpu.memref_slice %arg13[%dma_start3A_10, %dma_start3A_11] : memref<160x128xf32, #tpu.memory_space<vmem>> -> memref<10x128xf32, #tpu.memory_space<vmem>>
    %dma_start3A_13 = arith.constant 0 : i32
    %dma_start3A_14 = tpu.memref_slice %arg9[%dma_start3A_9, %dma_start3A_13] : memref<16x128xi32, #tpu.memory_space<vmem>> -> memref<1x10xi32, #tpu.memory_space<vmem>>
    %dma_start3A_15 = tpu.memref_squeeze %dma_start3A_14 : memref<1x10xi32, #tpu.memory_space<vmem>> -> memref<10xi32, #tpu.memory_space<vmem>>
    %dma_start3A_16 = arith.constant 0 : i32
    %dma_start3A_17 = arith.constant 0 : i32
    %dma_start3A_18 = tpu.memref_slice %arg2[%dma_start3A_16, %dma_start3A_17] : memref<10000x128xf32, #tpu.memory_space<hbm>> -> memref<10000x128xf32, #tpu.memory_space<hbm>>
    tpu.enqueue_indirect_dma source(%dma_start3A_18 : memref<10000x128xf32, #tpu.memory_space<hbm>>) target(%dma_start3A_12 : memref<10x128xf32, #tpu.memory_space<vmem>>) offsets(%dma_start3A_15 : memref<10xi32, #tpu.memory_space<vmem>>) semaphore(%arg18 : memref<!tpu.dma_semaphore, #tpu.memory_space<semaphore_mem>>)
    %dma_start3A_19 = arith.constant 0 : i32
    %dma_start3A_20 = arith.constant 0 : i32
    %dma_start3A_21 = arith.constant 0 : i32
    %dma_start3A_22 = tpu.memref_slice %arg10[%dma_start3A_20, %dma_start3A_21] : memref<160x128xi32, #tpu.memory_space<vmem>> -> memref<10x128xi32, #tpu.memory_space<vmem>>
    %dma_start3A_23 = arith.constant 0 : i32
    %dma_start3A_24 = tpu.memref_slice %arg9[%dma_start3A_19, %dma_start3A_23] : memref<16x128xi32, #tpu.memory_space<vmem>> -> memref<1x10xi32, #tpu.memory_space<vmem>>
    %dma_start3A_25 = tpu.memref_squeeze %dma_start3A_24 : memref<1x10xi32, #tpu.memory_space<vmem>> -> memref<10xi32, #tpu.memory_space<vmem>>
    %dma_start3A_26 = arith.constant 0 : i32
    %dma_start3A_27 = arith.constant 0 : i32
    %dma_start3A_28 = tpu.memref_slice %arg3[%dma_start3A_26, %dma_start3A_27] : memref<10000x128xi32, #tpu.memory_space<hbm>> -> memref<10000x128xi32, #tpu.memory_space<hbm>>
    tpu.enqueue_indirect_dma source(%dma_start3A_28 : memref<10000x128xi32, #tpu.memory_space<hbm>>) target(%dma_start3A_22 : memref<10x128xi32, #tpu.memory_space<vmem>>) offsets(%dma_start3A_25 : memref<10xi32, #tpu.memory_space<vmem>>) semaphore(%arg17 : memref<!tpu.dma_semaphore, #tpu.memory_space<semaphore_mem>>)
    %dma_start3A_29 = arith.constant 1 : i32
    %dma_start3A_30 = arith.constant 10 : i32
    %dma_start3A_31 = arith.constant 0 : i32
    %dma_start3A_32 = tpu.memref_slice %arg13[%dma_start3A_30, %dma_start3A_31] : memref<160x128xf32, #tpu.memory_space<vmem>> -> memref<10x128xf32, #tpu.memory_space<vmem>>
    %dma_start3A_33 = arith.constant 0 : i32
    %dma_start3A_34 = tpu.memref_slice %arg9[%dma_start3A_29, %dma_start3A_33] : memref<16x128xi32, #tpu.memory_space<vmem>> -> memref<1x10xi32, #tpu.memory_space<vmem>>
    %dma_start3A_35 = tpu.memref_squeeze %dma_start3A_34 : memref<1x10xi32, #tpu.memory_space<vmem>> -> memref<10xi32, #tpu.memory_space<vmem>>
    %dma_start3A_36 = arith.constant 0 : i32
    %dma_start3A_37 = arith.constant 0 : i32
    %dma_start3A_38 = tpu.memref_slice %arg2[%dma_start3A_36, %dma_start3A_37] : memref<10000x128xf32, #tpu.memory_space<hbm>> -> memref<10000x128xf32, #tpu.memory_space<hbm>>
    tpu.enqueue_indirect_dma source(%dma_start3A_38 : memref<10000x128xf32, #tpu.memory_space<hbm>>) target(%dma_start3A_32 : memref<10x128xf32, #tpu.memory_space<vmem>>) offsets(%dma_start3A_35 : memref<10xi32, #tpu.memory_space<vmem>>) semaphore(%arg18 : memref<!tpu.dma_semaphore, #tpu.memory_space<semaphore_mem>>)
    %dma_start3A_39 = arith.constant 1 : i32
    %dma_start3A_40 = arith.constant 10 : i32
    %dma_start3A_41 = arith.constant 0 : i32
    %dma_start3A_42 = tpu.memref_slice %arg10[%dma_start3A_40, %dma_start3A_41] : memref<160x128xi32, #tpu.memory_space<vmem>> -> memref<10x128xi32, #tpu.memory_space<vmem>>
    %dma_start3A_43 = arith.constant 0 : i32
    %dma_start3A_44 = tpu.memref_slice %arg9[%dma_start3A_39, %dma_start3A_43] : memref<16x128xi32, #tpu.memory_space<vmem>> -> memref<1x10xi32, #tpu.memory_space<vmem>>
    %dma_start3A_45 = tpu.memref_squeeze %dma_start3A_44 : memref<1x10xi32, #tpu.memory_space<vmem>> -> memref<10xi32, #tpu.memory_space<vmem>>
    %dma_start3A_46 = arith.constant 0 : i32
    %dma_start3A_47 = arith.constant 0 : i32
    %dma_start3A_48 = tpu.memref_slice %arg3[%dma_start3A_46, %dma_start3A_47] : memref<10000x128xi32, #tpu.memory_space<hbm>> -> memref<10000x128xi32, #tpu.memory_space<hbm>>
    tpu.enqueue_indirect_dma source(%dma_start3A_48 : memref<10000x128xi32, #tpu.memory_space<hbm>>) target(%dma_start3A_42 : memref<10x128xi32, #tpu.memory_space<vmem>>) offsets(%dma_start3A_45 : memref<10xi32, #tpu.memory_space<vmem>>) semaphore(%arg17 : memref<!tpu.dma_semaphore, #tpu.memory_space<semaphore_mem>>)
    %dma_start3A_49 = arith.constant 2 : i32
    %dma_start3A_50 = arith.constant 20 : i32
    %dma_start3A_51 = arith.constant 0 : i32
    %dma_start3A_52 = tpu.memref_slice %arg13[%dma_start3A_50, %dma_start3A_51] : memref<160x128xf32, #tpu.memory_space<vmem>> -> memref<10x128xf32, #tpu.memory_space<vmem>>
    %dma_start3A_53 = arith.constant 0 : i32
    %dma_start3A_54 = tpu.memref_slice %arg9[%dma_start3A_49, %dma_start3A_53] : memref<16x128xi32, #tpu.memory_space<vmem>> -> memref<1x10xi32, #tpu.memory_space<vmem>>
    %dma_start3A_55 = tpu.memref_squeeze %dma_start3A_54 : memref<1x10xi32, #tpu.memory_space<vmem>> -> memref<10xi32, #tpu.memory_space<vmem>>
    %dma_start3A_56 = arith.constant 0 : i32
    %dma_start3A_57 = arith.constant 0 : i32
    %dma_start3A_58 = tpu.memref_slice %arg2[%dma_start3A_56, %dma_start3A_57] : memref<10000x128xf32, #tpu.memory_space<hbm>> -> memref<10000x128xf32, #tpu.memory_space<hbm>>
    tpu.enqueue_indirect_dma source(%dma_start3A_58 : memref<10000x128xf32, #tpu.memory_space<hbm>>) target(%dma_start3A_52 : memref<10x128xf32, #tpu.memory_space<vmem>>) offsets(%dma_start3A_55 : memref<10xi32, #tpu.memory_space<vmem>>) semaphore(%arg18 : memref<!tpu.dma_semaphore, #tpu.memory_space<semaphore_mem>>)
    %dma_start3A_59 = arith.constant 2 : i32
    %dma_start3A_60 = arith.constant 20 : i32
    %dma_start3A_61 = arith.constant 0 : i32
    %dma_start3A_62 = tpu.memref_slice %arg10[%dma_start3A_60, %dma_start3A_61] : memref<160x128xi32, #tpu.memory_space<vmem>> -> memref<10x128xi32, #tpu.memory_space<vmem>>
    %dma_start3A_63 = arith.constant 0 : i32
    %dma_start3A_64 = tpu.memref_slice %arg9[%dma_start3A_59, %dma_start3A_63] : memref<16x128xi32, #tpu.memory_space<vmem>> -> memref<1x10xi32, #tpu.memory_space<vmem>>
    %dma_start3A_65 = tpu.memref_squeeze %dma_start3A_64 : memref<1x10xi32, #tpu.memory_space<vmem>> -> memref<10xi32, #tpu.memory_space<vmem>>
    %dma_start3A_66 = arith.constant 0 : i32
    %dma_start3A_67 = arith.constant 0 : i32
    %dma_start3A_68 = tpu.memref_slice %arg3[%dma_start3A_66, %dma_start3A_67] : memref<10000x128xi32, #tpu.memory_space<hbm>> -> memref<10000x128xi32, #tpu.memory_space<hbm>>
    tpu.enqueue_indirect_dma source(%dma_start3A_68 : memref<10000x128xi32, #tpu.memory_space<hbm>>) target(%dma_start3A_62 : memref<10x128xi32, #tpu.memory_space<vmem>>) offsets(%dma_start3A_65 : memref<10xi32, #tpu.memory_space<vmem>>) semaphore(%arg17 : memref<!tpu.dma_semaphore, #tpu.memory_space<semaphore_mem>>)
    %dma_start3A_69 = arith.constant 3 : i32
    %dma_start3A_70 = arith.constant 30 : i32
    %dma_start3A_71 = arith.constant 0 : i32
    %dma_start3A_72 = tpu.memref_slice %arg13[%dma_start3A_70, %dma_start3A_71] : memref<160x128xf32, #tpu.memory_space<vmem>> -> memref<10x128xf32, #tpu.memory_space<vmem>>
    %dma_start3A_73 = arith.constant 0 : i32
    %dma_start3A_74 = tpu.memref_slice %arg9[%dma_start3A_69, %dma_start3A_73] : memref<16x128xi32, #tpu.memory_space<vmem>> -> memref<1x10xi32, #tpu.memory_space<vmem>>
    %dma_start3A_75 = tpu.memref_squeeze %dma_start3A_74 : memref<1x10xi32, #tpu.memory_space<vmem>> -> memref<10xi32, #tpu.memory_space<vmem>>
    %dma_start3A_76 = arith.constant 0 : i32
    %dma_start3A_77 = arith.constant 0 : i32
    %dma_start3A_78 = tpu.memref_slice %arg2[%dma_start3A_76, %dma_start3A_77] : memref<10000x128xf32, #tpu.memory_space<hbm>> -> memref<10000x128xf32, #tpu.memory_space<hbm>>
    tpu.enqueue_indirect_dma source(%dma_start3A_78 : memref<10000x128xf32, #tpu.memory_space<hbm>>) target(%dma_start3A_72 : memref<10x128xf32, #tpu.memory_space<vmem>>) offsets(%dma_start3A_75 : memref<10xi32, #tpu.memory_space<vmem>>) semaphore(%arg18 : memref<!tpu.dma_semaphore, #tpu.memory_space<semaphore_mem>>)
    %dma_start3A_79 = arith.constant 3 : i32
    %dma_start3A_80 = arith.constant 30 : i32
    %dma_start3A_81 = arith.constant 0 : i32
    %dma_start3A_82 = tpu.memref_slice %arg10[%dma_start3A_80, %dma_start3A_81] : memref<160x128xi32, #tpu.memory_space<vmem>> -> memref<10x128xi32, #tpu.memory_space<vmem>>
    %dma_start3A_83 = arith.constant 0 : i32
    %dma_start3A_84 = tpu.memref_slice %arg9[%dma_start3A_79, %dma_start3A_83] : memref<16x128xi32, #tpu.memory_space<vmem>> -> memref<1x10xi32, #tpu.memory_space<vmem>>
    %dma_start3A_85 = tpu.memref_squeeze %dma_start3A_84 : memref<1x10xi32, #tpu.memory_space<vmem>> -> memref<10xi32, #tpu.memory_space<vmem>>
    %dma_start3A_86 = arith.constant 0 : i32
    %dma_start3A_87 = arith.constant 0 : i32
    %dma_start3A_88 = tpu.memref_slice %arg3[%dma_start3A_86, %dma_start3A_87] : memref<10000x128xi32, #tpu.memory_space<hbm>> -> memref<10000x128xi32, #tpu.memory_space<hbm>>
    tpu.enqueue_indirect_dma source(%dma_start3A_88 : memref<10000x128xi32, #tpu.memory_space<hbm>>) target(%dma_start3A_82 : memref<10x128xi32, #tpu.memory_space<vmem>>) offsets(%dma_start3A_85 : memref<10xi32, #tpu.memory_space<vmem>>) semaphore(%arg17 : memref<!tpu.dma_semaphore, #tpu.memory_space<semaphore_mem>>)
    %dma_start3A_89 = arith.constant 4 : i32
    %dma_start3A_90 = arith.constant 40 : i32
    %dma_start3A_91 = arith.constant 0 : i32
    %dma_start3A_92 = tpu.memref_slice %arg13[%dma_start3A_90, %dma_start3A_91] : memref<160x128xf32, #tpu.memory_space<vmem>> -> memref<10x128xf32, #tpu.memory_space<vmem>>
    %dma_start3A_93 = arith.constant 0 : i32
    %dma_start3A_94 = tpu.memref_slice %arg9[%dma_start3A_89, %dma_start3A_93] : memref<16x128xi32, #tpu.memory_space<vmem>> -> memref<1x10xi32, #tpu.memory_space<vmem>>
    %dma_start3A_95 = tpu.memref_squeeze %dma_start3A_94 : memref<1x10xi32, #tpu.memory_space<vmem>> -> memref<10xi32, #tpu.memory_space<vmem>>
    %dma_start3A_96 = arith.constant 0 : i32
    %dma_start3A_97 = arith.constant 0 : i32
    %dma_start3A_98 = tpu.memref_slice %arg2[%dma_start3A_96, %dma_start3A_97] : memref<10000x128xf32, #tpu.memory_space<hbm>> -> memref<10000x128xf32, #tpu.memory_space<hbm>>
    tpu.enqueue_indirect_dma source(%dma_start3A_98 : memref<10000x128xf32, #tpu.memory_space<hbm>>) target(%dma_start3A_92 : memref<10x128xf32, #tpu.memory_space<vmem>>) offsets(%dma_start3A_95 : memref<10xi32, #tpu.memory_space<vmem>>) semaphore(%arg18 : memref<!tpu.dma_semaphore, #tpu.memory_space<semaphore_mem>>)
    %dma_start3A_99 = arith.constant 4 : i32
    %dma_start3A_100 = arith.constant 40 : i32
    %dma_start3A_101 = arith.constant 0 : i32
    %dma_start3A_102 = tpu.memref_slice %arg10[%dma_start3A_100, %dma_start3A_101] : memref<160x128xi32, #tpu.memory_space<vmem>> -> memref<10x128xi32, #tpu.memory_space<vmem>>
    %dma_start3A_103 = arith.constant 0 : i32
    %dma_start3A_104 = tpu.memref_slice %arg9[%dma_start3A_99, %dma_start3A_103] : memref<16x128xi32, #tpu.memory_space<vmem>> -> memref<1x10xi32, #tpu.memory_space<vmem>>
    %dma_start3A_105 = tpu.memref_squeeze %dma_start3A_104 : memref<1x10xi32, #tpu.memory_space<vmem>> -> memref<10xi32, #tpu.memory_space<vmem>>
    %dma_start3A_106 = arith.constant 0 : i32
    %dma_start3A_107 = arith.constant 0 : i32
    %dma_start3A_108 = tpu.memref_slice %arg3[%dma_start3A_106, %dma_start3A_107] : memref<10000x128xi32, #tpu.memory_space<hbm>> -> memref<10000x128xi32, #tpu.memory_space<hbm>>
    tpu.enqueue_indirect_dma source(%dma_start3A_108 : memref<10000x128xi32, #tpu.memory_space<hbm>>) target(%dma_start3A_102 : memref<10x128xi32, #tpu.memory_space<vmem>>) offsets(%dma_start3A_105 : memref<10xi32, #tpu.memory_space<vmem>>) semaphore(%arg17 : memref<!tpu.dma_semaphore, #tpu.memory_space<semaphore_mem>>)
    %dma_start3A_109 = arith.constant 5 : i32
    %dma_start3A_110 = arith.constant 50 : i32
    %dma_start3A_111 = arith.constant 0 : i32
    %dma_start3A_112 = tpu.memref_slice %arg13[%dma_start3A_110, %dma_start3A_111] : memref<160x128xf32, #tpu.memory_space<vmem>> -> memref<10x128xf32, #tpu.memory_space<vmem>>
    %dma_start3A_113 = arith.constant 0 : i32
    %dma_start3A_114 = tpu.memref_slice %arg9[%dma_start3A_109, %dma_start3A_113] : memref<16x128xi32, #tpu.memory_space<vmem>> -> memref<1x10xi32, #tpu.memory_space<vmem>>
    %dma_start3A_115 = tpu.memref_squeeze %dma_start3A_114 : memref<1x10xi32, #tpu.memory_space<vmem>> -> memref<10xi32, #tpu.memory_space<vmem>>
    %dma_start3A_116 = arith.constant 0 : i32
    %dma_start3A_117 = arith.constant 0 : i32
    %dma_start3A_118 = tpu.memref_slice %arg2[%dma_start3A_116, %dma_start3A_117] : memref<10000x128xf32, #tpu.memory_space<hbm>> -> memref<10000x128xf32, #tpu.memory_space<hbm>>
    tpu.enqueue_indirect_dma source(%dma_start3A_118 : memref<10000x128xf32, #tpu.memory_space<hbm>>) target(%dma_start3A_112 : memref<10x128xf32, #tpu.memory_space<vmem>>) offsets(%dma_start3A_115 : memref<10xi32, #tpu.memory_space<vmem>>) semaphore(%arg18 : memref<!tpu.dma_semaphore, #tpu.memory_space<semaphore_mem>>)
    %dma_start3A_119 = arith.constant 5 : i32
    %dma_start3A_120 = arith.constant 50 : i32
    %dma_start3A_121 = arith.constant 0 : i32
    %dma_start3A_122 = tpu.memref_slice %arg10[%dma_start3A_120, %dma_start3A_121] : memref<160x128xi32, #tpu.memory_space<vmem>> -> memref<10x128xi32, #tpu.memory_space<vmem>>
    %dma_start3A_123 = arith.constant 0 : i32
    %dma_start3A_124 = tpu.memref_slice %arg9[%dma_start3A_119, %dma_start3A_123] : memref<16x128xi32, #tpu.memory_space<vmem>> -> memref<1x10xi32, #tpu.memory_space<vmem>>
    %dma_start3A_125 = tpu.memref_squeeze %dma_start3A_124 : memref<1x10xi32, #tpu.memory_space<vmem>> -> memref<10xi32, #tpu.memory_space<vmem>>
    %dma_start3A_126 = arith.constant 0 : i32
    %dma_start3A_127 = arith.constant 0 : i32
    %dma_start3A_128 = tpu.memref_slice %arg3[%dma_start3A_126, %dma_start3A_127] : memref<10000x128xi32, #tpu.memory_space<hbm>> -> memref<10000x128xi32, #tpu.memory_space<hbm>>
    tpu.enqueue_indirect_dma source(%dma_start3A_128 : memref<10000x128xi32, #tpu.memory_space<hbm>>) target(%dma_start3A_122 : memref<10x128xi32, #tpu.memory_space<vmem>>) offsets(%dma_start3A_125 : memref<10xi32, #tpu.memory_space<vmem>>) semaphore(%arg17 : memref<!tpu.dma_semaphore, #tpu.memory_space<semaphore_mem>>)
    %dma_start3A_129 = arith.constant 6 : i32
    %dma_start3A_130 = arith.constant 60 : i32
    %dma_start3A_131 = arith.constant 0 : i32
    %dma_start3A_132 = tpu.memref_slice %arg13[%dma_start3A_130, %dma_start3A_131] : memref<160x128xf32, #tpu.memory_space<vmem>> -> memref<10x128xf32, #tpu.memory_space<vmem>>
    %dma_start3A_133 = arith.constant 0 : i32
    %dma_start3A_134 = tpu.memref_slice %arg9[%dma_start3A_129, %dma_start3A_133] : memref<16x128xi32, #tpu.memory_space<vmem>> -> memref<1x10xi32, #tpu.memory_space<vmem>>
    %dma_start3A_135 = tpu.memref_squeeze %dma_start3A_134 : memref<1x10xi32, #tpu.memory_space<vmem>> -> memref<10xi32, #tpu.memory_space<vmem>>
    %dma_start3A_136 = arith.constant 0 : i32
    %dma_start3A_137 = arith.constant 0 : i32
    %dma_start3A_138 = tpu.memref_slice %arg2[%dma_start3A_136, %dma_start3A_137] : memref<10000x128xf32, #tpu.memory_space<hbm>> -> memref<10000x128xf32, #tpu.memory_space<hbm>>
    tpu.enqueue_indirect_dma source(%dma_start3A_138 : memref<10000x128xf32, #tpu.memory_space<hbm>>) target(%dma_start3A_132 : memref<10x128xf32, #tpu.memory_space<vmem>>) offsets(%dma_start3A_135 : memref<10xi32, #tpu.memory_space<vmem>>) semaphore(%arg18 : memref<!tpu.dma_semaphore, #tpu.memory_space<semaphore_mem>>)
    %dma_start3A_139 = arith.constant 6 : i32
    %dma_start3A_140 = arith.constant 60 : i32
    %dma_start3A_141 = arith.constant 0 : i32
    %dma_start3A_142 = tpu.memref_slice %arg10[%dma_start3A_140, %dma_start3A_141] : memref<160x128xi32, #tpu.memory_space<vmem>> -> memref<10x128xi32, #tpu.memory_space<vmem>>
    %dma_start3A_143 = arith.constant 0 : i32
    %dma_start3A_144 = tpu.memref_slice %arg9[%dma_start3A_139, %dma_start3A_143] : memref<16x128xi32, #tpu.memory_space<vmem>> -> memref<1x10xi32, #tpu.memory_space<vmem>>
    %dma_start3A_145 = tpu.memref_squeeze %dma_start3A_144 : memref<1x10xi32, #tpu.memory_space<vmem>> -> memref<10xi32, #tpu.memory_space<vmem>>
    %dma_start3A_146 = arith.constant 0 : i32
    %dma_start3A_147 = arith.constant 0 : i32
    %dma_start3A_148 = tpu.memref_slice %arg3[%dma_start3A_146, %dma_start3A_147] : memref<10000x128xi32, #tpu.memory_space<hbm>> -> memref<10000x128xi32, #tpu.memory_space<hbm>>
    tpu.enqueue_indirect_dma source(%dma_start3A_148 : memref<10000x128xi32, #tpu.memory_space<hbm>>) target(%dma_start3A_142 : memref<10x128xi32, #tpu.memory_space<vmem>>) offsets(%dma_start3A_145 : memref<10xi32, #tpu.memory_space<vmem>>) semaphore(%arg17 : memref<!tpu.dma_semaphore, #tpu.memory_space<semaphore_mem>>)
    %dma_start3A_149 = arith.constant 7 : i32
    %dma_start3A_150 = arith.constant 70 : i32
    %dma_start3A_151 = arith.constant 0 : i32
    %dma_start3A_152 = tpu.memref_slice %arg13[%dma_start3A_150, %dma_start3A_151] : memref<160x128xf32, #tpu.memory_space<vmem>> -> memref<10x128xf32, #tpu.memory_space<vmem>>
    %dma_start3A_153 = arith.constant 0 : i32
    %dma_start3A_154 = tpu.memref_slice %arg9[%dma_start3A_149, %dma_start3A_153] : memref<16x128xi32, #tpu.memory_space<vmem>> -> memref<1x10xi32, #tpu.memory_space<vmem>>
    %dma_start3A_155 = tpu.memref_squeeze %dma_start3A_154 : memref<1x10xi32, #tpu.memory_space<vmem>> -> memref<10xi32, #tpu.memory_space<vmem>>
    %dma_start3A_156 = arith.constant 0 : i32
    %dma_start3A_157 = arith.constant 0 : i32
    %dma_start3A_158 = tpu.memref_slice %arg2[%dma_start3A_156, %dma_start3A_157] : memref<10000x128xf32, #tpu.memory_space<hbm>> -> memref<10000x128xf32, #tpu.memory_space<hbm>>
    tpu.enqueue_indirect_dma source(%dma_start3A_158 : memref<10000x128xf32, #tpu.memory_space<hbm>>) target(%dma_start3A_152 : memref<10x128xf32, #tpu.memory_space<vmem>>) offsets(%dma_start3A_155 : memref<10xi32, #tpu.memory_space<vmem>>) semaphore(%arg18 : memref<!tpu.dma_semaphore, #tpu.memory_space<semaphore_mem>>)
    %dma_start3A_159 = arith.constant 7 : i32
    %dma_start3A_160 = arith.constant 70 : i32
    %dma_start3A_161 = arith.constant 0 : i32
    %dma_start3A_162 = tpu.memref_slice %arg10[%dma_start3A_160, %dma_start3A_161] : memref<160x128xi32, #tpu.memory_space<vmem>> -> memref<10x128xi32, #tpu.memory_space<vmem>>
    %dma_start3A_163 = arith.constant 0 : i32
    %dma_start3A_164 = tpu.memref_slice %arg9[%dma_start3A_159, %dma_start3A_163] : memref<16x128xi32, #tpu.memory_space<vmem>> -> memref<1x10xi32, #tpu.memory_space<vmem>>
    %dma_start3A_165 = tpu.memref_squeeze %dma_start3A_164 : memref<1x10xi32, #tpu.memory_space<vmem>> -> memref<10xi32, #tpu.memory_space<vmem>>
    %dma_start3A_166 = arith.constant 0 : i32
    %dma_start3A_167 = arith.constant 0 : i32
    %dma_start3A_168 = tpu.memref_slice %arg3[%dma_start3A_166, %dma_start3A_167] : memref<10000x128xi32, #tpu.memory_space<hbm>> -> memref<10000x128xi32, #tpu.memory_space<hbm>>
    tpu.enqueue_indirect_dma source(%dma_start3A_168 : memref<10000x128xi32, #tpu.memory_space<hbm>>) target(%dma_start3A_162 : memref<10x128xi32, #tpu.memory_space<vmem>>) offsets(%dma_start3A_165 : memref<10xi32, #tpu.memory_space<vmem>>) semaphore(%arg17 : memref<!tpu.dma_semaphore, #tpu.memory_space<semaphore_mem>>)
    %dma_start3A_169 = arith.constant 8 : i32
    %dma_start3A_170 = arith.constant 80 : i32
    %dma_start3A_171 = arith.constant 0 : i32
    %dma_start3A_172 = tpu.memref_slice %arg13[%dma_start3A_170, %dma_start3A_171] : memref<160x128xf32, #tpu.memory_space<vmem>> -> memref<10x128xf32, #tpu.memory_space<vmem>>
    %dma_start3A_173 = arith.constant 0 : i32
    %dma_start3A_174 = tpu.memref_slice %arg9[%dma_start3A_169, %dma_start3A_173] : memref<16x128xi32, #tpu.memory_space<vmem>> -> memref<1x10xi32, #tpu.memory_space<vmem>>
    %dma_start3A_175 = tpu.memref_squeeze %dma_start3A_174 : memref<1x10xi32, #tpu.memory_space<vmem>> -> memref<10xi32, #tpu.memory_space<vmem>>
    %dma_start3A_176 = arith.constant 0 : i32
    %dma_start3A_177 = arith.constant 0 : i32
    %dma_start3A_178 = tpu.memref_slice %arg2[%dma_start3A_176, %dma_start3A_177] : memref<10000x128xf32, #tpu.memory_space<hbm>> -> memref<10000x128xf32, #tpu.memory_space<hbm>>
    tpu.enqueue_indirect_dma source(%dma_start3A_178 : memref<10000x128xf32, #tpu.memory_space<hbm>>) target(%dma_start3A_172 : memref<10x128xf32, #tpu.memory_space<vmem>>) offsets(%dma_start3A_175 : memref<10xi32, #tpu.memory_space<vmem>>) semaphore(%arg18 : memref<!tpu.dma_semaphore, #tpu.memory_space<semaphore_mem>>)
    %dma_start3A_179 = arith.constant 8 : i32
    %dma_start3A_180 = arith.constant 80 : i32
    %dma_start3A_181 = arith.constant 0 : i32
    %dma_start3A_182 = tpu.memref_slice %arg10[%dma_start3A_180, %dma_start3A_181] : memref<160x128xi32, #tpu.memory_space<vmem>> -> memref<10x128xi32, #tpu.memory_space<vmem>>
    %dma_start3A_183 = arith.constant 0 : i32
    %dma_start3A_184 = tpu.memref_slice %arg9[%dma_start3A_179, %dma_start3A_183] : memref<16x128xi32, #tpu.memory_space<vmem>> -> memref<1x10xi32, #tpu.memory_space<vmem>>
    %dma_start3A_185 = tpu.memref_squeeze %dma_start3A_184 : memref<1x10xi32, #tpu.memory_space<vmem>> -> memref<10xi32, #tpu.memory_space<vmem>>
    %dma_start3A_186 = arith.constant 0 : i32
    %dma_start3A_187 = arith.constant 0 : i32
    %dma_start3A_188 = tpu.memref_slice %arg3[%dma_start3A_186, %dma_start3A_187] : memref<10000x128xi32, #tpu.memory_space<hbm>> -> memref<10000x128xi32, #tpu.memory_space<hbm>>
    tpu.enqueue_indirect_dma source(%dma_start3A_188 : memref<10000x128xi32, #tpu.memory_space<hbm>>) target(%dma_start3A_182 : memref<10x128xi32, #tpu.memory_space<vmem>>) offsets(%dma_start3A_185 : memref<10xi32, #tpu.memory_space<vmem>>) semaphore(%arg17 : memref<!tpu.dma_semaphore, #tpu.memory_space<semaphore_mem>>)
    %dma_start3A_189 = arith.constant 9 : i32
    %dma_start3A_190 = arith.constant 90 : i32
    %dma_start3A_191 = arith.constant 0 : i32
    %dma_start3A_192 = tpu.memref_slice %arg13[%dma_start3A_190, %dma_start3A_191] : memref<160x128xf32, #tpu.memory_space<vmem>> -> memref<10x128xf32, #tpu.memory_space<vmem>>
    %dma_start3A_193 = arith.constant 0 : i32
    %dma_start3A_194 = tpu.memref_slice %arg9[%dma_start3A_189, %dma_start3A_193] : memref<16x128xi32, #tpu.memory_space<vmem>> -> memref<1x10xi32, #tpu.memory_space<vmem>>
    %dma_start3A_195 = tpu.memref_squeeze %dma_start3A_194 : memref<1x10xi32, #tpu.memory_space<vmem>> -> memref<10xi32, #tpu.memory_space<vmem>>
    %dma_start3A_196 = arith.constant 0 : i32
    %dma_start3A_197 = arith.constant 0 : i32
    %dma_start3A_198 = tpu.memref_slice %arg2[%dma_start3A_196, %dma_start3A_197] : memref<10000x128xf32, #tpu.memory_space<hbm>> -> memref<10000x128xf32, #tpu.memory_space<hbm>>
    tpu.enqueue_indirect_dma source(%dma_start3A_198 : memref<10000x128xf32, #tpu.memory_space<hbm>>) target(%dma_start3A_192 : memref<10x128xf32, #tpu.memory_space<vmem>>) offsets(%dma_start3A_195 : memref<10xi32, #tpu.memory_space<vmem>>) semaphore(%arg18 : memref<!tpu.dma_semaphore, #tpu.memory_space<semaphore_mem>>)
    %dma_start3A_199 = arith.constant 9 : i32
    %dma_start3A_200 = arith.constant 90 : i32
    %dma_start3A_201 = arith.constant 0 : i32
    %dma_start3A_202 = tpu.memref_slice %arg10[%dma_start3A_200, %dma_start3A_201] : memref<160x128xi32, #tpu.memory_space<vmem>> -> memref<10x128xi32, #tpu.memory_space<vmem>>
    %dma_start3A_203 = arith.constant 0 : i32
    %dma_start3A_204 = tpu.memref_slice %arg9[%dma_start3A_199, %dma_start3A_203] : memref<16x128xi32, #tpu.memory_space<vmem>> -> memref<1x10xi32, #tpu.memory_space<vmem>>
    %dma_start3A_205 = tpu.memref_squeeze %dma_start3A_204 : memref<1x10xi32, #tpu.memory_space<vmem>> -> memref<10xi32, #tpu.memory_space<vmem>>
    %dma_start3A_206 = arith.constant 0 : i32
    %dma_start3A_207 = arith.constant 0 : i32
    %dma_start3A_208 = tpu.memref_slice %arg3[%dma_start3A_206, %dma_start3A_207] : memref<10000x128xi32, #tpu.memory_space<hbm>> -> memref<10000x128xi32, #tpu.memory_space<hbm>>
    tpu.enqueue_indirect_dma source(%dma_start3A_208 : memref<10000x128xi32, #tpu.memory_space<hbm>>) target(%dma_start3A_202 : memref<10x128xi32, #tpu.memory_space<vmem>>) offsets(%dma_start3A_205 : memref<10xi32, #tpu.memory_space<vmem>>) semaphore(%arg17 : memref<!tpu.dma_semaphore, #tpu.memory_space<semaphore_mem>>)
    %dma_start3A_209 = arith.constant 10 : i32
    %dma_start3A_210 = arith.constant 100 : i32
    %dma_start3A_211 = arith.constant 0 : i32
    %dma_start3A_212 = tpu.memref_slice %arg13[%dma_start3A_210, %dma_start3A_211] : memref<160x128xf32, #tpu.memory_space<vmem>> -> memref<10x128xf32, #tpu.memory_space<vmem>>
    %dma_start3A_213 = arith.constant 0 : i32
    %dma_start3A_214 = tpu.memref_slice %arg9[%dma_start3A_209, %dma_start3A_213] : memref<16x128xi32, #tpu.memory_space<vmem>> -> memref<1x10xi32, #tpu.memory_space<vmem>>
    %dma_start3A_215 = tpu.memref_squeeze %dma_start3A_214 : memref<1x10xi32, #tpu.memory_space<vmem>> -> memref<10xi32, #tpu.memory_space<vmem>>
    %dma_start3A_216 = arith.constant 0 : i32
    %dma_start3A_217 = arith.constant 0 : i32
    %dma_start3A_218 = tpu.memref_slice %arg2[%dma_start3A_216, %dma_start3A_217] : memref<10000x128xf32, #tpu.memory_space<hbm>> -> memref<10000x128xf32, #tpu.memory_space<hbm>>
    tpu.enqueue_indirect_dma source(%dma_start3A_218 : memref<10000x128xf32, #tpu.memory_space<hbm>>) target(%dma_start3A_212 : memref<10x128xf32, #tpu.memory_space<vmem>>) offsets(%dma_start3A_215 : memref<10xi32, #tpu.memory_space<vmem>>) semaphore(%arg18 : memref<!tpu.dma_semaphore, #tpu.memory_space<semaphore_mem>>)
    %dma_start3A_219 = arith.constant 10 : i32
    %dma_start3A_220 = arith.constant 100 : i32
    %dma_start3A_221 = arith.constant 0 : i32
    %dma_start3A_222 = tpu.memref_slice %arg10[%dma_start3A_220, %dma_start3A_221] : memref<160x128xi32, #tpu.memory_space<vmem>> -> memref<10x128xi32, #tpu.memory_space<vmem>>
    %dma_start3A_223 = arith.constant 0 : i32
    %dma_start3A_224 = tpu.memref_slice %arg9[%dma_start3A_219, %dma_start3A_223] : memref<16x128xi32, #tpu.memory_space<vmem>> -> memref<1x10xi32, #tpu.memory_space<vmem>>
    %dma_start3A_225 = tpu.memref_squeeze %dma_start3A_224 : memref<1x10xi32, #tpu.memory_space<vmem>> -> memref<10xi32, #tpu.memory_space<vmem>>
    %dma_start3A_226 = arith.constant 0 : i32
    %dma_start3A_227 = arith.constant 0 : i32
    %dma_start3A_228 = tpu.memref_slice %arg3[%dma_start3A_226, %dma_start3A_227] : memref<10000x128xi32, #tpu.memory_space<hbm>> -> memref<10000x128xi32, #tpu.memory_space<hbm>>
    tpu.enqueue_indirect_dma source(%dma_start3A_228 : memref<10000x128xi32, #tpu.memory_space<hbm>>) target(%dma_start3A_222 : memref<10x128xi32, #tpu.memory_space<vmem>>) offsets(%dma_start3A_225 : memref<10xi32, #tpu.memory_space<vmem>>) semaphore(%arg17 : memref<!tpu.dma_semaphore, #tpu.memory_space<semaphore_mem>>)
    %dma_start3A_229 = arith.constant 11 : i32
    %dma_start3A_230 = arith.constant 110 : i32
    %dma_start3A_231 = arith.constant 0 : i32
    %dma_start3A_232 = tpu.memref_slice %arg13[%dma_start3A_230, %dma_start3A_231] : memref<160x128xf32, #tpu.memory_space<vmem>> -> memref<10x128xf32, #tpu.memory_space<vmem>>
    %dma_start3A_233 = arith.constant 0 : i32
    %dma_start3A_234 = tpu.memref_slice %arg9[%dma_start3A_229, %dma_start3A_233] : memref<16x128xi32, #tpu.memory_space<vmem>> -> memref<1x10xi32, #tpu.memory_space<vmem>>
    %dma_start3A_235 = tpu.memref_squeeze %dma_start3A_234 : memref<1x10xi32, #tpu.memory_space<vmem>> -> memref<10xi32, #tpu.memory_space<vmem>>
    %dma_start3A_236 = arith.constant 0 : i32
    %dma_start3A_237 = arith.constant 0 : i32
    %dma_start3A_238 = tpu.memref_slice %arg2[%dma_start3A_236, %dma_start3A_237] : memref<10000x128xf32, #tpu.memory_space<hbm>> -> memref<10000x128xf32, #tpu.memory_space<hbm>>
    tpu.enqueue_indirect_dma source(%dma_start3A_238 : memref<10000x128xf32, #tpu.memory_space<hbm>>) target(%dma_start3A_232 : memref<10x128xf32, #tpu.memory_space<vmem>>) offsets(%dma_start3A_235 : memref<10xi32, #tpu.memory_space<vmem>>) semaphore(%arg18 : memref<!tpu.dma_semaphore, #tpu.memory_space<semaphore_mem>>)
    %dma_start3A_239 = arith.constant 11 : i32
    %dma_start3A_240 = arith.constant 110 : i32
    %dma_start3A_241 = arith.constant 0 : i32
    %dma_start3A_242 = tpu.memref_slice %arg10[%dma_start3A_240, %dma_start3A_241] : memref<160x128xi32, #tpu.memory_space<vmem>> -> memref<10x128xi32, #tpu.memory_space<vmem>>
    %dma_start3A_243 = arith.constant 0 : i32
    %dma_start3A_244 = tpu.memref_slice %arg9[%dma_start3A_239, %dma_start3A_243] : memref<16x128xi32, #tpu.memory_space<vmem>> -> memref<1x10xi32, #tpu.memory_space<vmem>>
    %dma_start3A_245 = tpu.memref_squeeze %dma_start3A_244 : memref<1x10xi32, #tpu.memory_space<vmem>> -> memref<10xi32, #tpu.memory_space<vmem>>
    %dma_start3A_246 = arith.constant 0 : i32
    %dma_start3A_247 = arith.constant 0 : i32
    %dma_start3A_248 = tpu.memref_slice %arg3[%dma_start3A_246, %dma_start3A_247] : memref<10000x128xi32, #tpu.memory_space<hbm>> -> memref<10000x128xi32, #tpu.memory_space<hbm>>
    tpu.enqueue_indirect_dma source(%dma_start3A_248 : memref<10000x128xi32, #tpu.memory_space<hbm>>) target(%dma_start3A_242 : memref<10x128xi32, #tpu.memory_space<vmem>>) offsets(%dma_start3A_245 : memref<10xi32, #tpu.memory_space<vmem>>) semaphore(%arg17 : memref<!tpu.dma_semaphore, #tpu.memory_space<semaphore_mem>>)
    %dma_start3A_249 = arith.constant 12 : i32
    %dma_start3A_250 = arith.constant 120 : i32
    %dma_start3A_251 = arith.constant 0 : i32
    %dma_start3A_252 = tpu.memref_slice %arg13[%dma_start3A_250, %dma_start3A_251] : memref<160x128xf32, #tpu.memory_space<vmem>> -> memref<10x128xf32, #tpu.memory_space<vmem>>
    %dma_start3A_253 = arith.constant 0 : i32
    %dma_start3A_254 = tpu.memref_slice %arg9[%dma_start3A_249, %dma_start3A_253] : memref<16x128xi32, #tpu.memory_space<vmem>> -> memref<1x10xi32, #tpu.memory_space<vmem>>
    %dma_start3A_255 = tpu.memref_squeeze %dma_start3A_254 : memref<1x10xi32, #tpu.memory_space<vmem>> -> memref<10xi32, #tpu.memory_space<vmem>>
    %dma_start3A_256 = arith.constant 0 : i32
    %dma_start3A_257 = arith.constant 0 : i32
    %dma_start3A_258 = tpu.memref_slice %arg2[%dma_start3A_256, %dma_start3A_257] : memref<10000x128xf32, #tpu.memory_space<hbm>> -> memref<10000x128xf32, #tpu.memory_space<hbm>>
    tpu.enqueue_indirect_dma source(%dma_start3A_258 : memref<10000x128xf32, #tpu.memory_space<hbm>>) target(%dma_start3A_252 : memref<10x128xf32, #tpu.memory_space<vmem>>) offsets(%dma_start3A_255 : memref<10xi32, #tpu.memory_space<vmem>>) semaphore(%arg18 : memref<!tpu.dma_semaphore, #tpu.memory_space<semaphore_mem>>)
    %dma_start3A_259 = arith.constant 12 : i32
    %dma_start3A_260 = arith.constant 120 : i32
    %dma_start3A_261 = arith.constant 0 : i32
    %dma_start3A_262 = tpu.memref_slice %arg10[%dma_start3A_260, %dma_start3A_261] : memref<160x128xi32, #tpu.memory_space<vmem>> -> memref<10x128xi32, #tpu.memory_space<vmem>>
    %dma_start3A_263 = arith.constant 0 : i32
    %dma_start3A_264 = tpu.memref_slice %arg9[%dma_start3A_259, %dma_start3A_263] : memref<16x128xi32, #tpu.memory_space<vmem>> -> memref<1x10xi32, #tpu.memory_space<vmem>>
    %dma_start3A_265 = tpu.memref_squeeze %dma_start3A_264 : memref<1x10xi32, #tpu.memory_space<vmem>> -> memref<10xi32, #tpu.memory_space<vmem>>
    %dma_start3A_266 = arith.constant 0 : i32
    %dma_start3A_267 = arith.constant 0 : i32
    %dma_start3A_268 = tpu.memref_slice %arg3[%dma_start3A_266, %dma_start3A_267] : memref<10000x128xi32, #tpu.memory_space<hbm>> -> memref<10000x128xi32, #tpu.memory_space<hbm>>
    tpu.enqueue_indirect_dma source(%dma_start3A_268 : memref<10000x128xi32, #tpu.memory_space<hbm>>) target(%dma_start3A_262 : memref<10x128xi32, #tpu.memory_space<vmem>>) offsets(%dma_start3A_265 : memref<10xi32, #tpu.memory_space<vmem>>) semaphore(%arg17 : memref<!tpu.dma_semaphore, #tpu.memory_space<semaphore_mem>>)
    %dma_start3A_269 = arith.constant 13 : i32
    %dma_start3A_270 = arith.constant 130 : i32
    %dma_start3A_271 = arith.constant 0 : i32
    %dma_start3A_272 = tpu.memref_slice %arg13[%dma_start3A_270, %dma_start3A_271] : memref<160x128xf32, #tpu.memory_space<vmem>> -> memref<10x128xf32, #tpu.memory_space<vmem>>
    %dma_start3A_273 = arith.constant 0 : i32
    %dma_start3A_274 = tpu.memref_slice %arg9[%dma_start3A_269, %dma_start3A_273] : memref<16x128xi32, #tpu.memory_space<vmem>> -> memref<1x10xi32, #tpu.memory_space<vmem>>
    %dma_start3A_275 = tpu.memref_squeeze %dma_start3A_274 : memref<1x10xi32, #tpu.memory_space<vmem>> -> memref<10xi32, #tpu.memory_space<vmem>>
    %dma_start3A_276 = arith.constant 0 : i32
    %dma_start3A_277 = arith.constant 0 : i32
    %dma_start3A_278 = tpu.memref_slice %arg2[%dma_start3A_276, %dma_start3A_277] : memref<10000x128xf32, #tpu.memory_space<hbm>> -> memref<10000x128xf32, #tpu.memory_space<hbm>>
    tpu.enqueue_indirect_dma source(%dma_start3A_278 : memref<10000x128xf32, #tpu.memory_space<hbm>>) target(%dma_start3A_272 : memref<10x128xf32, #tpu.memory_space<vmem>>) offsets(%dma_start3A_275 : memref<10xi32, #tpu.memory_space<vmem>>) semaphore(%arg18 : memref<!tpu.dma_semaphore, #tpu.memory_space<semaphore_mem>>)
    %dma_start3A_279 = arith.constant 13 : i32
    %dma_start3A_280 = arith.constant 130 : i32
    %dma_start3A_281 = arith.constant 0 : i32
    %dma_start3A_282 = tpu.memref_slice %arg10[%dma_start3A_280, %dma_start3A_281] : memref<160x128xi32, #tpu.memory_space<vmem>> -> memref<10x128xi32, #tpu.memory_space<vmem>>
    %dma_start3A_283 = arith.constant 0 : i32
    %dma_start3A_284 = tpu.memref_slice %arg9[%dma_start3A_279, %dma_start3A_283] : memref<16x128xi32, #tpu.memory_space<vmem>> -> memref<1x10xi32, #tpu.memory_space<vmem>>
    %dma_start3A_285 = tpu.memref_squeeze %dma_start3A_284 : memref<1x10xi32, #tpu.memory_space<vmem>> -> memref<10xi32, #tpu.memory_space<vmem>>
    %dma_start3A_286 = arith.constant 0 : i32
    %dma_start3A_287 = arith.constant 0 : i32
    %dma_start3A_288 = tpu.memref_slice %arg3[%dma_start3A_286, %dma_start3A_287] : memref<10000x128xi32, #tpu.memory_space<hbm>> -> memref<10000x128xi32, #tpu.memory_space<hbm>>
    tpu.enqueue_indirect_dma source(%dma_start3A_288 : memref<10000x128xi32, #tpu.memory_space<hbm>>) target(%dma_start3A_282 : memref<10x128xi32, #tpu.memory_space<vmem>>) offsets(%dma_start3A_285 : memref<10xi32, #tpu.memory_space<vmem>>) semaphore(%arg17 : memref<!tpu.dma_semaphore, #tpu.memory_space<semaphore_mem>>)
    %dma_start3A_289 = arith.constant 14 : i32
    %dma_start3A_290 = arith.constant 140 : i32
    %dma_start3A_291 = arith.constant 0 : i32
    %dma_start3A_292 = tpu.memref_slice %arg13[%dma_start3A_290, %dma_start3A_291] : memref<160x128xf32, #tpu.memory_space<vmem>> -> memref<10x128xf32, #tpu.memory_space<vmem>>
    %dma_start3A_293 = arith.constant 0 : i32
    %dma_start3A_294 = tpu.memref_slice %arg9[%dma_start3A_289, %dma_start3A_293] : memref<16x128xi32, #tpu.memory_space<vmem>> -> memref<1x10xi32, #tpu.memory_space<vmem>>
    %dma_start3A_295 = tpu.memref_squeeze %dma_start3A_294 : memref<1x10xi32, #tpu.memory_space<vmem>> -> memref<10xi32, #tpu.memory_space<vmem>>
    %dma_start3A_296 = arith.constant 0 : i32
    %dma_start3A_297 = arith.constant 0 : i32
    %dma_start3A_298 = tpu.memref_slice %arg2[%dma_start3A_296, %dma_start3A_297] : memref<10000x128xf32, #tpu.memory_space<hbm>> -> memref<10000x128xf32, #tpu.memory_space<hbm>>
    tpu.enqueue_indirect_dma source(%dma_start3A_298 : memref<10000x128xf32, #tpu.memory_space<hbm>>) target(%dma_start3A_292 : memref<10x128xf32, #tpu.memory_space<vmem>>) offsets(%dma_start3A_295 : memref<10xi32, #tpu.memory_space<vmem>>) semaphore(%arg18 : memref<!tpu.dma_semaphore, #tpu.memory_space<semaphore_mem>>)
    %dma_start3A_299 = arith.constant 14 : i32
    %dma_start3A_300 = arith.constant 140 : i32
    %dma_start3A_301 = arith.constant 0 : i32
    %dma_start3A_302 = tpu.memref_slice %arg10[%dma_start3A_300, %dma_start3A_301] : memref<160x128xi32, #tpu.memory_space<vmem>> -> memref<10x128xi32, #tpu.memory_space<vmem>>
    %dma_start3A_303 = arith.constant 0 : i32
    %dma_start3A_304 = tpu.memref_slice %arg9[%dma_start3A_299, %dma_start3A_303] : memref<16x128xi32, #tpu.memory_space<vmem>> -> memref<1x10xi32, #tpu.memory_space<vmem>>
    %dma_start3A_305 = tpu.memref_squeeze %dma_start3A_304 : memref<1x10xi32, #tpu.memory_space<vmem>> -> memref<10xi32, #tpu.memory_space<vmem>>
    %dma_start3A_306 = arith.constant 0 : i32
    %dma_start3A_307 = arith.constant 0 : i32
    %dma_start3A_308 = tpu.memref_slice %arg3[%dma_start3A_306, %dma_start3A_307] : memref<10000x128xi32, #tpu.memory_space<hbm>> -> memref<10000x128xi32, #tpu.memory_space<hbm>>
    tpu.enqueue_indirect_dma source(%dma_start3A_308 : memref<10000x128xi32, #tpu.memory_space<hbm>>) target(%dma_start3A_302 : memref<10x128xi32, #tpu.memory_space<vmem>>) offsets(%dma_start3A_305 : memref<10xi32, #tpu.memory_space<vmem>>) semaphore(%arg17 : memref<!tpu.dma_semaphore, #tpu.memory_space<semaphore_mem>>)
    %dma_start3A_309 = arith.constant 15 : i32
    %dma_start3A_310 = arith.constant 150 : i32
    %dma_start3A_311 = arith.constant 0 : i32
    %dma_start3A_312 = tpu.memref_slice %arg13[%dma_start3A_310, %dma_start3A_311] : memref<160x128xf32, #tpu.memory_space<vmem>> -> memref<10x128xf32, #tpu.memory_space<vmem>>
    %dma_start3A_313 = arith.constant 0 : i32
    %dma_start3A_314 = tpu.memref_slice %arg9[%dma_start3A_309, %dma_start3A_313] : memref<16x128xi32, #tpu.memory_space<vmem>> -> memref<1x10xi32, #tpu.memory_space<vmem>>
    %dma_start3A_315 = tpu.memref_squeeze %dma_start3A_314 : memref<1x10xi32, #tpu.memory_space<vmem>> -> memref<10xi32, #tpu.memory_space<vmem>>
    %dma_start3A_316 = arith.constant 0 : i32
    %dma_start3A_317 = arith.constant 0 : i32
    %dma_start3A_318 = tpu.memref_slice %arg2[%dma_start3A_316, %dma_start3A_317] : memref<10000x128xf32, #tpu.memory_space<hbm>> -> memref<10000x128xf32, #tpu.memory_space<hbm>>
    tpu.enqueue_indirect_dma source(%dma_start3A_318 : memref<10000x128xf32, #tpu.memory_space<hbm>>) target(%dma_start3A_312 : memref<10x128xf32, #tpu.memory_space<vmem>>) offsets(%dma_start3A_315 : memref<10xi32, #tpu.memory_space<vmem>>) semaphore(%arg18 : memref<!tpu.dma_semaphore, #tpu.memory_space<semaphore_mem>>)
    %dma_start3A_319 = arith.constant 15 : i32
    %dma_start3A_320 = arith.constant 150 : i32
    %dma_start3A_321 = arith.constant 0 : i32
    %dma_start3A_322 = tpu.memref_slice %arg10[%dma_start3A_320, %dma_start3A_321] : memref<160x128xi32, #tpu.memory_space<vmem>> -> memref<10x128xi32, #tpu.memory_space<vmem>>
    %dma_start3A_323 = arith.constant 0 : i32
    %dma_start3A_324 = tpu.memref_slice %arg9[%dma_start3A_319, %dma_start3A_323] : memref<16x128xi32, #tpu.memory_space<vmem>> -> memref<1x10xi32, #tpu.memory_space<vmem>>
    %dma_start3A_325 = tpu.memref_squeeze %dma_start3A_324 : memref<1x10xi32, #tpu.memory_space<vmem>> -> memref<10xi32, #tpu.memory_space<vmem>>
    %dma_start3A_326 = arith.constant 0 : i32
    %dma_start3A_327 = arith.constant 0 : i32
    %dma_start3A_328 = tpu.memref_slice %arg3[%dma_start3A_326, %dma_start3A_327] : memref<10000x128xi32, #tpu.memory_space<hbm>> -> memref<10000x128xi32, #tpu.memory_space<hbm>>
    tpu.enqueue_indirect_dma source(%dma_start3A_328 : memref<10000x128xi32, #tpu.memory_space<hbm>>) target(%dma_start3A_322 : memref<10x128xi32, #tpu.memory_space<vmem>>) offsets(%dma_start3A_325 : memref<10xi32, #tpu.memory_space<vmem>>) semaphore(%arg17 : memref<!tpu.dma_semaphore, #tpu.memory_space<semaphore_mem>>)
    %dma_start3A_329 = arith.constant 0 : i32
    %dma_start3A_330 = arith.constant 0 : i32
    %dma_start3A_331 = tpu.memref_slice %arg2[%dma_start3A_329, %dma_start3A_330] : memref<10000x128xf32, #tpu.memory_space<hbm>> -> memref<10000x128xf32, #tpu.memory_space<hbm>>
    tpu.enqueue_indirect_dma source(%dma_start3A_331 : memref<10000x128xf32, #tpu.memory_space<hbm>>) target(%arg14 : memref<16x128xf32, #tpu.memory_space<vmem>>) offsets(%arg8 : memref<16xi32, #tpu.memory_space<vmem>>) semaphore(%arg18 : memref<!tpu.dma_semaphore, #tpu.memory_space<semaphore_mem>>)
    %scan3A = arith.constant 0 : i32
    %scan3A_332 = arith.constant 0 : i32
    %scan3A_333 = arith.constant 128 : i32
    %scan3A_334 = arith.addi %scan3A_332, %scan3A_333 : i32
    %scan3A_335 = arith.constant 1 : i32
    scf.for %scan3A_711 = %scan3A_332 to %scan3A_334 step %scan3A_335  : i32 {
      %broadcast_in_dim3A = arith.constant 0.000000e+00 : f32
      %broadcast_in_dim3A_712 = vector.broadcast %broadcast_in_dim3A : f32 to vector<16xf32>
      %swap3A = arith.constant 0 : i32
      %swap3A_713 = arith.index_cast %swap3A : i32 to index
      %swap3A_714 = arith.index_cast %scan3A_711 : i32 to index
      %swap3A_715 = arith.constant 0 : index
      %swap3A_716 = tpu.vector_load %arg15[%swap3A_713, %swap3A_714, %swap3A_715] {strides = array<i32>} : memref<3x128x128xf32, #tpu.memory_space<vmem>>, vector<1x1x16xf32>,
      %swap3A_717 = vector.shape_cast %swap3A_716 : vector<1x1x16xf32> to vector<16xf32>
      %swap3A_718 = vector.shape_cast %broadcast_in_dim3A_712 : vector<16xf32> to vector<1x1x16xf32>
      tpu.vector_store %arg15[%swap3A_713, %swap3A_714, %swap3A_715], %swap3A_718 {strides = array<i32>} : memref<3x128x128xf32, #tpu.memory_space<vmem>>, vector<1x1x16xf32>,
      %broadcast_in_dim3A_719 = arith.constant 0.000000e+00 : f32
      %broadcast_in_dim3A_720 = vector.broadcast %broadcast_in_dim3A_719 : f32 to vector<16xf32>
      %swap3A_721 = arith.constant 0 : i32
      %swap3A_722 = arith.index_cast %swap3A_721 : i32 to index
      %swap3A_723 = arith.index_cast %scan3A_711 : i32 to index
      %swap3A_724 = arith.constant 16 : index
      %swap3A_725 = tpu.vector_load %arg15[%swap3A_722, %swap3A_723, %swap3A_724] {strides = array<i32>} : memref<3x128x128xf32, #tpu.memory_space<vmem>>, vector<1x1x16xf32>,
      %swap3A_726 = vector.shape_cast %swap3A_725 : vector<1x1x16xf32> to vector<16xf32>
      %swap3A_727 = vector.shape_cast %broadcast_in_dim3A_720 : vector<16xf32> to vector<1x1x16xf32>
      tpu.vector_store %arg15[%swap3A_722, %swap3A_723, %swap3A_724], %swap3A_727 {strides = array<i32>} : memref<3x128x128xf32, #tpu.memory_space<vmem>>, vector<1x1x16xf32>,
      %broadcast_in_dim3A_728 = arith.constant 0.000000e+00 : f32
      %broadcast_in_dim3A_729 = vector.broadcast %broadcast_in_dim3A_728 : f32 to vector<16xf32>
      %swap3A_730 = arith.constant 0 : i32
      %swap3A_731 = arith.index_cast %swap3A_730 : i32 to index
      %swap3A_732 = arith.index_cast %scan3A_711 : i32 to index
      %swap3A_733 = arith.constant 32 : index
      %swap3A_734 = tpu.vector_load %arg15[%swap3A_731, %swap3A_732, %swap3A_733] {strides = array<i32>} : memref<3x128x128xf32, #tpu.memory_space<vmem>>, vector<1x1x16xf32>,
      %swap3A_735 = vector.shape_cast %swap3A_734 : vector<1x1x16xf32> to vector<16xf32>
      %swap3A_736 = vector.shape_cast %broadcast_in_dim3A_729 : vector<16xf32> to vector<1x1x16xf32>
      tpu.vector_store %arg15[%swap3A_731, %swap3A_732, %swap3A_733], %swap3A_736 {strides = array<i32>} : memref<3x128x128xf32, #tpu.memory_space<vmem>>, vector<1x1x16xf32>,
      %broadcast_in_dim3A_737 = arith.constant 0.000000e+00 : f32
      %broadcast_in_dim3A_738 = vector.broadcast %broadcast_in_dim3A_737 : f32 to vector<16xf32>
      %swap3A_739 = arith.constant 0 : i32
      %swap3A_740 = arith.index_cast %swap3A_739 : i32 to index
      %swap3A_741 = arith.index_cast %scan3A_711 : i32 to index
      %swap3A_742 = arith.constant 48 : index
      %swap3A_743 = tpu.vector_load %arg15[%swap3A_740, %swap3A_741, %swap3A_742] {strides = array<i32>} : memref<3x128x128xf32, #tpu.memory_space<vmem>>, vector<1x1x16xf32>,
      %swap3A_744 = vector.shape_cast %swap3A_743 : vector<1x1x16xf32> to vector<16xf32>
      %swap3A_745 = vector.shape_cast %broadcast_in_dim3A_738 : vector<16xf32> to vector<1x1x16xf32>
      tpu.vector_store %arg15[%swap3A_740, %swap3A_741, %swap3A_742], %swap3A_745 {strides = array<i32>} : memref<3x128x128xf32, #tpu.memory_space<vmem>>, vector<1x1x16xf32>,
      %broadcast_in_dim3A_746 = arith.constant 0.000000e+00 : f32
      %broadcast_in_dim3A_747 = vector.broadcast %broadcast_in_dim3A_746 : f32 to vector<16xf32>
      %swap3A_748 = arith.constant 0 : i32
      %swap3A_749 = arith.index_cast %swap3A_748 : i32 to index
      %swap3A_750 = arith.index_cast %scan3A_711 : i32 to index
      %swap3A_751 = arith.constant 64 : index
      %swap3A_752 = tpu.vector_load %arg15[%swap3A_749, %swap3A_750, %swap3A_751] {strides = array<i32>} : memref<3x128x128xf32, #tpu.memory_space<vmem>>, vector<1x1x16xf32>,
      %swap3A_753 = vector.shape_cast %swap3A_752 : vector<1x1x16xf32> to vector<16xf32>
      %swap3A_754 = vector.shape_cast %broadcast_in_dim3A_747 : vector<16xf32> to vector<1x1x16xf32>
      tpu.vector_store %arg15[%swap3A_749, %swap3A_750, %swap3A_751], %swap3A_754 {strides = array<i32>} : memref<3x128x128xf32, #tpu.memory_space<vmem>>, vector<1x1x16xf32>,
      %broadcast_in_dim3A_755 = arith.constant 0.000000e+00 : f32
      %broadcast_in_dim3A_756 = vector.broadcast %broadcast_in_dim3A_755 : f32 to vector<16xf32>
      %swap3A_757 = arith.constant 0 : i32
      %swap3A_758 = arith.index_cast %swap3A_757 : i32 to index
      %swap3A_759 = arith.index_cast %scan3A_711 : i32 to index
      %swap3A_760 = arith.constant 80 : index
      %swap3A_761 = tpu.vector_load %arg15[%swap3A_758, %swap3A_759, %swap3A_760] {strides = array<i32>} : memref<3x128x128xf32, #tpu.memory_space<vmem>>, vector<1x1x16xf32>,
      %swap3A_762 = vector.shape_cast %swap3A_761 : vector<1x1x16xf32> to vector<16xf32>
      %swap3A_763 = vector.shape_cast %broadcast_in_dim3A_756 : vector<16xf32> to vector<1x1x16xf32>
      tpu.vector_store %arg15[%swap3A_758, %swap3A_759, %swap3A_760], %swap3A_763 {strides = array<i32>} : memref<3x128x128xf32, #tpu.memory_space<vmem>>, vector<1x1x16xf32>,
      %broadcast_in_dim3A_764 = arith.constant 0.000000e+00 : f32
      %broadcast_in_dim3A_765 = vector.broadcast %broadcast_in_dim3A_764 : f32 to vector<16xf32>
      %swap3A_766 = arith.constant 0 : i32
      %swap3A_767 = arith.index_cast %swap3A_766 : i32 to index
      %swap3A_768 = arith.index_cast %scan3A_711 : i32 to index
      %swap3A_769 = arith.constant 96 : index
      %swap3A_770 = tpu.vector_load %arg15[%swap3A_767, %swap3A_768, %swap3A_769] {strides = array<i32>} : memref<3x128x128xf32, #tpu.memory_space<vmem>>, vector<1x1x16xf32>,
      %swap3A_771 = vector.shape_cast %swap3A_770 : vector<1x1x16xf32> to vector<16xf32>
      %swap3A_772 = vector.shape_cast %broadcast_in_dim3A_765 : vector<16xf32> to vector<1x1x16xf32>
      tpu.vector_store %arg15[%swap3A_767, %swap3A_768, %swap3A_769], %swap3A_772 {strides = array<i32>} : memref<3x128x128xf32, #tpu.memory_space<vmem>>, vector<1x1x16xf32>,
      %broadcast_in_dim3A_773 = arith.constant 0.000000e+00 : f32
      %broadcast_in_dim3A_774 = vector.broadcast %broadcast_in_dim3A_773 : f32 to vector<16xf32>
      %swap3A_775 = arith.constant 0 : i32
      %swap3A_776 = arith.index_cast %swap3A_775 : i32 to index
      %swap3A_777 = arith.index_cast %scan3A_711 : i32 to index
      %swap3A_778 = arith.constant 112 : index
      %swap3A_779 = tpu.vector_load %arg15[%swap3A_776, %swap3A_777, %swap3A_778] {strides = array<i32>} : memref<3x128x128xf32, #tpu.memory_space<vmem>>, vector<1x1x16xf32>,
      %swap3A_780 = vector.shape_cast %swap3A_779 : vector<1x1x16xf32> to vector<16xf32>
      %swap3A_781 = vector.shape_cast %broadcast_in_dim3A_774 : vector<16xf32> to vector<1x1x16xf32>
      tpu.vector_store %arg15[%swap3A_776, %swap3A_777, %swap3A_778], %swap3A_781 {strides = array<i32>} : memref<3x128x128xf32, #tpu.memory_space<vmem>>, vector<1x1x16xf32>,
    }
    %scan3A_336 = arith.constant 128 : i32
    %run_scoped3A = arith.constant 0 : i32
    "tpu.region"() ({
      %run_scoped3A_711 = tpu.sem_alloc : memref<!tpu.dma_semaphore, #tpu.memory_space<semaphore_mem>>
      %dma_start3A_712 = arith.constant 0 : i32
      %dma_start3A_713 = arith.constant 0 : i32
      %dma_start3A_714 = tpu.memref_slice %arg15[%run_scoped3A, %dma_start3A_712, %dma_start3A_713] : memref<3x128x128xf32, #tpu.memory_space<vmem>> -> memref<1x128x128xf32, #tpu.memory_space<vmem>>
      %dma_start3A_715 = tpu.memref_squeeze %dma_start3A_714 : memref<1x128x128xf32, #tpu.memory_space<vmem>> -> memref<128x128xf32, #tpu.memory_space<vmem>>
      %dma_start3A_716 = arith.constant 0 : i32
      %dma_start3A_717 = tpu.memref_slice %arg16[%mul3A_4, %dma_start3A_716] : memref<2624x128xf32, #tpu.memory_space<vmem_shared>> -> memref<128x128xf32, #tpu.memory_space<vmem_shared>>
      %dma_start3A_718 = arith.constant 0 : i32
      %dma_start3A_719 = tpu.memref_slice %arg16[%mul3A_4, %dma_start3A_718] : memref<2624x128xf32, #tpu.memory_space<vmem_shared>> -> memref<128x128xf32, #tpu.memory_space<vmem_shared>>
      %dma_start3A_720 = arith.constant 0 : i32
      %dma_start3A_721 = arith.constant 0 : i32
      %dma_start3A_722 = tpu.memref_slice %arg15[%run_scoped3A, %dma_start3A_720, %dma_start3A_721] : memref<3x128x128xf32, #tpu.memory_space<vmem>> -> memref<1x128x128xf32, #tpu.memory_space<vmem>>
      %dma_start3A_723 = tpu.memref_squeeze %dma_start3A_722 : memref<1x128x128xf32, #tpu.memory_space<vmem>> -> memref<128x128xf32, #tpu.memory_space<vmem>>
      tpu.enqueue_dma source(%dma_start3A_723 : memref<128x128xf32, #tpu.memory_space<vmem>>) target(%dma_start3A_719 : memref<128x128xf32, #tpu.memory_space<vmem_shared>>) target_semaphore(%run_scoped3A_711 : memref<!tpu.dma_semaphore, #tpu.memory_space<semaphore_mem>>)
      %dma_wait3A_724 = arith.constant 0 : i32
      %dma_wait3A_725 = arith.constant 0 : i32
      %dma_wait3A_726 = tpu.memref_slice %arg15[%run_scoped3A, %dma_wait3A_724, %dma_wait3A_725] : memref<3x128x128xf32, #tpu.memory_space<vmem>> -> memref<1x128x128xf32, #tpu.memory_space<vmem>>
      %dma_wait3A_727 = tpu.memref_squeeze %dma_wait3A_726 : memref<1x128x128xf32, #tpu.memory_space<vmem>> -> memref<128x128xf32, #tpu.memory_space<vmem>>
      %dma_wait3A_728 = arith.constant 0 : i32
      %dma_wait3A_729 = tpu.memref_slice %arg16[%mul3A_4, %dma_wait3A_728] : memref<2624x128xf32, #tpu.memory_space<vmem_shared>> -> memref<128x128xf32, #tpu.memory_space<vmem_shared>>
      %dma_wait3A_730 = arith.constant 0 : i32
      %dma_wait3A_731 = tpu.memref_slice %arg16[%mul3A_4, %dma_wait3A_730] : memref<2624x128xf32, #tpu.memory_space<vmem_shared>> -> memref<128x128xf32, #tpu.memory_space<vmem_shared>>
      %dma_wait3A_732 = arith.constant 0 : i32
      %dma_wait3A_733 = arith.constant 0 : i32
      %dma_wait3A_734 = tpu.memref_slice %arg15[%run_scoped3A, %dma_wait3A_732, %dma_wait3A_733] : memref<3x128x128xf32, #tpu.memory_space<vmem>> -> memref<1x128x128xf32, #tpu.memory_space<vmem>>
      %dma_wait3A_735 = tpu.memref_squeeze %dma_wait3A_734 : memref<1x128x128xf32, #tpu.memory_space<vmem>> -> memref<128x128xf32, #tpu.memory_space<vmem>>
      tpu.wait_dma2 semaphore(%run_scoped3A_711 : memref<!tpu.dma_semaphore, #tpu.memory_space<semaphore_mem>>) src(%dma_wait3A_735 : memref<128x128xf32, #tpu.memory_space<vmem>>) dst(%dma_wait3A_731 : memref<128x128xf32, #tpu.memory_space<vmem_shared>>)
      tpu.yield
    }) : () -> ()
    %add3A_337 = arith.constant 128 : i32
    %add3A_338 = arith.addi %mul3A_4, %add3A_337 : i32
    %run_scoped3A_339 = arith.constant 0 : i32
    "tpu.region"() ({
      %run_scoped3A_711 = tpu.sem_alloc : memref<!tpu.dma_semaphore, #tpu.memory_space<semaphore_mem>>
      %dma_start3A_712 = arith.constant 0 : i32
      %dma_start3A_713 = arith.constant 0 : i32
      %dma_start3A_714 = tpu.memref_slice %arg15[%run_scoped3A_339, %dma_start3A_712, %dma_start3A_713] : memref<3x128x128xf32, #tpu.memory_space<vmem>> -> memref<1x36x128xf32, #tpu.memory_space<vmem>>
      %dma_start3A_715 = tpu.memref_squeeze %dma_start3A_714 : memref<1x36x128xf32, #tpu.memory_space<vmem>> -> memref<36x128xf32, #tpu.memory_space<vmem>>
      %dma_start3A_716 = arith.constant 0 : i32
      %dma_start3A_717 = tpu.memref_slice %arg16[%add3A_338, %dma_start3A_716] : memref<2624x128xf32, #tpu.memory_space<vmem_shared>> -> memref<36x128xf32, #tpu.memory_space<vmem_shared>>
      %dma_start3A_718 = arith.constant 0 : i32
      %dma_start3A_719 = tpu.memref_slice %arg16[%add3A_338, %dma_start3A_718] : memref<2624x128xf32, #tpu.memory_space<vmem_shared>> -> memref<36x128xf32, #tpu.memory_space<vmem_shared>>
      %dma_start3A_720 = arith.constant 0 : i32
      %dma_start3A_721 = arith.constant 0 : i32
      %dma_start3A_722 = tpu.memref_slice %arg15[%run_scoped3A_339, %dma_start3A_720, %dma_start3A_721] : memref<3x128x128xf32, #tpu.memory_space<vmem>> -> memref<1x36x128xf32, #tpu.memory_space<vmem>>
      %dma_start3A_723 = tpu.memref_squeeze %dma_start3A_722 : memref<1x36x128xf32, #tpu.memory_space<vmem>> -> memref<36x128xf32, #tpu.memory_space<vmem>>
      tpu.enqueue_dma source(%dma_start3A_723 : memref<36x128xf32, #tpu.memory_space<vmem>>) target(%dma_start3A_719 : memref<36x128xf32, #tpu.memory_space<vmem_shared>>) target_semaphore(%run_scoped3A_711 : memref<!tpu.dma_semaphore, #tpu.memory_space<semaphore_mem>>)
      %dma_wait3A_724 = arith.constant 0 : i32
      %dma_wait3A_725 = arith.constant 0 : i32
      %dma_wait3A_726 = tpu.memref_slice %arg15[%run_scoped3A_339, %dma_wait3A_724, %dma_wait3A_725] : memref<3x128x128xf32, #tpu.memory_space<vmem>> -> memref<1x36x128xf32, #tpu.memory_space<vmem>>
      %dma_wait3A_727 = tpu.memref_squeeze %dma_wait3A_726 : memref<1x36x128xf32, #tpu.memory_space<vmem>> -> memref<36x128xf32, #tpu.memory_space<vmem>>
      %dma_wait3A_728 = arith.constant 0 : i32
      %dma_wait3A_729 = tpu.memref_slice %arg16[%add3A_338, %dma_wait3A_728] : memref<2624x128xf32, #tpu.memory_space<vmem_shared>> -> memref<36x128xf32, #tpu.memory_space<vmem_shared>>
      %dma_wait3A_730 = arith.constant 0 : i32
      %dma_wait3A_731 = tpu.memref_slice %arg16[%add3A_338, %dma_wait3A_730] : memref<2624x128xf32, #tpu.memory_space<vmem_shared>> -> memref<36x128xf32, #tpu.memory_space<vmem_shared>>
      %dma_wait3A_732 = arith.constant 0 : i32
      %dma_wait3A_733 = arith.constant 0 : i32
      %dma_wait3A_734 = tpu.memref_slice %arg15[%run_scoped3A_339, %dma_wait3A_732, %dma_wait3A_733] : memref<3x128x128xf32, #tpu.memory_space<vmem>> -> memref<1x36x128xf32, #tpu.memory_space<vmem>>
      %dma_wait3A_735 = tpu.memref_squeeze %dma_wait3A_734 : memref<1x36x128xf32, #tpu.memory_space<vmem>> -> memref<36x128xf32, #tpu.memory_space<vmem>>
      tpu.wait_dma2 semaphore(%run_scoped3A_711 : memref<!tpu.dma_semaphore, #tpu.memory_space<semaphore_mem>>) src(%dma_wait3A_735 : memref<36x128xf32, #tpu.memory_space<vmem>>) dst(%dma_wait3A_731 : memref<36x128xf32, #tpu.memory_space<vmem_shared>>)
      tpu.yield
    }) : () -> ()
    %dma_wait3A_340 = arith.constant 0 : i32
    %dma_wait3A_341 = arith.constant 0 : i32
    %dma_wait3A_342 = arith.constant 0 : i32
    %dma_wait3A_343 = tpu.memref_slice %arg10[%dma_wait3A_341, %dma_wait3A_342] : memref<160x128xi32, #tpu.memory_space<vmem>> -> memref<10x128xi32, #tpu.memory_space<vmem>>
    %dma_wait3A_344 = arith.constant 0 : i32
    %dma_wait3A_345 = tpu.memref_slice %arg9[%dma_wait3A_340, %dma_wait3A_344] : memref<16x128xi32, #tpu.memory_space<vmem>> -> memref<1x10xi32, #tpu.memory_space<vmem>>
    %dma_wait3A_346 = tpu.memref_squeeze %dma_wait3A_345 : memref<1x10xi32, #tpu.memory_space<vmem>> -> memref<10xi32, #tpu.memory_space<vmem>>
    %dma_wait3A_347 = arith.constant 0 : i32
    %dma_wait3A_348 = arith.constant 0 : i32
    %dma_wait3A_349 = tpu.memref_slice %arg3[%dma_wait3A_347, %dma_wait3A_348] : memref<10000x128xi32, #tpu.memory_space<hbm>> -> memref<10000x128xi32, #tpu.memory_space<hbm>>
    tpu.wait_indirect_dma semaphore(%arg17 : memref<!tpu.dma_semaphore, #tpu.memory_space<semaphore_mem>>) src(%dma_wait3A_349 : memref<10000x128xi32, #tpu.memory_space<hbm>>) dst(%dma_wait3A_343 : memref<10x128xi32, #tpu.memory_space<vmem>>)
    %dma_wait3A_350 = arith.constant 1 : i32
    %dma_wait3A_351 = arith.constant 10 : i32
    %dma_wait3A_352 = arith.constant 0 : i32
    %dma_wait3A_353 = tpu.memref_slice %arg10[%dma_wait3A_351, %dma_wait3A_352] : memref<160x128xi32, #tpu.memory_space<vmem>> -> memref<10x128xi32, #tpu.memory_space<vmem>>
    %dma_wait3A_354 = arith.constant 0 : i32
    %dma_wait3A_355 = tpu.memref_slice %arg9[%dma_wait3A_350, %dma_wait3A_354] : memref<16x128xi32, #tpu.memory_space<vmem>> -> memref<1x10xi32, #tpu.memory_space<vmem>>
    %dma_wait3A_356 = tpu.memref_squeeze %dma_wait3A_355 : memref<1x10xi32, #tpu.memory_space<vmem>> -> memref<10xi32, #tpu.memory_space<vmem>>
    %dma_wait3A_357 = arith.constant 0 : i32
    %dma_wait3A_358 = arith.constant 0 : i32
    %dma_wait3A_359 = tpu.memref_slice %arg3[%dma_wait3A_357, %dma_wait3A_358] : memref<10000x128xi32, #tpu.memory_space<hbm>> -> memref<10000x128xi32, #tpu.memory_space<hbm>>
    tpu.wait_indirect_dma semaphore(%arg17 : memref<!tpu.dma_semaphore, #tpu.memory_space<semaphore_mem>>) src(%dma_wait3A_359 : memref<10000x128xi32, #tpu.memory_space<hbm>>) dst(%dma_wait3A_353 : memref<10x128xi32, #tpu.memory_space<vmem>>)
    %dma_wait3A_360 = arith.constant 2 : i32
    %dma_wait3A_361 = arith.constant 20 : i32
    %dma_wait3A_362 = arith.constant 0 : i32
    %dma_wait3A_363 = tpu.memref_slice %arg10[%dma_wait3A_361, %dma_wait3A_362] : memref<160x128xi32, #tpu.memory_space<vmem>> -> memref<10x128xi32, #tpu.memory_space<vmem>>
    %dma_wait3A_364 = arith.constant 0 : i32
    %dma_wait3A_365 = tpu.memref_slice %arg9[%dma_wait3A_360, %dma_wait3A_364] : memref<16x128xi32, #tpu.memory_space<vmem>> -> memref<1x10xi32, #tpu.memory_space<vmem>>
    %dma_wait3A_366 = tpu.memref_squeeze %dma_wait3A_365 : memref<1x10xi32, #tpu.memory_space<vmem>> -> memref<10xi32, #tpu.memory_space<vmem>>
    %dma_wait3A_367 = arith.constant 0 : i32
    %dma_wait3A_368 = arith.constant 0 : i32
    %dma_wait3A_369 = tpu.memref_slice %arg3[%dma_wait3A_367, %dma_wait3A_368] : memref<10000x128xi32, #tpu.memory_space<hbm>> -> memref<10000x128xi32, #tpu.memory_space<hbm>>
    tpu.wait_indirect_dma semaphore(%arg17 : memref<!tpu.dma_semaphore, #tpu.memory_space<semaphore_mem>>) src(%dma_wait3A_369 : memref<10000x128xi32, #tpu.memory_space<hbm>>) dst(%dma_wait3A_363 : memref<10x128xi32, #tpu.memory_space<vmem>>)
    %dma_wait3A_370 = arith.constant 3 : i32
    %dma_wait3A_371 = arith.constant 30 : i32
    %dma_wait3A_372 = arith.constant 0 : i32
    %dma_wait3A_373 = tpu.memref_slice %arg10[%dma_wait3A_371, %dma_wait3A_372] : memref<160x128xi32, #tpu.memory_space<vmem>> -> memref<10x128xi32, #tpu.memory_space<vmem>>
    %dma_wait3A_374 = arith.constant 0 : i32
    %dma_wait3A_375 = tpu.memref_slice %arg9[%dma_wait3A_370, %dma_wait3A_374] : memref<16x128xi32, #tpu.memory_space<vmem>> -> memref<1x10xi32, #tpu.memory_space<vmem>>
    %dma_wait3A_376 = tpu.memref_squeeze %dma_wait3A_375 : memref<1x10xi32, #tpu.memory_space<vmem>> -> memref<10xi32, #tpu.memory_space<vmem>>
    %dma_wait3A_377 = arith.constant 0 : i32
    %dma_wait3A_378 = arith.constant 0 : i32
    %dma_wait3A_379 = tpu.memref_slice %arg3[%dma_wait3A_377, %dma_wait3A_378] : memref<10000x128xi32, #tpu.memory_space<hbm>> -> memref<10000x128xi32, #tpu.memory_space<hbm>>
    tpu.wait_indirect_dma semaphore(%arg17 : memref<!tpu.dma_semaphore, #tpu.memory_space<semaphore_mem>>) src(%dma_wait3A_379 : memref<10000x128xi32, #tpu.memory_space<hbm>>) dst(%dma_wait3A_373 : memref<10x128xi32, #tpu.memory_space<vmem>>)
    %dma_wait3A_380 = arith.constant 4 : i32
    %dma_wait3A_381 = arith.constant 40 : i32
    %dma_wait3A_382 = arith.constant 0 : i32
    %dma_wait3A_383 = tpu.memref_slice %arg10[%dma_wait3A_381, %dma_wait3A_382] : memref<160x128xi32, #tpu.memory_space<vmem>> -> memref<10x128xi32, #tpu.memory_space<vmem>>
    %dma_wait3A_384 = arith.constant 0 : i32
    %dma_wait3A_385 = tpu.memref_slice %arg9[%dma_wait3A_380, %dma_wait3A_384] : memref<16x128xi32, #tpu.memory_space<vmem>> -> memref<1x10xi32, #tpu.memory_space<vmem>>
    %dma_wait3A_386 = tpu.memref_squeeze %dma_wait3A_385 : memref<1x10xi32, #tpu.memory_space<vmem>> -> memref<10xi32, #tpu.memory_space<vmem>>
    %dma_wait3A_387 = arith.constant 0 : i32
    %dma_wait3A_388 = arith.constant 0 : i32
    %dma_wait3A_389 = tpu.memref_slice %arg3[%dma_wait3A_387, %dma_wait3A_388] : memref<10000x128xi32, #tpu.memory_space<hbm>> -> memref<10000x128xi32, #tpu.memory_space<hbm>>
    tpu.wait_indirect_dma semaphore(%arg17 : memref<!tpu.dma_semaphore, #tpu.memory_space<semaphore_mem>>) src(%dma_wait3A_389 : memref<10000x128xi32, #tpu.memory_space<hbm>>) dst(%dma_wait3A_383 : memref<10x128xi32, #tpu.memory_space<vmem>>)
    %dma_wait3A_390 = arith.constant 5 : i32
    %dma_wait3A_391 = arith.constant 50 : i32
    %dma_wait3A_392 = arith.constant 0 : i32
    %dma_wait3A_393 = tpu.memref_slice %arg10[%dma_wait3A_391, %dma_wait3A_392] : memref<160x128xi32, #tpu.memory_space<vmem>> -> memref<10x128xi32, #tpu.memory_space<vmem>>
    %dma_wait3A_394 = arith.constant 0 : i32
    %dma_wait3A_395 = tpu.memref_slice %arg9[%dma_wait3A_390, %dma_wait3A_394] : memref<16x128xi32, #tpu.memory_space<vmem>> -> memref<1x10xi32, #tpu.memory_space<vmem>>
    %dma_wait3A_396 = tpu.memref_squeeze %dma_wait3A_395 : memref<1x10xi32, #tpu.memory_space<vmem>> -> memref<10xi32, #tpu.memory_space<vmem>>
    %dma_wait3A_397 = arith.constant 0 : i32
    %dma_wait3A_398 = arith.constant 0 : i32
    %dma_wait3A_399 = tpu.memref_slice %arg3[%dma_wait3A_397, %dma_wait3A_398] : memref<10000x128xi32, #tpu.memory_space<hbm>> -> memref<10000x128xi32, #tpu.memory_space<hbm>>
    tpu.wait_indirect_dma semaphore(%arg17 : memref<!tpu.dma_semaphore, #tpu.memory_space<semaphore_mem>>) src(%dma_wait3A_399 : memref<10000x128xi32, #tpu.memory_space<hbm>>) dst(%dma_wait3A_393 : memref<10x128xi32, #tpu.memory_space<vmem>>)
    %dma_wait3A_400 = arith.constant 6 : i32
    %dma_wait3A_401 = arith.constant 60 : i32
    %dma_wait3A_402 = arith.constant 0 : i32
    %dma_wait3A_403 = tpu.memref_slice %arg10[%dma_wait3A_401, %dma_wait3A_402] : memref<160x128xi32, #tpu.memory_space<vmem>> -> memref<10x128xi32, #tpu.memory_space<vmem>>
    %dma_wait3A_404 = arith.constant 0 : i32
    %dma_wait3A_405 = tpu.memref_slice %arg9[%dma_wait3A_400, %dma_wait3A_404] : memref<16x128xi32, #tpu.memory_space<vmem>> -> memref<1x10xi32, #tpu.memory_space<vmem>>
    %dma_wait3A_406 = tpu.memref_squeeze %dma_wait3A_405 : memref<1x10xi32, #tpu.memory_space<vmem>> -> memref<10xi32, #tpu.memory_space<vmem>>
    %dma_wait3A_407 = arith.constant 0 : i32
    %dma_wait3A_408 = arith.constant 0 : i32
    %dma_wait3A_409 = tpu.memref_slice %arg3[%dma_wait3A_407, %dma_wait3A_408] : memref<10000x128xi32, #tpu.memory_space<hbm>> -> memref<10000x128xi32, #tpu.memory_space<hbm>>
    tpu.wait_indirect_dma semaphore(%arg17 : memref<!tpu.dma_semaphore, #tpu.memory_space<semaphore_mem>>) src(%dma_wait3A_409 : memref<10000x128xi32, #tpu.memory_space<hbm>>) dst(%dma_wait3A_403 : memref<10x128xi32, #tpu.memory_space<vmem>>)
    %dma_wait3A_410 = arith.constant 7 : i32
    %dma_wait3A_411 = arith.constant 70 : i32
    %dma_wait3A_412 = arith.constant 0 : i32
    %dma_wait3A_413 = tpu.memref_slice %arg10[%dma_wait3A_411, %dma_wait3A_412] : memref<160x128xi32, #tpu.memory_space<vmem>> -> memref<10x128xi32, #tpu.memory_space<vmem>>
    %dma_wait3A_414 = arith.constant 0 : i32
    %dma_wait3A_415 = tpu.memref_slice %arg9[%dma_wait3A_410, %dma_wait3A_414] : memref<16x128xi32, #tpu.memory_space<vmem>> -> memref<1x10xi32, #tpu.memory_space<vmem>>
    %dma_wait3A_416 = tpu.memref_squeeze %dma_wait3A_415 : memref<1x10xi32, #tpu.memory_space<vmem>> -> memref<10xi32, #tpu.memory_space<vmem>>
    %dma_wait3A_417 = arith.constant 0 : i32
    %dma_wait3A_418 = arith.constant 0 : i32
    %dma_wait3A_419 = tpu.memref_slice %arg3[%dma_wait3A_417, %dma_wait3A_418] : memref<10000x128xi32, #tpu.memory_space<hbm>> -> memref<10000x128xi32, #tpu.memory_space<hbm>>
    tpu.wait_indirect_dma semaphore(%arg17 : memref<!tpu.dma_semaphore, #tpu.memory_space<semaphore_mem>>) src(%dma_wait3A_419 : memref<10000x128xi32, #tpu.memory_space<hbm>>) dst(%dma_wait3A_413 : memref<10x128xi32, #tpu.memory_space<vmem>>)
    %dma_wait3A_420 = arith.constant 8 : i32
    %dma_wait3A_421 = arith.constant 80 : i32
    %dma_wait3A_422 = arith.constant 0 : i32
    %dma_wait3A_423 = tpu.memref_slice %arg10[%dma_wait3A_421, %dma_wait3A_422] : memref<160x128xi32, #tpu.memory_space<vmem>> -> memref<10x128xi32, #tpu.memory_space<vmem>>
    %dma_wait3A_424 = arith.constant 0 : i32
    %dma_wait3A_425 = tpu.memref_slice %arg9[%dma_wait3A_420, %dma_wait3A_424] : memref<16x128xi32, #tpu.memory_space<vmem>> -> memref<1x10xi32, #tpu.memory_space<vmem>>
    %dma_wait3A_426 = tpu.memref_squeeze %dma_wait3A_425 : memref<1x10xi32, #tpu.memory_space<vmem>> -> memref<10xi32, #tpu.memory_space<vmem>>
    %dma_wait3A_427 = arith.constant 0 : i32
    %dma_wait3A_428 = arith.constant 0 : i32
    %dma_wait3A_429 = tpu.memref_slice %arg3[%dma_wait3A_427, %dma_wait3A_428] : memref<10000x128xi32, #tpu.memory_space<hbm>> -> memref<10000x128xi32, #tpu.memory_space<hbm>>
    tpu.wait_indirect_dma semaphore(%arg17 : memref<!tpu.dma_semaphore, #tpu.memory_space<semaphore_mem>>) src(%dma_wait3A_429 : memref<10000x128xi32, #tpu.memory_space<hbm>>) dst(%dma_wait3A_423 : memref<10x128xi32, #tpu.memory_space<vmem>>)
    %dma_wait3A_430 = arith.constant 9 : i32
    %dma_wait3A_431 = arith.constant 90 : i32
    %dma_wait3A_432 = arith.constant 0 : i32
    %dma_wait3A_433 = tpu.memref_slice %arg10[%dma_wait3A_431, %dma_wait3A_432] : memref<160x128xi32, #tpu.memory_space<vmem>> -> memref<10x128xi32, #tpu.memory_space<vmem>>
    %dma_wait3A_434 = arith.constant 0 : i32
    %dma_wait3A_435 = tpu.memref_slice %arg9[%dma_wait3A_430, %dma_wait3A_434] : memref<16x128xi32, #tpu.memory_space<vmem>> -> memref<1x10xi32, #tpu.memory_space<vmem>>
    %dma_wait3A_436 = tpu.memref_squeeze %dma_wait3A_435 : memref<1x10xi32, #tpu.memory_space<vmem>> -> memref<10xi32, #tpu.memory_space<vmem>>
    %dma_wait3A_437 = arith.constant 0 : i32
    %dma_wait3A_438 = arith.constant 0 : i32
    %dma_wait3A_439 = tpu.memref_slice %arg3[%dma_wait3A_437, %dma_wait3A_438] : memref<10000x128xi32, #tpu.memory_space<hbm>> -> memref<10000x128xi32, #tpu.memory_space<hbm>>
    tpu.wait_indirect_dma semaphore(%arg17 : memref<!tpu.dma_semaphore, #tpu.memory_space<semaphore_mem>>) src(%dma_wait3A_439 : memref<10000x128xi32, #tpu.memory_space<hbm>>) dst(%dma_wait3A_433 : memref<10x128xi32, #tpu.memory_space<vmem>>)
    %dma_wait3A_440 = arith.constant 10 : i32
    %dma_wait3A_441 = arith.constant 100 : i32
    %dma_wait3A_442 = arith.constant 0 : i32
    %dma_wait3A_443 = tpu.memref_slice %arg10[%dma_wait3A_441, %dma_wait3A_442] : memref<160x128xi32, #tpu.memory_space<vmem>> -> memref<10x128xi32, #tpu.memory_space<vmem>>
    %dma_wait3A_444 = arith.constant 0 : i32
    %dma_wait3A_445 = tpu.memref_slice %arg9[%dma_wait3A_440, %dma_wait3A_444] : memref<16x128xi32, #tpu.memory_space<vmem>> -> memref<1x10xi32, #tpu.memory_space<vmem>>
    %dma_wait3A_446 = tpu.memref_squeeze %dma_wait3A_445 : memref<1x10xi32, #tpu.memory_space<vmem>> -> memref<10xi32, #tpu.memory_space<vmem>>
    %dma_wait3A_447 = arith.constant 0 : i32
    %dma_wait3A_448 = arith.constant 0 : i32
    %dma_wait3A_449 = tpu.memref_slice %arg3[%dma_wait3A_447, %dma_wait3A_448] : memref<10000x128xi32, #tpu.memory_space<hbm>> -> memref<10000x128xi32, #tpu.memory_space<hbm>>
    tpu.wait_indirect_dma semaphore(%arg17 : memref<!tpu.dma_semaphore, #tpu.memory_space<semaphore_mem>>) src(%dma_wait3A_449 : memref<10000x128xi32, #tpu.memory_space<hbm>>) dst(%dma_wait3A_443 : memref<10x128xi32, #tpu.memory_space<vmem>>)
    %dma_wait3A_450 = arith.constant 11 : i32
    %dma_wait3A_451 = arith.constant 110 : i32
    %dma_wait3A_452 = arith.constant 0 : i32
    %dma_wait3A_453 = tpu.memref_slice %arg10[%dma_wait3A_451, %dma_wait3A_452] : memref<160x128xi32, #tpu.memory_space<vmem>> -> memref<10x128xi32, #tpu.memory_space<vmem>>
    %dma_wait3A_454 = arith.constant 0 : i32
    %dma_wait3A_455 = tpu.memref_slice %arg9[%dma_wait3A_450, %dma_wait3A_454] : memref<16x128xi32, #tpu.memory_space<vmem>> -> memref<1x10xi32, #tpu.memory_space<vmem>>
    %dma_wait3A_456 = tpu.memref_squeeze %dma_wait3A_455 : memref<1x10xi32, #tpu.memory_space<vmem>> -> memref<10xi32, #tpu.memory_space<vmem>>
    %dma_wait3A_457 = arith.constant 0 : i32
    %dma_wait3A_458 = arith.constant 0 : i32
    %dma_wait3A_459 = tpu.memref_slice %arg3[%dma_wait3A_457, %dma_wait3A_458] : memref<10000x128xi32, #tpu.memory_space<hbm>> -> memref<10000x128xi32, #tpu.memory_space<hbm>>
    tpu.wait_indirect_dma semaphore(%arg17 : memref<!tpu.dma_semaphore, #tpu.memory_space<semaphore_mem>>) src(%dma_wait3A_459 : memref<10000x128xi32, #tpu.memory_space<hbm>>) dst(%dma_wait3A_453 : memref<10x128xi32, #tpu.memory_space<vmem>>)
    %dma_wait3A_460 = arith.constant 12 : i32
    %dma_wait3A_461 = arith.constant 120 : i32
    %dma_wait3A_462 = arith.constant 0 : i32
    %dma_wait3A_463 = tpu.memref_slice %arg10[%dma_wait3A_461, %dma_wait3A_462] : memref<160x128xi32, #tpu.memory_space<vmem>> -> memref<10x128xi32, #tpu.memory_space<vmem>>
    %dma_wait3A_464 = arith.constant 0 : i32
    %dma_wait3A_465 = tpu.memref_slice %arg9[%dma_wait3A_460, %dma_wait3A_464] : memref<16x128xi32, #tpu.memory_space<vmem>> -> memref<1x10xi32, #tpu.memory_space<vmem>>
    %dma_wait3A_466 = tpu.memref_squeeze %dma_wait3A_465 : memref<1x10xi32, #tpu.memory_space<vmem>> -> memref<10xi32, #tpu.memory_space<vmem>>
    %dma_wait3A_467 = arith.constant 0 : i32
    %dma_wait3A_468 = arith.constant 0 : i32
    %dma_wait3A_469 = tpu.memref_slice %arg3[%dma_wait3A_467, %dma_wait3A_468] : memref<10000x128xi32, #tpu.memory_space<hbm>> -> memref<10000x128xi32, #tpu.memory_space<hbm>>
    tpu.wait_indirect_dma semaphore(%arg17 : memref<!tpu.dma_semaphore, #tpu.memory_space<semaphore_mem>>) src(%dma_wait3A_469 : memref<10000x128xi32, #tpu.memory_space<hbm>>) dst(%dma_wait3A_463 : memref<10x128xi32, #tpu.memory_space<vmem>>)
    %dma_wait3A_470 = arith.constant 13 : i32
    %dma_wait3A_471 = arith.constant 130 : i32
    %dma_wait3A_472 = arith.constant 0 : i32
    %dma_wait3A_473 = tpu.memref_slice %arg10[%dma_wait3A_471, %dma_wait3A_472] : memref<160x128xi32, #tpu.memory_space<vmem>> -> memref<10x128xi32, #tpu.memory_space<vmem>>
    %dma_wait3A_474 = arith.constant 0 : i32
    %dma_wait3A_475 = tpu.memref_slice %arg9[%dma_wait3A_470, %dma_wait3A_474] : memref<16x128xi32, #tpu.memory_space<vmem>> -> memref<1x10xi32, #tpu.memory_space<vmem>>
    %dma_wait3A_476 = tpu.memref_squeeze %dma_wait3A_475 : memref<1x10xi32, #tpu.memory_space<vmem>> -> memref<10xi32, #tpu.memory_space<vmem>>
    %dma_wait3A_477 = arith.constant 0 : i32
    %dma_wait3A_478 = arith.constant 0 : i32
    %dma_wait3A_479 = tpu.memref_slice %arg3[%dma_wait3A_477, %dma_wait3A_478] : memref<10000x128xi32, #tpu.memory_space<hbm>> -> memref<10000x128xi32, #tpu.memory_space<hbm>>
    tpu.wait_indirect_dma semaphore(%arg17 : memref<!tpu.dma_semaphore, #tpu.memory_space<semaphore_mem>>) src(%dma_wait3A_479 : memref<10000x128xi32, #tpu.memory_space<hbm>>) dst(%dma_wait3A_473 : memref<10x128xi32, #tpu.memory_space<vmem>>)
    %dma_wait3A_480 = arith.constant 14 : i32
    %dma_wait3A_481 = arith.constant 140 : i32
    %dma_wait3A_482 = arith.constant 0 : i32
    %dma_wait3A_483 = tpu.memref_slice %arg10[%dma_wait3A_481, %dma_wait3A_482] : memref<160x128xi32, #tpu.memory_space<vmem>> -> memref<10x128xi32, #tpu.memory_space<vmem>>
    %dma_wait3A_484 = arith.constant 0 : i32
    %dma_wait3A_485 = tpu.memref_slice %arg9[%dma_wait3A_480, %dma_wait3A_484] : memref<16x128xi32, #tpu.memory_space<vmem>> -> memref<1x10xi32, #tpu.memory_space<vmem>>
    %dma_wait3A_486 = tpu.memref_squeeze %dma_wait3A_485 : memref<1x10xi32, #tpu.memory_space<vmem>> -> memref<10xi32, #tpu.memory_space<vmem>>
    %dma_wait3A_487 = arith.constant 0 : i32
    %dma_wait3A_488 = arith.constant 0 : i32
    %dma_wait3A_489 = tpu.memref_slice %arg3[%dma_wait3A_487, %dma_wait3A_488] : memref<10000x128xi32, #tpu.memory_space<hbm>> -> memref<10000x128xi32, #tpu.memory_space<hbm>>
    tpu.wait_indirect_dma semaphore(%arg17 : memref<!tpu.dma_semaphore, #tpu.memory_space<semaphore_mem>>) src(%dma_wait3A_489 : memref<10000x128xi32, #tpu.memory_space<hbm>>) dst(%dma_wait3A_483 : memref<10x128xi32, #tpu.memory_space<vmem>>)
    %dma_wait3A_490 = arith.constant 15 : i32
    %dma_wait3A_491 = arith.constant 150 : i32
    %dma_wait3A_492 = arith.constant 0 : i32
    %dma_wait3A_493 = tpu.memref_slice %arg10[%dma_wait3A_491, %dma_wait3A_492] : memref<160x128xi32, #tpu.memory_space<vmem>> -> memref<10x128xi32, #tpu.memory_space<vmem>>
    %dma_wait3A_494 = arith.constant 0 : i32
    %dma_wait3A_495 = tpu.memref_slice %arg9[%dma_wait3A_490, %dma_wait3A_494] : memref<16x128xi32, #tpu.memory_space<vmem>> -> memref<1x10xi32, #tpu.memory_space<vmem>>
    %dma_wait3A_496 = tpu.memref_squeeze %dma_wait3A_495 : memref<1x10xi32, #tpu.memory_space<vmem>> -> memref<10xi32, #tpu.memory_space<vmem>>
    %dma_wait3A_497 = arith.constant 0 : i32
    %dma_wait3A_498 = arith.constant 0 : i32
    %dma_wait3A_499 = tpu.memref_slice %arg3[%dma_wait3A_497, %dma_wait3A_498] : memref<10000x128xi32, #tpu.memory_space<hbm>> -> memref<10000x128xi32, #tpu.memory_space<hbm>>
    tpu.wait_indirect_dma semaphore(%arg17 : memref<!tpu.dma_semaphore, #tpu.memory_space<semaphore_mem>>) src(%dma_wait3A_499 : memref<10000x128xi32, #tpu.memory_space<hbm>>) dst(%dma_wait3A_493 : memref<10x128xi32, #tpu.memory_space<vmem>>)
    %scan3A_500 = arith.constant 0 : i32
    %scan3A_501 = arith.constant 0 : i32
    %scan3A_502 = arith.constant 14 : i32
    %scan3A_503 = arith.addi %scan3A_501, %scan3A_502 : i32
    %scan3A_504 = arith.constant 1 : i32
    scf.for %scan3A_711 = %scan3A_501 to %scan3A_503 step %scan3A_504  : i32 {
      %mul3A_712 = arith.constant 3 : i32
      %mul3A_713 = arith.muli %scan3A_711, %mul3A_712 : i32
      %add3A_714 = arith.constant 0 : i32
      %add3A_715 = arith.addi %mul3A_713, %add3A_714 : i32
      %lt3A = arith.constant 40 : i32
      %lt3A_716 = arith.cmpi slt, %add3A_715, %lt3A : i32
      %convert_element_type3A = arith.extui %lt3A_716 : i1 to i32
      %cond3A = arith.constant 0 : i32
      %cond3A_717 = arith.cmpi ne, %convert_element_type3A, %cond3A : i32
      scf.if %cond3A_717 {
        %ge3A_763 = arith.constant 3 : i32
        %ge3A_764 = arith.cmpi sge, %add3A_715, %ge3A_763 : i32
        %convert_element_type3A_765 = arith.extui %ge3A_764 : i1 to i32
        %cond3A_766 = arith.constant 0 : i32
        %cond3A_767 = arith.cmpi ne, %convert_element_type3A_765, %cond3A_766 : i32
        scf.if %cond3A_767 {
          %dma_wait3A_874 = arith.constant 0 : i32
          %dma_wait3A_875 = arith.constant 0 : i32
          %dma_wait3A_876 = arith.constant 0 : i32
          %dma_wait3A_877 = arith.constant 0 : i32
          %dma_wait3A_878 = tpu.memref_slice %arg15[%dma_wait3A_874, %dma_wait3A_876, %dma_wait3A_877] : memref<3x128x128xf32, #tpu.memory_space<vmem>> -> memref<1x128x128xf32, #tpu.memory_space<vmem>>
          %dma_wait3A_879 = tpu.memref_squeeze %dma_wait3A_878 : memref<1x128x128xf32, #tpu.memory_space<vmem>> -> memref<128x128xf32, #tpu.memory_space<vmem>>
          %dma_wait3A_880 = arith.constant 0 : i32
          %dma_wait3A_881 = tpu.memref_slice %arg12[%dma_wait3A_875, %dma_wait3A_880] : memref<3x128xi32, #tpu.memory_space<vmem>> -> memref<1x128xi32, #tpu.memory_space<vmem>>
          %dma_wait3A_882 = tpu.memref_squeeze %dma_wait3A_881 : memref<1x128xi32, #tpu.memory_space<vmem>> -> memref<128xi32, #tpu.memory_space<vmem>>
          %dma_wait3A_883 = arith.constant 0 : i32
          %dma_wait3A_884 = arith.constant 0 : i32
          %dma_wait3A_885 = tpu.memref_slice %arg16[%dma_wait3A_883, %dma_wait3A_884] : memref<2624x128xf32, #tpu.memory_space<vmem_shared>> -> memref<2624x128xf32, #tpu.memory_space<vmem_shared>>
          tpu.wait_indirect_dma semaphore(%arg22 : memref<!tpu.dma_semaphore, #tpu.memory_space<semaphore_mem>>) src(%dma_wait3A_879 : memref<128x128xf32, #tpu.memory_space<vmem>>) dst(%dma_wait3A_885 : memref<2624x128xf32, #tpu.memory_space<vmem_shared>>)
        } else {
        }
        %mul3A_768 = arith.constant 4 : i32
        %mul3A_769 = arith.muli %add3A_715, %mul3A_768 : i32
        %add3A_770 = arith.constant 0 : i32
        %add3A_771 = arith.addi %mul3A_769, %add3A_770 : i32
        %get3A = arith.index_cast %add3A_771 : i32 to index
        %get3A_772 = arith.constant 0 : index
        %get3A_773 = tpu.vector_load %arg10[%get3A, %get3A_772] {strides = array<i32>} : memref<160x128xi32, #tpu.memory_space<vmem>>, vector<1x16xi32>,
        %get3A_774 = vector.shape_cast %get3A_773 : vector<1x16xi32> to vector<16xi32>
        %swap3A = arith.constant 0 : i32
        %swap3A_775 = arith.index_cast %swap3A : i32 to index
        %swap3A_776 = arith.constant 0 : index
        %swap3A_777 = tpu.vector_load %arg11[%swap3A_775, %swap3A_776] {strides = array<i32>} : memref<3x128xi32, #tpu.memory_space<vmem>>, vector<1x16xi32>,
        %swap3A_778 = vector.shape_cast %swap3A_777 : vector<1x16xi32> to vector<16xi32>
        %swap3A_779 = vector.shape_cast %get3A_774 : vector<16xi32> to vector<1x16xi32>
        tpu.vector_store %arg11[%swap3A_775, %swap3A_776], %swap3A_779 {strides = array<i32>} : memref<3x128xi32, #tpu.memory_space<vmem>>, vector<1x16xi32>,
        %get3A_780 = arith.index_cast %add3A_771 : i32 to index
        %get3A_781 = arith.constant 16 : index
        %get3A_782 = tpu.vector_load %arg10[%get3A_780, %get3A_781] {strides = array<i32>} : memref<160x128xi32, #tpu.memory_space<vmem>>, vector<1x16xi32>,
        %get3A_783 = vector.shape_cast %get3A_782 : vector<1x16xi32> to vector<16xi32>
        %swap3A_784 = arith.constant 0 : i32
        %swap3A_785 = arith.index_cast %swap3A_784 : i32 to index
        %swap3A_786 = arith.constant 16 : index
        %swap3A_787 = tpu.vector_load %arg11[%swap3A_785, %swap3A_786] {strides = array<i32>} : memref<3x128xi32, #tpu.memory_space<vmem>>, vector<1x16xi32>,
        %swap3A_788 = vector.shape_cast %swap3A_787 : vector<1x16xi32> to vector<16xi32>
        %swap3A_789 = vector.shape_cast %get3A_783 : vector<16xi32> to vector<1x16xi32>
        tpu.vector_store %arg11[%swap3A_785, %swap3A_786], %swap3A_789 {strides = array<i32>} : memref<3x128xi32, #tpu.memory_space<vmem>>, vector<1x16xi32>,
        %mul3A_790 = arith.constant 4 : i32
        %mul3A_791 = arith.muli %add3A_715, %mul3A_790 : i32
        %add3A_792 = arith.constant 1 : i32
        %add3A_793 = arith.addi %mul3A_791, %add3A_792 : i32
        %get3A_794 = arith.index_cast %add3A_793 : i32 to index
        %get3A_795 = arith.constant 0 : index
        %get3A_796 = tpu.vector_load %arg10[%get3A_794, %get3A_795] {strides = array<i32>} : memref<160x128xi32, #tpu.memory_space<vmem>>, vector<1x16xi32>,
        %get3A_797 = vector.shape_cast %get3A_796 : vector<1x16xi32> to vector<16xi32>
        %swap3A_798 = arith.constant 0 : i32
        %swap3A_799 = arith.index_cast %swap3A_798 : i32 to index
        %swap3A_800 = arith.constant 32 : index
        %swap3A_801 = tpu.vector_load %arg11[%swap3A_799, %swap3A_800] {strides = array<i32>} : memref<3x128xi32, #tpu.memory_space<vmem>>, vector<1x16xi32>,
        %swap3A_802 = vector.shape_cast %swap3A_801 : vector<1x16xi32> to vector<16xi32>
        %swap3A_803 = vector.shape_cast %get3A_797 : vector<16xi32> to vector<1x16xi32>
        tpu.vector_store %arg11[%swap3A_799, %swap3A_800], %swap3A_803 {strides = array<i32>} : memref<3x128xi32, #tpu.memory_space<vmem>>, vector<1x16xi32>,
        %get3A_804 = arith.index_cast %add3A_793 : i32 to index
        %get3A_805 = arith.constant 16 : index
        %get3A_806 = tpu.vector_load %arg10[%get3A_804, %get3A_805] {strides = array<i32>} : memref<160x128xi32, #tpu.memory_space<vmem>>, vector<1x16xi32>,
        %get3A_807 = vector.shape_cast %get3A_806 : vector<1x16xi32> to vector<16xi32>
        %swap3A_808 = arith.constant 0 : i32
        %swap3A_809 = arith.index_cast %swap3A_808 : i32 to index
        %swap3A_810 = arith.constant 48 : index
        %swap3A_811 = tpu.vector_load %arg11[%swap3A_809, %swap3A_810] {strides = array<i32>} : memref<3x128xi32, #tpu.memory_space<vmem>>, vector<1x16xi32>,
        %swap3A_812 = vector.shape_cast %swap3A_811 : vector<1x16xi32> to vector<16xi32>
        %swap3A_813 = vector.shape_cast %get3A_807 : vector<16xi32> to vector<1x16xi32>
        tpu.vector_store %arg11[%swap3A_809, %swap3A_810], %swap3A_813 {strides = array<i32>} : memref<3x128xi32, #tpu.memory_space<vmem>>, vector<1x16xi32>,
        %mul3A_814 = arith.constant 4 : i32
        %mul3A_815 = arith.muli %add3A_715, %mul3A_814 : i32
        %add3A_816 = arith.constant 2 : i32
        %add3A_817 = arith.addi %mul3A_815, %add3A_816 : i32
        %get3A_818 = arith.index_cast %add3A_817 : i32 to index
        %get3A_819 = arith.constant 0 : index
        %get3A_820 = tpu.vector_load %arg10[%get3A_818, %get3A_819] {strides = array<i32>} : memref<160x128xi32, #tpu.memory_space<vmem>>, vector<1x16xi32>,
        %get3A_821 = vector.shape_cast %get3A_820 : vector<1x16xi32> to vector<16xi32>
        %swap3A_822 = arith.constant 0 : i32
        %swap3A_823 = arith.index_cast %swap3A_822 : i32 to index
        %swap3A_824 = arith.constant 64 : index
        %swap3A_825 = tpu.vector_load %arg11[%swap3A_823, %swap3A_824] {strides = array<i32>} : memref<3x128xi32, #tpu.memory_space<vmem>>, vector<1x16xi32>,
        %swap3A_826 = vector.shape_cast %swap3A_825 : vector<1x16xi32> to vector<16xi32>
        %swap3A_827 = vector.shape_cast %get3A_821 : vector<16xi32> to vector<1x16xi32>
        tpu.vector_store %arg11[%swap3A_823, %swap3A_824], %swap3A_827 {strides = array<i32>} : memref<3x128xi32, #tpu.memory_space<vmem>>, vector<1x16xi32>,
        %get3A_828 = arith.index_cast %add3A_817 : i32 to index
        %get3A_829 = arith.constant 16 : index
        %get3A_830 = tpu.vector_load %arg10[%get3A_828, %get3A_829] {strides = array<i32>} : memref<160x128xi32, #tpu.memory_space<vmem>>, vector<1x16xi32>,
        %get3A_831 = vector.shape_cast %get3A_830 : vector<1x16xi32> to vector<16xi32>
        %swap3A_832 = arith.constant 0 : i32
        %swap3A_833 = arith.index_cast %swap3A_832 : i32 to index
        %swap3A_834 = arith.constant 80 : index
        %swap3A_835 = tpu.vector_load %arg11[%swap3A_833, %swap3A_834] {strides = array<i32>} : memref<3x128xi32, #tpu.memory_space<vmem>>, vector<1x16xi32>,
        %swap3A_836 = vector.shape_cast %swap3A_835 : vector<1x16xi32> to vector<16xi32>
        %swap3A_837 = vector.shape_cast %get3A_831 : vector<16xi32> to vector<1x16xi32>
        tpu.vector_store %arg11[%swap3A_833, %swap3A_834], %swap3A_837 {strides = array<i32>} : memref<3x128xi32, #tpu.memory_space<vmem>>, vector<1x16xi32>,
        %mul3A_838 = arith.constant 4 : i32
        %mul3A_839 = arith.muli %add3A_715, %mul3A_838 : i32
        %add3A_840 = arith.constant 3 : i32
        %add3A_841 = arith.addi %mul3A_839, %add3A_840 : i32
        %get3A_842 = arith.index_cast %add3A_841 : i32 to index
        %get3A_843 = arith.constant 0 : index
        %get3A_844 = tpu.vector_load %arg10[%get3A_842, %get3A_843] {strides = array<i32>} : memref<160x128xi32, #tpu.memory_space<vmem>>, vector<1x16xi32>,
        %get3A_845 = vector.shape_cast %get3A_844 : vector<1x16xi32> to vector<16xi32>
        %swap3A_846 = arith.constant 0 : i32
        %swap3A_847 = arith.index_cast %swap3A_846 : i32 to index
        %swap3A_848 = arith.constant 96 : index
        %swap3A_849 = tpu.vector_load %arg11[%swap3A_847, %swap3A_848] {strides = array<i32>} : memref<3x128xi32, #tpu.memory_space<vmem>>, vector<1x16xi32>,
        %swap3A_850 = vector.shape_cast %swap3A_849 : vector<1x16xi32> to vector<16xi32>
        %swap3A_851 = vector.shape_cast %get3A_845 : vector<16xi32> to vector<1x16xi32>
        tpu.vector_store %arg11[%swap3A_847, %swap3A_848], %swap3A_851 {strides = array<i32>} : memref<3x128xi32, #tpu.memory_space<vmem>>, vector<1x16xi32>,
        %get3A_852 = arith.index_cast %add3A_841 : i32 to index
        %get3A_853 = arith.constant 16 : index
        %get3A_854 = tpu.vector_load %arg10[%get3A_852, %get3A_853] {strides = array<i32>} : memref<160x128xi32, #tpu.memory_space<vmem>>, vector<1x16xi32>,
        %get3A_855 = vector.shape_cast %get3A_854 : vector<1x16xi32> to vector<16xi32>
        %swap3A_856 = arith.constant 0 : i32
        %swap3A_857 = arith.index_cast %swap3A_856 : i32 to index
        %swap3A_858 = arith.constant 112 : index
        %swap3A_859 = tpu.vector_load %arg11[%swap3A_857, %swap3A_858] {strides = array<i32>} : memref<3x128xi32, #tpu.memory_space<vmem>>, vector<1x16xi32>,
        %swap3A_860 = vector.shape_cast %swap3A_859 : vector<1x16xi32> to vector<16xi32>
        %swap3A_861 = vector.shape_cast %get3A_855 : vector<16xi32> to vector<1x16xi32>
        tpu.vector_store %arg11[%swap3A_857, %swap3A_858], %swap3A_861 {strides = array<i32>} : memref<3x128xi32, #tpu.memory_space<vmem>>, vector<1x16xi32>,
        %dma_start3A_862 = arith.constant 0 : i32
        %dma_start3A_863 = arith.constant 0 : i32
        %dma_start3A_864 = arith.constant 0 : i32
        %dma_start3A_865 = arith.constant 0 : i32
        %dma_start3A_866 = tpu.memref_slice %arg15[%dma_start3A_863, %dma_start3A_864, %dma_start3A_865] : memref<3x128x128xf32, #tpu.memory_space<vmem>> -> memref<1x128x128xf32, #tpu.memory_space<vmem>>
        %dma_start3A_867 = tpu.memref_squeeze %dma_start3A_866 : memref<1x128x128xf32, #tpu.memory_space<vmem>> -> memref<128x128xf32, #tpu.memory_space<vmem>>
        %dma_start3A_868 = arith.constant 0 : i32
        %dma_start3A_869 = tpu.memref_slice %arg11[%dma_start3A_862, %dma_start3A_868] : memref<3x128xi32, #tpu.memory_space<vmem>> -> memref<1x128xi32, #tpu.memory_space<vmem>>
        %dma_start3A_870 = tpu.memref_squeeze %dma_start3A_869 : memref<1x128xi32, #tpu.memory_space<vmem>> -> memref<128xi32, #tpu.memory_space<vmem>>
        %dma_start3A_871 = arith.constant 0 : i32
        %dma_start3A_872 = arith.constant 0 : i32
        %dma_start3A_873 = tpu.memref_slice %arg2[%dma_start3A_871, %dma_start3A_872] : memref<10000x128xf32, #tpu.memory_space<hbm>> -> memref<10000x128xf32, #tpu.memory_space<hbm>>
        tpu.enqueue_indirect_dma source(%dma_start3A_873 : memref<10000x128xf32, #tpu.memory_space<hbm>>) target(%dma_start3A_867 : memref<128x128xf32, #tpu.memory_space<vmem>>) offsets(%dma_start3A_870 : memref<128xi32, #tpu.memory_space<vmem>>) semaphore(%arg19 : memref<!tpu.dma_semaphore, #tpu.memory_space<semaphore_mem>>)
      } else {
      }
      %sub3A = arith.constant 2 : i32
      %sub3A_718 = arith.subi %add3A_715, %sub3A : i32
      %ge3A = arith.constant 0 : i32
      %ge3A_719 = arith.cmpi sge, %sub3A_718, %ge3A : i32
      %lt3A_720 = arith.constant 40 : i32
      %lt3A_721 = arith.cmpi slt, %sub3A_718, %lt3A_720 : i32
      %and3A = arith.andi %ge3A_719, %lt3A_721 : i1
      %convert_element_type3A_722 = arith.extui %and3A : i1 to i32
      %cond3A_723 = arith.constant 0 : i32
      %cond3A_724 = arith.cmpi ne, %convert_element_type3A_722, %cond3A_723 : i32
      scf.if %cond3A_724 {
        %dma_wait3A_763 = arith.constant 1 : i32
        %dma_wait3A_764 = arith.constant 1 : i32
        %dma_wait3A_765 = arith.constant 0 : i32
        %dma_wait3A_766 = arith.constant 0 : i32
        %dma_wait3A_767 = tpu.memref_slice %arg15[%dma_wait3A_764, %dma_wait3A_765, %dma_wait3A_766] : memref<3x128x128xf32, #tpu.memory_space<vmem>> -> memref<1x128x128xf32, #tpu.memory_space<vmem>>
        %dma_wait3A_768 = tpu.memref_squeeze %dma_wait3A_767 : memref<1x128x128xf32, #tpu.memory_space<vmem>> -> memref<128x128xf32, #tpu.memory_space<vmem>>
        %dma_wait3A_769 = arith.constant 0 : i32
        %dma_wait3A_770 = tpu.memref_slice %arg11[%dma_wait3A_763, %dma_wait3A_769] : memref<3x128xi32, #tpu.memory_space<vmem>> -> memref<1x128xi32, #tpu.memory_space<vmem>>
        %dma_wait3A_771 = tpu.memref_squeeze %dma_wait3A_770 : memref<1x128xi32, #tpu.memory_space<vmem>> -> memref<128xi32, #tpu.memory_space<vmem>>
        %dma_wait3A_772 = arith.constant 0 : i32
        %dma_wait3A_773 = arith.constant 0 : i32
        %dma_wait3A_774 = tpu.memref_slice %arg2[%dma_wait3A_772, %dma_wait3A_773] : memref<10000x128xf32, #tpu.memory_space<hbm>> -> memref<10000x128xf32, #tpu.memory_space<hbm>>
        tpu.wait_indirect_dma semaphore(%arg20 : memref<!tpu.dma_semaphore, #tpu.memory_space<semaphore_mem>>) src(%dma_wait3A_774 : memref<10000x128xf32, #tpu.memory_space<hbm>>) dst(%dma_wait3A_768 : memref<128x128xf32, #tpu.memory_space<vmem>>)
        %mul3A_775 = arith.constant 4 : i32
        %mul3A_776 = arith.muli %sub3A_718, %mul3A_775 : i32
        %add3A_777 = arith.constant 0 : i32
        %add3A_778 = arith.addi %mul3A_776, %add3A_777 : i32
        %broadcast_in_dim3A = arith.constant 0 : i32
        %broadcast_in_dim3A_779 = vector.broadcast %broadcast_in_dim3A : i32 to vector<16xi32>
        %add3A_780 = arith.addi %mul3A_4, %add3A_778 : i32
        %add3A_781 = vector.broadcast %add3A_780 : i32 to vector<16xi32>
        %add3A_782 = arith.addi %broadcast_in_dim3A_779, %add3A_781 : vector<16xi32>
        %swap3A = arith.constant 1 : i32
        %swap3A_783 = arith.index_cast %swap3A : i32 to index
        %swap3A_784 = arith.constant 0 : index
        %swap3A_785 = tpu.vector_load %arg12[%swap3A_783, %swap3A_784] {strides = array<i32>} : memref<3x128xi32, #tpu.memory_space<vmem>>, vector<1x16xi32>,
        %swap3A_786 = vector.shape_cast %swap3A_785 : vector<1x16xi32> to vector<16xi32>
        %swap3A_787 = vector.shape_cast %add3A_782 : vector<16xi32> to vector<1x16xi32>
        tpu.vector_store %arg12[%swap3A_783, %swap3A_784], %swap3A_787 {strides = array<i32>} : memref<3x128xi32, #tpu.memory_space<vmem>>, vector<1x16xi32>,
        %mul3A_788 = arith.constant 4 : i32
        %mul3A_789 = arith.muli %sub3A_718, %mul3A_788 : i32
        %add3A_790 = arith.constant 0 : i32
        %add3A_791 = arith.addi %mul3A_789, %add3A_790 : i32
        %add3A_792 = arith.constant 160 : i32
        %add3A_793 = arith.addi %mul3A_4, %add3A_792 : i32
        %add3A_794 = arith.constant 0 : i32
        %add3A_795 = arith.addi %add3A_793, %add3A_794 : i32
        %lt3A_796 = arith.constant 9 : i32
        %lt3A_797 = vector.broadcast %lt3A_796 : i32 to vector<16xi32>
        %lt3A_798 = arith.cmpi slt, %iota3A, %lt3A_797 : vector<16xi32>
        %add3A_799 = arith.addi %mul3A_4, %add3A_791 : i32
        %broadcast_in_dim3A_800 = vector.broadcast %add3A_799 : i32 to vector<16xi32>
        %broadcast_in_dim3A_801 = vector.broadcast %add3A_795 : i32 to vector<16xi32>
        %select_n3A = arith.select %lt3A_798, %broadcast_in_dim3A_800, %broadcast_in_dim3A_801 : vector<16xi1>, vector<16xi32>
        %swap3A_802 = arith.constant 1 : i32
        %swap3A_803 = arith.index_cast %swap3A_802 : i32 to index
        %swap3A_804 = arith.constant 16 : index
        %swap3A_805 = tpu.vector_load %arg12[%swap3A_803, %swap3A_804] {strides = array<i32>} : memref<3x128xi32, #tpu.memory_space<vmem>>, vector<1x16xi32>,
        %swap3A_806 = vector.shape_cast %swap3A_805 : vector<1x16xi32> to vector<16xi32>
        %swap3A_807 = vector.shape_cast %select_n3A : vector<16xi32> to vector<1x16xi32>
        tpu.vector_store %arg12[%swap3A_803, %swap3A_804], %swap3A_807 {strides = array<i32>} : memref<3x128xi32, #tpu.memory_space<vmem>>, vector<1x16xi32>,
        %mul3A_808 = arith.constant 4 : i32
        %mul3A_809 = arith.muli %sub3A_718, %mul3A_808 : i32
        %add3A_810 = arith.constant 1 : i32
        %add3A_811 = arith.addi %mul3A_809, %add3A_810 : i32
        %broadcast_in_dim3A_812 = arith.constant 0 : i32
        %broadcast_in_dim3A_813 = vector.broadcast %broadcast_in_dim3A_812 : i32 to vector<16xi32>
        %add3A_814 = arith.addi %mul3A_4, %add3A_811 : i32
        %add3A_815 = vector.broadcast %add3A_814 : i32 to vector<16xi32>
        %add3A_816 = arith.addi %broadcast_in_dim3A_813, %add3A_815 : vector<16xi32>
        %swap3A_817 = arith.constant 1 : i32
        %swap3A_818 = arith.index_cast %swap3A_817 : i32 to index
        %swap3A_819 = arith.constant 32 : index
        %swap3A_820 = tpu.vector_load %arg12[%swap3A_818, %swap3A_819] {strides = array<i32>} : memref<3x128xi32, #tpu.memory_space<vmem>>, vector<1x16xi32>,
        %swap3A_821 = vector.shape_cast %swap3A_820 : vector<1x16xi32> to vector<16xi32>
        %swap3A_822 = vector.shape_cast %add3A_816 : vector<16xi32> to vector<1x16xi32>
        tpu.vector_store %arg12[%swap3A_818, %swap3A_819], %swap3A_822 {strides = array<i32>} : memref<3x128xi32, #tpu.memory_space<vmem>>, vector<1x16xi32>,
        %mul3A_823 = arith.constant 4 : i32
        %mul3A_824 = arith.muli %sub3A_718, %mul3A_823 : i32
        %add3A_825 = arith.constant 1 : i32
        %add3A_826 = arith.addi %mul3A_824, %add3A_825 : i32
        %add3A_827 = arith.constant 160 : i32
        %add3A_828 = arith.addi %mul3A_4, %add3A_827 : i32
        %add3A_829 = arith.constant 1 : i32
        %add3A_830 = arith.addi %add3A_828, %add3A_829 : i32
        %lt3A_831 = arith.constant 9 : i32
        %lt3A_832 = vector.broadcast %lt3A_831 : i32 to vector<16xi32>
        %lt3A_833 = arith.cmpi slt, %iota3A, %lt3A_832 : vector<16xi32>
        %add3A_834 = arith.addi %mul3A_4, %add3A_826 : i32
        %broadcast_in_dim3A_835 = vector.broadcast %add3A_834 : i32 to vector<16xi32>
        %broadcast_in_dim3A_836 = vector.broadcast %add3A_830 : i32 to vector<16xi32>
        %select_n3A_837 = arith.select %lt3A_833, %broadcast_in_dim3A_835, %broadcast_in_dim3A_836 : vector<16xi1>, vector<16xi32>
        %swap3A_838 = arith.constant 1 : i32
        %swap3A_839 = arith.index_cast %swap3A_838 : i32 to index
        %swap3A_840 = arith.constant 48 : index
        %swap3A_841 = tpu.vector_load %arg12[%swap3A_839, %swap3A_840] {strides = array<i32>} : memref<3x128xi32, #tpu.memory_space<vmem>>, vector<1x16xi32>,
        %swap3A_842 = vector.shape_cast %swap3A_841 : vector<1x16xi32> to vector<16xi32>
        %swap3A_843 = vector.shape_cast %select_n3A_837 : vector<16xi32> to vector<1x16xi32>
        tpu.vector_store %arg12[%swap3A_839, %swap3A_840], %swap3A_843 {strides = array<i32>} : memref<3x128xi32, #tpu.memory_space<vmem>>, vector<1x16xi32>,
        %mul3A_844 = arith.constant 4 : i32
        %mul3A_845 = arith.muli %sub3A_718, %mul3A_844 : i32
        %add3A_846 = arith.constant 2 : i32
        %add3A_847 = arith.addi %mul3A_845, %add3A_846 : i32
        %broadcast_in_dim3A_848 = arith.constant 0 : i32
        %broadcast_in_dim3A_849 = vector.broadcast %broadcast_in_dim3A_848 : i32 to vector<16xi32>
        %add3A_850 = arith.addi %mul3A_4, %add3A_847 : i32
        %add3A_851 = vector.broadcast %add3A_850 : i32 to vector<16xi32>
        %add3A_852 = arith.addi %broadcast_in_dim3A_849, %add3A_851 : vector<16xi32>
        %swap3A_853 = arith.constant 1 : i32
        %swap3A_854 = arith.index_cast %swap3A_853 : i32 to index
        %swap3A_855 = arith.constant 64 : index
        %swap3A_856 = tpu.vector_load %arg12[%swap3A_854, %swap3A_855] {strides = array<i32>} : memref<3x128xi32, #tpu.memory_space<vmem>>, vector<1x16xi32>,
        %swap3A_857 = vector.shape_cast %swap3A_856 : vector<1x16xi32> to vector<16xi32>
        %swap3A_858 = vector.shape_cast %add3A_852 : vector<16xi32> to vector<1x16xi32>
        tpu.vector_store %arg12[%swap3A_854, %swap3A_855], %swap3A_858 {strides = array<i32>} : memref<3x128xi32, #tpu.memory_space<vmem>>, vector<1x16xi32>,
        %mul3A_859 = arith.constant 4 : i32
        %mul3A_860 = arith.muli %sub3A_718, %mul3A_859 : i32
        %add3A_861 = arith.constant 2 : i32
        %add3A_862 = arith.addi %mul3A_860, %add3A_861 : i32
        %add3A_863 = arith.constant 160 : i32
        %add3A_864 = arith.addi %mul3A_4, %add3A_863 : i32
        %add3A_865 = arith.constant 2 : i32
        %add3A_866 = arith.addi %add3A_864, %add3A_865 : i32
        %lt3A_867 = arith.constant 9 : i32
        %lt3A_868 = vector.broadcast %lt3A_867 : i32 to vector<16xi32>
        %lt3A_869 = arith.cmpi slt, %iota3A, %lt3A_868 : vector<16xi32>
        %add3A_870 = arith.addi %mul3A_4, %add3A_862 : i32
        %broadcast_in_dim3A_871 = vector.broadcast %add3A_870 : i32 to vector<16xi32>
        %broadcast_in_dim3A_872 = vector.broadcast %add3A_866 : i32 to vector<16xi32>
        %select_n3A_873 = arith.select %lt3A_869, %broadcast_in_dim3A_871, %broadcast_in_dim3A_872 : vector<16xi1>, vector<16xi32>
        %swap3A_874 = arith.constant 1 : i32
        %swap3A_875 = arith.index_cast %swap3A_874 : i32 to index
        %swap3A_876 = arith.constant 80 : index
        %swap3A_877 = tpu.vector_load %arg12[%swap3A_875, %swap3A_876] {strides = array<i32>} : memref<3x128xi32, #tpu.memory_space<vmem>>, vector<1x16xi32>,
        %swap3A_878 = vector.shape_cast %swap3A_877 : vector<1x16xi32> to vector<16xi32>
        %swap3A_879 = vector.shape_cast %select_n3A_873 : vector<16xi32> to vector<1x16xi32>
        tpu.vector_store %arg12[%swap3A_875, %swap3A_876], %swap3A_879 {strides = array<i32>} : memref<3x128xi32, #tpu.memory_space<vmem>>, vector<1x16xi32>,
        %mul3A_880 = arith.constant 4 : i32
        %mul3A_881 = arith.muli %sub3A_718, %mul3A_880 : i32
        %add3A_882 = arith.constant 3 : i32
        %add3A_883 = arith.addi %mul3A_881, %add3A_882 : i32
        %broadcast_in_dim3A_884 = arith.constant 0 : i32
        %broadcast_in_dim3A_885 = vector.broadcast %broadcast_in_dim3A_884 : i32 to vector<16xi32>
        %add3A_886 = arith.addi %mul3A_4, %add3A_883 : i32
        %add3A_887 = vector.broadcast %add3A_886 : i32 to vector<16xi32>
        %add3A_888 = arith.addi %broadcast_in_dim3A_885, %add3A_887 : vector<16xi32>
        %swap3A_889 = arith.constant 1 : i32
        %swap3A_890 = arith.index_cast %swap3A_889 : i32 to index
        %swap3A_891 = arith.constant 96 : index
        %swap3A_892 = tpu.vector_load %arg12[%swap3A_890, %swap3A_891] {strides = array<i32>} : memref<3x128xi32, #tpu.memory_space<vmem>>, vector<1x16xi32>,
        %swap3A_893 = vector.shape_cast %swap3A_892 : vector<1x16xi32> to vector<16xi32>
        %swap3A_894 = vector.shape_cast %add3A_888 : vector<16xi32> to vector<1x16xi32>
        tpu.vector_store %arg12[%swap3A_890, %swap3A_891], %swap3A_894 {strides = array<i32>} : memref<3x128xi32, #tpu.memory_space<vmem>>, vector<1x16xi32>,
        %mul3A_895 = arith.constant 4 : i32
        %mul3A_896 = arith.muli %sub3A_718, %mul3A_895 : i32
        %add3A_897 = arith.constant 3 : i32
        %add3A_898 = arith.addi %mul3A_896, %add3A_897 : i32
        %add3A_899 = arith.constant 160 : i32
        %add3A_900 = arith.addi %mul3A_4, %add3A_899 : i32
        %add3A_901 = arith.constant 3 : i32
        %add3A_902 = arith.addi %add3A_900, %add3A_901 : i32
        %lt3A_903 = arith.constant 9 : i32
        %lt3A_904 = vector.broadcast %lt3A_903 : i32 to vector<16xi32>
        %lt3A_905 = arith.cmpi slt, %iota3A, %lt3A_904 : vector<16xi32>
        %add3A_906 = arith.addi %mul3A_4, %add3A_898 : i32
        %broadcast_in_dim3A_907 = vector.broadcast %add3A_906 : i32 to vector<16xi32>
        %broadcast_in_dim3A_908 = vector.broadcast %add3A_902 : i32 to vector<16xi32>
        %select_n3A_909 = arith.select %lt3A_905, %broadcast_in_dim3A_907, %broadcast_in_dim3A_908 : vector<16xi1>, vector<16xi32>
        %swap3A_910 = arith.constant 1 : i32
        %swap3A_911 = arith.index_cast %swap3A_910 : i32 to index
        %swap3A_912 = arith.constant 112 : index
        %swap3A_913 = tpu.vector_load %arg12[%swap3A_911, %swap3A_912] {strides = array<i32>} : memref<3x128xi32, #tpu.memory_space<vmem>>, vector<1x16xi32>,
        %swap3A_914 = vector.shape_cast %swap3A_913 : vector<1x16xi32> to vector<16xi32>
        %swap3A_915 = vector.shape_cast %select_n3A_909 : vector<16xi32> to vector<1x16xi32>
        tpu.vector_store %arg12[%swap3A_911, %swap3A_912], %swap3A_915 {strides = array<i32>} : memref<3x128xi32, #tpu.memory_space<vmem>>, vector<1x16xi32>,
        %dma_start3A_916 = arith.constant 1 : i32
        %dma_start3A_917 = arith.constant 1 : i32
        %dma_start3A_918 = arith.constant 0 : i32
        %dma_start3A_919 = arith.constant 0 : i32
        %dma_start3A_920 = tpu.memref_slice %arg15[%dma_start3A_916, %dma_start3A_918, %dma_start3A_919] : memref<3x128x128xf32, #tpu.memory_space<vmem>> -> memref<1x128x128xf32, #tpu.memory_space<vmem>>
        %dma_start3A_921 = tpu.memref_squeeze %dma_start3A_920 : memref<1x128x128xf32, #tpu.memory_space<vmem>> -> memref<128x128xf32, #tpu.memory_space<vmem>>
        %dma_start3A_922 = arith.constant 0 : i32
        %dma_start3A_923 = tpu.memref_slice %arg12[%dma_start3A_917, %dma_start3A_922] : memref<3x128xi32, #tpu.memory_space<vmem>> -> memref<1x128xi32, #tpu.memory_space<vmem>>
        %dma_start3A_924 = tpu.memref_squeeze %dma_start3A_923 : memref<1x128xi32, #tpu.memory_space<vmem>> -> memref<128xi32, #tpu.memory_space<vmem>>
        %dma_start3A_925 = arith.constant 0 : i32
        %dma_start3A_926 = arith.constant 0 : i32
        %dma_start3A_927 = tpu.memref_slice %arg16[%dma_start3A_925, %dma_start3A_926] : memref<2624x128xf32, #tpu.memory_space<vmem_shared>> -> memref<2624x128xf32, #tpu.memory_space<vmem_shared>>
        tpu.enqueue_indirect_dma source(%dma_start3A_921 : memref<128x128xf32, #tpu.memory_space<vmem>>) target(%dma_start3A_927 : memref<2624x128xf32, #tpu.memory_space<vmem_shared>>) offsets(%dma_start3A_924 : memref<128xi32, #tpu.memory_space<vmem>>) semaphore(%arg23 : memref<!tpu.dma_semaphore, #tpu.memory_space<semaphore_mem>>) {add = true}
      } else {
      }
      %mul3A_725 = arith.constant 3 : i32
      %mul3A_726 = arith.muli %scan3A_711, %mul3A_725 : i32
      %add3A_727 = arith.constant 1 : i32
      %add3A_728 = arith.addi %mul3A_726, %add3A_727 : i32
      %lt3A_729 = arith.constant 40 : i32
      %lt3A_730 = arith.cmpi slt, %add3A_728, %lt3A_729 : i32
      %convert_element_type3A_731 = arith.extui %lt3A_730 : i1 to i32
      %cond3A_732 = arith.constant 0 : i32
      %cond3A_733 = arith.cmpi ne, %convert_element_type3A_731, %cond3A_732 : i32
      scf.if %cond3A_733 {
        %ge3A_763 = arith.constant 3 : i32
        %ge3A_764 = arith.cmpi sge, %add3A_728, %ge3A_763 : i32
        %convert_element_type3A_765 = arith.extui %ge3A_764 : i1 to i32
        %cond3A_766 = arith.constant 0 : i32
        %cond3A_767 = arith.cmpi ne, %convert_element_type3A_765, %cond3A_766 : i32
        scf.if %cond3A_767 {
          %dma_wait3A_874 = arith.constant 1 : i32
          %dma_wait3A_875 = arith.constant 1 : i32
          %dma_wait3A_876 = arith.constant 0 : i32
          %dma_wait3A_877 = arith.constant 0 : i32
          %dma_wait3A_878 = tpu.memref_slice %arg15[%dma_wait3A_874, %dma_wait3A_876, %dma_wait3A_877] : memref<3x128x128xf32, #tpu.memory_space<vmem>> -> memref<1x128x128xf32, #tpu.memory_space<vmem>>
          %dma_wait3A_879 = tpu.memref_squeeze %dma_wait3A_878 : memref<1x128x128xf32, #tpu.memory_space<vmem>> -> memref<128x128xf32, #tpu.memory_space<vmem>>
          %dma_wait3A_880 = arith.constant 0 : i32
          %dma_wait3A_881 = tpu.memref_slice %arg12[%dma_wait3A_875, %dma_wait3A_880] : memref<3x128xi32, #tpu.memory_space<vmem>> -> memref<1x128xi32, #tpu.memory_space<vmem>>
          %dma_wait3A_882 = tpu.memref_squeeze %dma_wait3A_881 : memref<1x128xi32, #tpu.memory_space<vmem>> -> memref<128xi32, #tpu.memory_space<vmem>>
          %dma_wait3A_883 = arith.constant 0 : i32
          %dma_wait3A_884 = arith.constant 0 : i32
          %dma_wait3A_885 = tpu.memref_slice %arg16[%dma_wait3A_883, %dma_wait3A_884] : memref<2624x128xf32, #tpu.memory_space<vmem_shared>> -> memref<2624x128xf32, #tpu.memory_space<vmem_shared>>
          tpu.wait_indirect_dma semaphore(%arg23 : memref<!tpu.dma_semaphore, #tpu.memory_space<semaphore_mem>>) src(%dma_wait3A_879 : memref<128x128xf32, #tpu.memory_space<vmem>>) dst(%dma_wait3A_885 : memref<2624x128xf32, #tpu.memory_space<vmem_shared>>)
        } else {
        }
        %mul3A_768 = arith.constant 4 : i32
        %mul3A_769 = arith.muli %add3A_728, %mul3A_768 : i32
        %add3A_770 = arith.constant 0 : i32
        %add3A_771 = arith.addi %mul3A_769, %add3A_770 : i32
        %get3A = arith.index_cast %add3A_771 : i32 to index
        %get3A_772 = arith.constant 0 : index
        %get3A_773 = tpu.vector_load %arg10[%get3A, %get3A_772] {strides = array<i32>} : memref<160x128xi32, #tpu.memory_space<vmem>>, vector<1x16xi32>,
        %get3A_774 = vector.shape_cast %get3A_773 : vector<1x16xi32> to vector<16xi32>
        %swap3A = arith.constant 1 : i32
        %swap3A_775 = arith.index_cast %swap3A : i32 to index
        %swap3A_776 = arith.constant 0 : index
        %swap3A_777 = tpu.vector_load %arg11[%swap3A_775, %swap3A_776] {strides = array<i32>} : memref<3x128xi32, #tpu.memory_space<vmem>>, vector<1x16xi32>,
        %swap3A_778 = vector.shape_cast %swap3A_777 : vector<1x16xi32> to vector<16xi32>
        %swap3A_779 = vector.shape_cast %get3A_774 : vector<16xi32> to vector<1x16xi32>
        tpu.vector_store %arg11[%swap3A_775, %swap3A_776], %swap3A_779 {strides = array<i32>} : memref<3x128xi32, #tpu.memory_space<vmem>>, vector<1x16xi32>,
        %get3A_780 = arith.index_cast %add3A_771 : i32 to index
        %get3A_781 = arith.constant 16 : index
        %get3A_782 = tpu.vector_load %arg10[%get3A_780, %get3A_781] {strides = array<i32>} : memref<160x128xi32, #tpu.memory_space<vmem>>, vector<1x16xi32>,
        %get3A_783 = vector.shape_cast %get3A_782 : vector<1x16xi32> to vector<16xi32>
        %swap3A_784 = arith.constant 1 : i32
        %swap3A_785 = arith.index_cast %swap3A_784 : i32 to index
        %swap3A_786 = arith.constant 16 : index
        %swap3A_787 = tpu.vector_load %arg11[%swap3A_785, %swap3A_786] {strides = array<i32>} : memref<3x128xi32, #tpu.memory_space<vmem>>, vector<1x16xi32>,
        %swap3A_788 = vector.shape_cast %swap3A_787 : vector<1x16xi32> to vector<16xi32>
        %swap3A_789 = vector.shape_cast %get3A_783 : vector<16xi32> to vector<1x16xi32>
        tpu.vector_store %arg11[%swap3A_785, %swap3A_786], %swap3A_789 {strides = array<i32>} : memref<3x128xi32, #tpu.memory_space<vmem>>, vector<1x16xi32>,
        %mul3A_790 = arith.constant 4 : i32
        %mul3A_791 = arith.muli %add3A_728, %mul3A_790 : i32
        %add3A_792 = arith.constant 1 : i32
        %add3A_793 = arith.addi %mul3A_791, %add3A_792 : i32
        %get3A_794 = arith.index_cast %add3A_793 : i32 to index
        %get3A_795 = arith.constant 0 : index
        %get3A_796 = tpu.vector_load %arg10[%get3A_794, %get3A_795] {strides = array<i32>} : memref<160x128xi32, #tpu.memory_space<vmem>>, vector<1x16xi32>,
        %get3A_797 = vector.shape_cast %get3A_796 : vector<1x16xi32> to vector<16xi32>
        %swap3A_798 = arith.constant 1 : i32
        %swap3A_799 = arith.index_cast %swap3A_798 : i32 to index
        %swap3A_800 = arith.constant 32 : index
        %swap3A_801 = tpu.vector_load %arg11[%swap3A_799, %swap3A_800] {strides = array<i32>} : memref<3x128xi32, #tpu.memory_space<vmem>>, vector<1x16xi32>,
        %swap3A_802 = vector.shape_cast %swap3A_801 : vector<1x16xi32> to vector<16xi32>
        %swap3A_803 = vector.shape_cast %get3A_797 : vector<16xi32> to vector<1x16xi32>
        tpu.vector_store %arg11[%swap3A_799, %swap3A_800], %swap3A_803 {strides = array<i32>} : memref<3x128xi32, #tpu.memory_space<vmem>>, vector<1x16xi32>,
        %get3A_804 = arith.index_cast %add3A_793 : i32 to index
        %get3A_805 = arith.constant 16 : index
        %get3A_806 = tpu.vector_load %arg10[%get3A_804, %get3A_805] {strides = array<i32>} : memref<160x128xi32, #tpu.memory_space<vmem>>, vector<1x16xi32>,
        %get3A_807 = vector.shape_cast %get3A_806 : vector<1x16xi32> to vector<16xi32>
        %swap3A_808 = arith.constant 1 : i32
        %swap3A_809 = arith.index_cast %swap3A_808 : i32 to index
        %swap3A_810 = arith.constant 48 : index
        %swap3A_811 = tpu.vector_load %arg11[%swap3A_809, %swap3A_810] {strides = array<i32>} : memref<3x128xi32, #tpu.memory_space<vmem>>, vector<1x16xi32>,
        %swap3A_812 = vector.shape_cast %swap3A_811 : vector<1x16xi32> to vector<16xi32>
        %swap3A_813 = vector.shape_cast %get3A_807 : vector<16xi32> to vector<1x16xi32>
        tpu.vector_store %arg11[%swap3A_809, %swap3A_810], %swap3A_813 {strides = array<i32>} : memref<3x128xi32, #tpu.memory_space<vmem>>, vector<1x16xi32>,
        %mul3A_814 = arith.constant 4 : i32
        %mul3A_815 = arith.muli %add3A_728, %mul3A_814 : i32
        %add3A_816 = arith.constant 2 : i32
        %add3A_817 = arith.addi %mul3A_815, %add3A_816 : i32
        %get3A_818 = arith.index_cast %add3A_817 : i32 to index
        %get3A_819 = arith.constant 0 : index
        %get3A_820 = tpu.vector_load %arg10[%get3A_818, %get3A_819] {strides = array<i32>} : memref<160x128xi32, #tpu.memory_space<vmem>>, vector<1x16xi32>,
        %get3A_821 = vector.shape_cast %get3A_820 : vector<1x16xi32> to vector<16xi32>
        %swap3A_822 = arith.constant 1 : i32
        %swap3A_823 = arith.index_cast %swap3A_822 : i32 to index
        %swap3A_824 = arith.constant 64 : index
        %swap3A_825 = tpu.vector_load %arg11[%swap3A_823, %swap3A_824] {strides = array<i32>} : memref<3x128xi32, #tpu.memory_space<vmem>>, vector<1x16xi32>,
        %swap3A_826 = vector.shape_cast %swap3A_825 : vector<1x16xi32> to vector<16xi32>
        %swap3A_827 = vector.shape_cast %get3A_821 : vector<16xi32> to vector<1x16xi32>
        tpu.vector_store %arg11[%swap3A_823, %swap3A_824], %swap3A_827 {strides = array<i32>} : memref<3x128xi32, #tpu.memory_space<vmem>>, vector<1x16xi32>,
        %get3A_828 = arith.index_cast %add3A_817 : i32 to index
        %get3A_829 = arith.constant 16 : index
        %get3A_830 = tpu.vector_load %arg10[%get3A_828, %get3A_829] {strides = array<i32>} : memref<160x128xi32, #tpu.memory_space<vmem>>, vector<1x16xi32>,
        %get3A_831 = vector.shape_cast %get3A_830 : vector<1x16xi32> to vector<16xi32>
        %swap3A_832 = arith.constant 1 : i32
        %swap3A_833 = arith.index_cast %swap3A_832 : i32 to index
        %swap3A_834 = arith.constant 80 : index
        %swap3A_835 = tpu.vector_load %arg11[%swap3A_833, %swap3A_834] {strides = array<i32>} : memref<3x128xi32, #tpu.memory_space<vmem>>, vector<1x16xi32>,
        %swap3A_836 = vector.shape_cast %swap3A_835 : vector<1x16xi32> to vector<16xi32>
        %swap3A_837 = vector.shape_cast %get3A_831 : vector<16xi32> to vector<1x16xi32>
        tpu.vector_store %arg11[%swap3A_833, %swap3A_834], %swap3A_837 {strides = array<i32>} : memref<3x128xi32, #tpu.memory_space<vmem>>, vector<1x16xi32>,
        %mul3A_838 = arith.constant 4 : i32
        %mul3A_839 = arith.muli %add3A_728, %mul3A_838 : i32
        %add3A_840 = arith.constant 3 : i32
        %add3A_841 = arith.addi %mul3A_839, %add3A_840 : i32
        %get3A_842 = arith.index_cast %add3A_841 : i32 to index
        %get3A_843 = arith.constant 0 : index
        %get3A_844 = tpu.vector_load %arg10[%get3A_842, %get3A_843] {strides = array<i32>} : memref<160x128xi32, #tpu.memory_space<vmem>>, vector<1x16xi32>,
        %get3A_845 = vector.shape_cast %get3A_844 : vector<1x16xi32> to vector<16xi32>
        %swap3A_846 = arith.constant 1 : i32
        %swap3A_847 = arith.index_cast %swap3A_846 : i32 to index
        %swap3A_848 = arith.constant 96 : index
        %swap3A_849 = tpu.vector_load %arg11[%swap3A_847, %swap3A_848] {strides = array<i32>} : memref<3x128xi32, #tpu.memory_space<vmem>>, vector<1x16xi32>,
        %swap3A_850 = vector.shape_cast %swap3A_849 : vector<1x16xi32> to vector<16xi32>
        %swap3A_851 = vector.shape_cast %get3A_845 : vector<16xi32> to vector<1x16xi32>
        tpu.vector_store %arg11[%swap3A_847, %swap3A_848], %swap3A_851 {strides = array<i32>} : memref<3x128xi32, #tpu.memory_space<vmem>>, vector<1x16xi32>,
        %get3A_852 = arith.index_cast %add3A_841 : i32 to index
        %get3A_853 = arith.constant 16 : index
        %get3A_854 = tpu.vector_load %arg10[%get3A_852, %get3A_853] {strides = array<i32>} : memref<160x128xi32, #tpu.memory_space<vmem>>, vector<1x16xi32>,
        %get3A_855 = vector.shape_cast %get3A_854 : vector<1x16xi32> to vector<16xi32>
        %swap3A_856 = arith.constant 1 : i32
        %swap3A_857 = arith.index_cast %swap3A_856 : i32 to index
        %swap3A_858 = arith.constant 112 : index
        %swap3A_859 = tpu.vector_load %arg11[%swap3A_857, %swap3A_858] {strides = array<i32>} : memref<3x128xi32, #tpu.memory_space<vmem>>, vector<1x16xi32>,
        %swap3A_860 = vector.shape_cast %swap3A_859 : vector<1x16xi32> to vector<16xi32>
        %swap3A_861 = vector.shape_cast %get3A_855 : vector<16xi32> to vector<1x16xi32>
        tpu.vector_store %arg11[%swap3A_857, %swap3A_858], %swap3A_861 {strides = array<i32>} : memref<3x128xi32, #tpu.memory_space<vmem>>, vector<1x16xi32>,
        %dma_start3A_862 = arith.constant 1 : i32
        %dma_start3A_863 = arith.constant 1 : i32
        %dma_start3A_864 = arith.constant 0 : i32
        %dma_start3A_865 = arith.constant 0 : i32
        %dma_start3A_866 = tpu.memref_slice %arg15[%dma_start3A_863, %dma_start3A_864, %dma_start3A_865] : memref<3x128x128xf32, #tpu.memory_space<vmem>> -> memref<1x128x128xf32, #tpu.memory_space<vmem>>
        %dma_start3A_867 = tpu.memref_squeeze %dma_start3A_866 : memref<1x128x128xf32, #tpu.memory_space<vmem>> -> memref<128x128xf32, #tpu.memory_space<vmem>>
        %dma_start3A_868 = arith.constant 0 : i32
        %dma_start3A_869 = tpu.memref_slice %arg11[%dma_start3A_862, %dma_start3A_868] : memref<3x128xi32, #tpu.memory_space<vmem>> -> memref<1x128xi32, #tpu.memory_space<vmem>>
        %dma_start3A_870 = tpu.memref_squeeze %dma_start3A_869 : memref<1x128xi32, #tpu.memory_space<vmem>> -> memref<128xi32, #tpu.memory_space<vmem>>
        %dma_start3A_871 = arith.constant 0 : i32
        %dma_start3A_872 = arith.constant 0 : i32
        %dma_start3A_873 = tpu.memref_slice %arg2[%dma_start3A_871, %dma_start3A_872] : memref<10000x128xf32, #tpu.memory_space<hbm>> -> memref<10000x128xf32, #tpu.memory_space<hbm>>
        tpu.enqueue_indirect_dma source(%dma_start3A_873 : memref<10000x128xf32, #tpu.memory_space<hbm>>) target(%dma_start3A_867 : memref<128x128xf32, #tpu.memory_space<vmem>>) offsets(%dma_start3A_870 : memref<128xi32, #tpu.memory_space<vmem>>) semaphore(%arg20 : memref<!tpu.dma_semaphore, #tpu.memory_space<semaphore_mem>>)
      } else {
      }
      %sub3A_734 = arith.constant 2 : i32
      %sub3A_735 = arith.subi %add3A_728, %sub3A_734 : i32
      %ge3A_736 = arith.constant 0 : i32
      %ge3A_737 = arith.cmpi sge, %sub3A_735, %ge3A_736 : i32
      %lt3A_738 = arith.constant 40 : i32
      %lt3A_739 = arith.cmpi slt, %sub3A_735, %lt3A_738 : i32
      %and3A_740 = arith.andi %ge3A_737, %lt3A_739 : i1
      %convert_element_type3A_741 = arith.extui %and3A_740 : i1 to i32
      %cond3A_742 = arith.constant 0 : i32
      %cond3A_743 = arith.cmpi ne, %convert_element_type3A_741, %cond3A_742 : i32
      scf.if %cond3A_743 {
        %dma_wait3A_763 = arith.constant 2 : i32
        %dma_wait3A_764 = arith.constant 2 : i32
        %dma_wait3A_765 = arith.constant 0 : i32
        %dma_wait3A_766 = arith.constant 0 : i32
        %dma_wait3A_767 = tpu.memref_slice %arg15[%dma_wait3A_764, %dma_wait3A_765, %dma_wait3A_766] : memref<3x128x128xf32, #tpu.memory_space<vmem>> -> memref<1x128x128xf32, #tpu.memory_space<vmem>>
        %dma_wait3A_768 = tpu.memref_squeeze %dma_wait3A_767 : memref<1x128x128xf32, #tpu.memory_space<vmem>> -> memref<128x128xf32, #tpu.memory_space<vmem>>
        %dma_wait3A_769 = arith.constant 0 : i32
        %dma_wait3A_770 = tpu.memref_slice %arg11[%dma_wait3A_763, %dma_wait3A_769] : memref<3x128xi32, #tpu.memory_space<vmem>> -> memref<1x128xi32, #tpu.memory_space<vmem>>
        %dma_wait3A_771 = tpu.memref_squeeze %dma_wait3A_770 : memref<1x128xi32, #tpu.memory_space<vmem>> -> memref<128xi32, #tpu.memory_space<vmem>>
        %dma_wait3A_772 = arith.constant 0 : i32
        %dma_wait3A_773 = arith.constant 0 : i32
        %dma_wait3A_774 = tpu.memref_slice %arg2[%dma_wait3A_772, %dma_wait3A_773] : memref<10000x128xf32, #tpu.memory_space<hbm>> -> memref<10000x128xf32, #tpu.memory_space<hbm>>
        tpu.wait_indirect_dma semaphore(%arg21 : memref<!tpu.dma_semaphore, #tpu.memory_space<semaphore_mem>>) src(%dma_wait3A_774 : memref<10000x128xf32, #tpu.memory_space<hbm>>) dst(%dma_wait3A_768 : memref<128x128xf32, #tpu.memory_space<vmem>>)
        %mul3A_775 = arith.constant 4 : i32
        %mul3A_776 = arith.muli %sub3A_735, %mul3A_775 : i32
        %add3A_777 = arith.constant 0 : i32
        %add3A_778 = arith.addi %mul3A_776, %add3A_777 : i32
        %broadcast_in_dim3A = arith.constant 0 : i32
        %broadcast_in_dim3A_779 = vector.broadcast %broadcast_in_dim3A : i32 to vector<16xi32>
        %add3A_780 = arith.addi %mul3A_4, %add3A_778 : i32
        %add3A_781 = vector.broadcast %add3A_780 : i32 to vector<16xi32>
        %add3A_782 = arith.addi %broadcast_in_dim3A_779, %add3A_781 : vector<16xi32>
        %swap3A = arith.constant 2 : i32
        %swap3A_783 = arith.index_cast %swap3A : i32 to index
        %swap3A_784 = arith.constant 0 : index
        %swap3A_785 = tpu.vector_load %arg12[%swap3A_783, %swap3A_784] {strides = array<i32>} : memref<3x128xi32, #tpu.memory_space<vmem>>, vector<1x16xi32>,
        %swap3A_786 = vector.shape_cast %swap3A_785 : vector<1x16xi32> to vector<16xi32>
        %swap3A_787 = vector.shape_cast %add3A_782 : vector<16xi32> to vector<1x16xi32>
        tpu.vector_store %arg12[%swap3A_783, %swap3A_784], %swap3A_787 {strides = array<i32>} : memref<3x128xi32, #tpu.memory_space<vmem>>, vector<1x16xi32>,
        %mul3A_788 = arith.constant 4 : i32
        %mul3A_789 = arith.muli %sub3A_735, %mul3A_788 : i32
        %add3A_790 = arith.constant 0 : i32
        %add3A_791 = arith.addi %mul3A_789, %add3A_790 : i32
        %add3A_792 = arith.constant 160 : i32
        %add3A_793 = arith.addi %mul3A_4, %add3A_792 : i32
        %add3A_794 = arith.constant 0 : i32
        %add3A_795 = arith.addi %add3A_793, %add3A_794 : i32
        %lt3A_796 = arith.constant 9 : i32
        %lt3A_797 = vector.broadcast %lt3A_796 : i32 to vector<16xi32>
        %lt3A_798 = arith.cmpi slt, %iota3A, %lt3A_797 : vector<16xi32>
        %add3A_799 = arith.addi %mul3A_4, %add3A_791 : i32
        %broadcast_in_dim3A_800 = vector.broadcast %add3A_799 : i32 to vector<16xi32>
        %broadcast_in_dim3A_801 = vector.broadcast %add3A_795 : i32 to vector<16xi32>
        %select_n3A = arith.select %lt3A_798, %broadcast_in_dim3A_800, %broadcast_in_dim3A_801 : vector<16xi1>, vector<16xi32>
        %swap3A_802 = arith.constant 2 : i32
        %swap3A_803 = arith.index_cast %swap3A_802 : i32 to index
        %swap3A_804 = arith.constant 16 : index
        %swap3A_805 = tpu.vector_load %arg12[%swap3A_803, %swap3A_804] {strides = array<i32>} : memref<3x128xi32, #tpu.memory_space<vmem>>, vector<1x16xi32>,
        %swap3A_806 = vector.shape_cast %swap3A_805 : vector<1x16xi32> to vector<16xi32>
        %swap3A_807 = vector.shape_cast %select_n3A : vector<16xi32> to vector<1x16xi32>
        tpu.vector_store %arg12[%swap3A_803, %swap3A_804], %swap3A_807 {strides = array<i32>} : memref<3x128xi32, #tpu.memory_space<vmem>>, vector<1x16xi32>,
        %mul3A_808 = arith.constant 4 : i32
        %mul3A_809 = arith.muli %sub3A_735, %mul3A_808 : i32
        %add3A_810 = arith.constant 1 : i32
        %add3A_811 = arith.addi %mul3A_809, %add3A_810 : i32
        %broadcast_in_dim3A_812 = arith.constant 0 : i32
        %broadcast_in_dim3A_813 = vector.broadcast %broadcast_in_dim3A_812 : i32 to vector<16xi32>
        %add3A_814 = arith.addi %mul3A_4, %add3A_811 : i32
        %add3A_815 = vector.broadcast %add3A_814 : i32 to vector<16xi32>
        %add3A_816 = arith.addi %broadcast_in_dim3A_813, %add3A_815 : vector<16xi32>
        %swap3A_817 = arith.constant 2 : i32
        %swap3A_818 = arith.index_cast %swap3A_817 : i32 to index
        %swap3A_819 = arith.constant 32 : index
        %swap3A_820 = tpu.vector_load %arg12[%swap3A_818, %swap3A_819] {strides = array<i32>} : memref<3x128xi32, #tpu.memory_space<vmem>>, vector<1x16xi32>,
        %swap3A_821 = vector.shape_cast %swap3A_820 : vector<1x16xi32> to vector<16xi32>
        %swap3A_822 = vector.shape_cast %add3A_816 : vector<16xi32> to vector<1x16xi32>
        tpu.vector_store %arg12[%swap3A_818, %swap3A_819], %swap3A_822 {strides = array<i32>} : memref<3x128xi32, #tpu.memory_space<vmem>>, vector<1x16xi32>,
        %mul3A_823 = arith.constant 4 : i32
        %mul3A_824 = arith.muli %sub3A_735, %mul3A_823 : i32
        %add3A_825 = arith.constant 1 : i32
        %add3A_826 = arith.addi %mul3A_824, %add3A_825 : i32
        %add3A_827 = arith.constant 160 : i32
        %add3A_828 = arith.addi %mul3A_4, %add3A_827 : i32
        %add3A_829 = arith.constant 1 : i32
        %add3A_830 = arith.addi %add3A_828, %add3A_829 : i32
        %lt3A_831 = arith.constant 9 : i32
        %lt3A_832 = vector.broadcast %lt3A_831 : i32 to vector<16xi32>
        %lt3A_833 = arith.cmpi slt, %iota3A, %lt3A_832 : vector<16xi32>
        %add3A_834 = arith.addi %mul3A_4, %add3A_826 : i32
        %broadcast_in_dim3A_835 = vector.broadcast %add3A_834 : i32 to vector<16xi32>
        %broadcast_in_dim3A_836 = vector.broadcast %add3A_830 : i32 to vector<16xi32>
        %select_n3A_837 = arith.select %lt3A_833, %broadcast_in_dim3A_835, %broadcast_in_dim3A_836 : vector<16xi1>, vector<16xi32>
        %swap3A_838 = arith.constant 2 : i32
        %swap3A_839 = arith.index_cast %swap3A_838 : i32 to index
        %swap3A_840 = arith.constant 48 : index
        %swap3A_841 = tpu.vector_load %arg12[%swap3A_839, %swap3A_840] {strides = array<i32>} : memref<3x128xi32, #tpu.memory_space<vmem>>, vector<1x16xi32>,
        %swap3A_842 = vector.shape_cast %swap3A_841 : vector<1x16xi32> to vector<16xi32>
        %swap3A_843 = vector.shape_cast %select_n3A_837 : vector<16xi32> to vector<1x16xi32>
        tpu.vector_store %arg12[%swap3A_839, %swap3A_840], %swap3A_843 {strides = array<i32>} : memref<3x128xi32, #tpu.memory_space<vmem>>, vector<1x16xi32>,
        %mul3A_844 = arith.constant 4 : i32
        %mul3A_845 = arith.muli %sub3A_735, %mul3A_844 : i32
        %add3A_846 = arith.constant 2 : i32
        %add3A_847 = arith.addi %mul3A_845, %add3A_846 : i32
        %broadcast_in_dim3A_848 = arith.constant 0 : i32
        %broadcast_in_dim3A_849 = vector.broadcast %broadcast_in_dim3A_848 : i32 to vector<16xi32>
        %add3A_850 = arith.addi %mul3A_4, %add3A_847 : i32
        %add3A_851 = vector.broadcast %add3A_850 : i32 to vector<16xi32>
        %add3A_852 = arith.addi %broadcast_in_dim3A_849, %add3A_851 : vector<16xi32>
        %swap3A_853 = arith.constant 2 : i32
        %swap3A_854 = arith.index_cast %swap3A_853 : i32 to index
        %swap3A_855 = arith.constant 64 : index
        %swap3A_856 = tpu.vector_load %arg12[%swap3A_854, %swap3A_855] {strides = array<i32>} : memref<3x128xi32, #tpu.memory_space<vmem>>, vector<1x16xi32>,
        %swap3A_857 = vector.shape_cast %swap3A_856 : vector<1x16xi32> to vector<16xi32>
        %swap3A_858 = vector.shape_cast %add3A_852 : vector<16xi32> to vector<1x16xi32>
        tpu.vector_store %arg12[%swap3A_854, %swap3A_855], %swap3A_858 {strides = array<i32>} : memref<3x128xi32, #tpu.memory_space<vmem>>, vector<1x16xi32>,
        %mul3A_859 = arith.constant 4 : i32
        %mul3A_860 = arith.muli %sub3A_735, %mul3A_859 : i32
        %add3A_861 = arith.constant 2 : i32
        %add3A_862 = arith.addi %mul3A_860, %add3A_861 : i32
        %add3A_863 = arith.constant 160 : i32
        %add3A_864 = arith.addi %mul3A_4, %add3A_863 : i32
        %add3A_865 = arith.constant 2 : i32
        %add3A_866 = arith.addi %add3A_864, %add3A_865 : i32
        %lt3A_867 = arith.constant 9 : i32
        %lt3A_868 = vector.broadcast %lt3A_867 : i32 to vector<16xi32>
        %lt3A_869 = arith.cmpi slt, %iota3A, %lt3A_868 : vector<16xi32>
        %add3A_870 = arith.addi %mul3A_4, %add3A_862 : i32
        %broadcast_in_dim3A_871 = vector.broadcast %add3A_870 : i32 to vector<16xi32>
        %broadcast_in_dim3A_872 = vector.broadcast %add3A_866 : i32 to vector<16xi32>
        %select_n3A_873 = arith.select %lt3A_869, %broadcast_in_dim3A_871, %broadcast_in_dim3A_872 : vector<16xi1>, vector<16xi32>
        %swap3A_874 = arith.constant 2 : i32
        %swap3A_875 = arith.index_cast %swap3A_874 : i32 to index
        %swap3A_876 = arith.constant 80 : index
        %swap3A_877 = tpu.vector_load %arg12[%swap3A_875, %swap3A_876] {strides = array<i32>} : memref<3x128xi32, #tpu.memory_space<vmem>>, vector<1x16xi32>,
        %swap3A_878 = vector.shape_cast %swap3A_877 : vector<1x16xi32> to vector<16xi32>
        %swap3A_879 = vector.shape_cast %select_n3A_873 : vector<16xi32> to vector<1x16xi32>
        tpu.vector_store %arg12[%swap3A_875, %swap3A_876], %swap3A_879 {strides = array<i32>} : memref<3x128xi32, #tpu.memory_space<vmem>>, vector<1x16xi32>,
        %mul3A_880 = arith.constant 4 : i32
        %mul3A_881 = arith.muli %sub3A_735, %mul3A_880 : i32
        %add3A_882 = arith.constant 3 : i32
        %add3A_883 = arith.addi %mul3A_881, %add3A_882 : i32
        %broadcast_in_dim3A_884 = arith.constant 0 : i32
        %broadcast_in_dim3A_885 = vector.broadcast %broadcast_in_dim3A_884 : i32 to vector<16xi32>
        %add3A_886 = arith.addi %mul3A_4, %add3A_883 : i32
        %add3A_887 = vector.broadcast %add3A_886 : i32 to vector<16xi32>
        %add3A_888 = arith.addi %broadcast_in_dim3A_885, %add3A_887 : vector<16xi32>
        %swap3A_889 = arith.constant 2 : i32
        %swap3A_890 = arith.index_cast %swap3A_889 : i32 to index
        %swap3A_891 = arith.constant 96 : index
        %swap3A_892 = tpu.vector_load %arg12[%swap3A_890, %swap3A_891] {strides = array<i32>} : memref<3x128xi32, #tpu.memory_space<vmem>>, vector<1x16xi32>,
        %swap3A_893 = vector.shape_cast %swap3A_892 : vector<1x16xi32> to vector<16xi32>
        %swap3A_894 = vector.shape_cast %add3A_888 : vector<16xi32> to vector<1x16xi32>
        tpu.vector_store %arg12[%swap3A_890, %swap3A_891], %swap3A_894 {strides = array<i32>} : memref<3x128xi32, #tpu.memory_space<vmem>>, vector<1x16xi32>,
        %mul3A_895 = arith.constant 4 : i32
        %mul3A_896 = arith.muli %sub3A_735, %mul3A_895 : i32
        %add3A_897 = arith.constant 3 : i32
        %add3A_898 = arith.addi %mul3A_896, %add3A_897 : i32
        %add3A_899 = arith.constant 160 : i32
        %add3A_900 = arith.addi %mul3A_4, %add3A_899 : i32
        %add3A_901 = arith.constant 3 : i32
        %add3A_902 = arith.addi %add3A_900, %add3A_901 : i32
        %lt3A_903 = arith.constant 9 : i32
        %lt3A_904 = vector.broadcast %lt3A_903 : i32 to vector<16xi32>
        %lt3A_905 = arith.cmpi slt, %iota3A, %lt3A_904 : vector<16xi32>
        %add3A_906 = arith.addi %mul3A_4, %add3A_898 : i32
        %broadcast_in_dim3A_907 = vector.broadcast %add3A_906 : i32 to vector<16xi32>
        %broadcast_in_dim3A_908 = vector.broadcast %add3A_902 : i32 to vector<16xi32>
        %select_n3A_909 = arith.select %lt3A_905, %broadcast_in_dim3A_907, %broadcast_in_dim3A_908 : vector<16xi1>, vector<16xi32>
        %swap3A_910 = arith.constant 2 : i32
        %swap3A_911 = arith.index_cast %swap3A_910 : i32 to index
        %swap3A_912 = arith.constant 112 : index
        %swap3A_913 = tpu.vector_load %arg12[%swap3A_911, %swap3A_912] {strides = array<i32>} : memref<3x128xi32, #tpu.memory_space<vmem>>, vector<1x16xi32>,
        %swap3A_914 = vector.shape_cast %swap3A_913 : vector<1x16xi32> to vector<16xi32>
        %swap3A_915 = vector.shape_cast %select_n3A_909 : vector<16xi32> to vector<1x16xi32>
        tpu.vector_store %arg12[%swap3A_911, %swap3A_912], %swap3A_915 {strides = array<i32>} : memref<3x128xi32, #tpu.memory_space<vmem>>, vector<1x16xi32>,
        %dma_start3A_916 = arith.constant 2 : i32
        %dma_start3A_917 = arith.constant 2 : i32
        %dma_start3A_918 = arith.constant 0 : i32
        %dma_start3A_919 = arith.constant 0 : i32
        %dma_start3A_920 = tpu.memref_slice %arg15[%dma_start3A_916, %dma_start3A_918, %dma_start3A_919] : memref<3x128x128xf32, #tpu.memory_space<vmem>> -> memref<1x128x128xf32, #tpu.memory_space<vmem>>
        %dma_start3A_921 = tpu.memref_squeeze %dma_start3A_920 : memref<1x128x128xf32, #tpu.memory_space<vmem>> -> memref<128x128xf32, #tpu.memory_space<vmem>>
        %dma_start3A_922 = arith.constant 0 : i32
        %dma_start3A_923 = tpu.memref_slice %arg12[%dma_start3A_917, %dma_start3A_922] : memref<3x128xi32, #tpu.memory_space<vmem>> -> memref<1x128xi32, #tpu.memory_space<vmem>>
        %dma_start3A_924 = tpu.memref_squeeze %dma_start3A_923 : memref<1x128xi32, #tpu.memory_space<vmem>> -> memref<128xi32, #tpu.memory_space<vmem>>
        %dma_start3A_925 = arith.constant 0 : i32
        %dma_start3A_926 = arith.constant 0 : i32
        %dma_start3A_927 = tpu.memref_slice %arg16[%dma_start3A_925, %dma_start3A_926] : memref<2624x128xf32, #tpu.memory_space<vmem_shared>> -> memref<2624x128xf32, #tpu.memory_space<vmem_shared>>
        tpu.enqueue_indirect_dma source(%dma_start3A_921 : memref<128x128xf32, #tpu.memory_space<vmem>>) target(%dma_start3A_927 : memref<2624x128xf32, #tpu.memory_space<vmem_shared>>) offsets(%dma_start3A_924 : memref<128xi32, #tpu.memory_space<vmem>>) semaphore(%arg24 : memref<!tpu.dma_semaphore, #tpu.memory_space<semaphore_mem>>) {add = true}
      } else {
      }
      %mul3A_744 = arith.constant 3 : i32
      %mul3A_745 = arith.muli %scan3A_711, %mul3A_744 : i32
      %add3A_746 = arith.constant 2 : i32
      %add3A_747 = arith.addi %mul3A_745, %add3A_746 : i32
      %lt3A_748 = arith.constant 40 : i32
      %lt3A_749 = arith.cmpi slt, %add3A_747, %lt3A_748 : i32
      %convert_element_type3A_750 = arith.extui %lt3A_749 : i1 to i32
      %cond3A_751 = arith.constant 0 : i32
      %cond3A_752 = arith.cmpi ne, %convert_element_type3A_750, %cond3A_751 : i32
      scf.if %cond3A_752 {
        %ge3A_763 = arith.constant 3 : i32
        %ge3A_764 = arith.cmpi sge, %add3A_747, %ge3A_763 : i32
        %convert_element_type3A_765 = arith.extui %ge3A_764 : i1 to i32
        %cond3A_766 = arith.constant 0 : i32
        %cond3A_767 = arith.cmpi ne, %convert_element_type3A_765, %cond3A_766 : i32
        scf.if %cond3A_767 {
          %dma_wait3A_874 = arith.constant 2 : i32
          %dma_wait3A_875 = arith.constant 2 : i32
          %dma_wait3A_876 = arith.constant 0 : i32
          %dma_wait3A_877 = arith.constant 0 : i32
          %dma_wait3A_878 = tpu.memref_slice %arg15[%dma_wait3A_874, %dma_wait3A_876, %dma_wait3A_877] : memref<3x128x128xf32, #tpu.memory_space<vmem>> -> memref<1x128x128xf32, #tpu.memory_space<vmem>>
          %dma_wait3A_879 = tpu.memref_squeeze %dma_wait3A_878 : memref<1x128x128xf32, #tpu.memory_space<vmem>> -> memref<128x128xf32, #tpu.memory_space<vmem>>
          %dma_wait3A_880 = arith.constant 0 : i32
          %dma_wait3A_881 = tpu.memref_slice %arg12[%dma_wait3A_875, %dma_wait3A_880] : memref<3x128xi32, #tpu.memory_space<vmem>> -> memref<1x128xi32, #tpu.memory_space<vmem>>
          %dma_wait3A_882 = tpu.memref_squeeze %dma_wait3A_881 : memref<1x128xi32, #tpu.memory_space<vmem>> -> memref<128xi32, #tpu.memory_space<vmem>>
          %dma_wait3A_883 = arith.constant 0 : i32
          %dma_wait3A_884 = arith.constant 0 : i32
          %dma_wait3A_885 = tpu.memref_slice %arg16[%dma_wait3A_883, %dma_wait3A_884] : memref<2624x128xf32, #tpu.memory_space<vmem_shared>> -> memref<2624x128xf32, #tpu.memory_space<vmem_shared>>
          tpu.wait_indirect_dma semaphore(%arg24 : memref<!tpu.dma_semaphore, #tpu.memory_space<semaphore_mem>>) src(%dma_wait3A_879 : memref<128x128xf32, #tpu.memory_space<vmem>>) dst(%dma_wait3A_885 : memref<2624x128xf32, #tpu.memory_space<vmem_shared>>)
        } else {
        }
        %mul3A_768 = arith.constant 4 : i32
        %mul3A_769 = arith.muli %add3A_747, %mul3A_768 : i32
        %add3A_770 = arith.constant 0 : i32
        %add3A_771 = arith.addi %mul3A_769, %add3A_770 : i32
        %get3A = arith.index_cast %add3A_771 : i32 to index
        %get3A_772 = arith.constant 0 : index
        %get3A_773 = tpu.vector_load %arg10[%get3A, %get3A_772] {strides = array<i32>} : memref<160x128xi32, #tpu.memory_space<vmem>>, vector<1x16xi32>,
        %get3A_774 = vector.shape_cast %get3A_773 : vector<1x16xi32> to vector<16xi32>
        %swap3A = arith.constant 2 : i32
        %swap3A_775 = arith.index_cast %swap3A : i32 to index
        %swap3A_776 = arith.constant 0 : index
        %swap3A_777 = tpu.vector_load %arg11[%swap3A_775, %swap3A_776] {strides = array<i32>} : memref<3x128xi32, #tpu.memory_space<vmem>>, vector<1x16xi32>,
        %swap3A_778 = vector.shape_cast %swap3A_777 : vector<1x16xi32> to vector<16xi32>
        %swap3A_779 = vector.shape_cast %get3A_774 : vector<16xi32> to vector<1x16xi32>
        tpu.vector_store %arg11[%swap3A_775, %swap3A_776], %swap3A_779 {strides = array<i32>} : memref<3x128xi32, #tpu.memory_space<vmem>>, vector<1x16xi32>,
        %get3A_780 = arith.index_cast %add3A_771 : i32 to index
        %get3A_781 = arith.constant 16 : index
        %get3A_782 = tpu.vector_load %arg10[%get3A_780, %get3A_781] {strides = array<i32>} : memref<160x128xi32, #tpu.memory_space<vmem>>, vector<1x16xi32>,
        %get3A_783 = vector.shape_cast %get3A_782 : vector<1x16xi32> to vector<16xi32>
        %swap3A_784 = arith.constant 2 : i32
        %swap3A_785 = arith.index_cast %swap3A_784 : i32 to index
        %swap3A_786 = arith.constant 16 : index
        %swap3A_787 = tpu.vector_load %arg11[%swap3A_785, %swap3A_786] {strides = array<i32>} : memref<3x128xi32, #tpu.memory_space<vmem>>, vector<1x16xi32>,
        %swap3A_788 = vector.shape_cast %swap3A_787 : vector<1x16xi32> to vector<16xi32>
        %swap3A_789 = vector.shape_cast %get3A_783 : vector<16xi32> to vector<1x16xi32>
        tpu.vector_store %arg11[%swap3A_785, %swap3A_786], %swap3A_789 {strides = array<i32>} : memref<3x128xi32, #tpu.memory_space<vmem>>, vector<1x16xi32>,
        %mul3A_790 = arith.constant 4 : i32
        %mul3A_791 = arith.muli %add3A_747, %mul3A_790 : i32
        %add3A_792 = arith.constant 1 : i32
        %add3A_793 = arith.addi %mul3A_791, %add3A_792 : i32
        %get3A_794 = arith.index_cast %add3A_793 : i32 to index
        %get3A_795 = arith.constant 0 : index
        %get3A_796 = tpu.vector_load %arg10[%get3A_794, %get3A_795] {strides = array<i32>} : memref<160x128xi32, #tpu.memory_space<vmem>>, vector<1x16xi32>,
        %get3A_797 = vector.shape_cast %get3A_796 : vector<1x16xi32> to vector<16xi32>
        %swap3A_798 = arith.constant 2 : i32
        %swap3A_799 = arith.index_cast %swap3A_798 : i32 to index
        %swap3A_800 = arith.constant 32 : index
        %swap3A_801 = tpu.vector_load %arg11[%swap3A_799, %swap3A_800] {strides = array<i32>} : memref<3x128xi32, #tpu.memory_space<vmem>>, vector<1x16xi32>,
        %swap3A_802 = vector.shape_cast %swap3A_801 : vector<1x16xi32> to vector<16xi32>
        %swap3A_803 = vector.shape_cast %get3A_797 : vector<16xi32> to vector<1x16xi32>
        tpu.vector_store %arg11[%swap3A_799, %swap3A_800], %swap3A_803 {strides = array<i32>} : memref<3x128xi32, #tpu.memory_space<vmem>>, vector<1x16xi32>,
        %get3A_804 = arith.index_cast %add3A_793 : i32 to index
        %get3A_805 = arith.constant 16 : index
        %get3A_806 = tpu.vector_load %arg10[%get3A_804, %get3A_805] {strides = array<i32>} : memref<160x128xi32, #tpu.memory_space<vmem>>, vector<1x16xi32>,
        %get3A_807 = vector.shape_cast %get3A_806 : vector<1x16xi32> to vector<16xi32>
        %swap3A_808 = arith.constant 2 : i32
        %swap3A_809 = arith.index_cast %swap3A_808 : i32 to index
        %swap3A_810 = arith.constant 48 : index
        %swap3A_811 = tpu.vector_load %arg11[%swap3A_809, %swap3A_810] {strides = array<i32>} : memref<3x128xi32, #tpu.memory_space<vmem>>, vector<1x16xi32>,
        %swap3A_812 = vector.shape_cast %swap3A_811 : vector<1x16xi32> to vector<16xi32>
        %swap3A_813 = vector.shape_cast %get3A_807 : vector<16xi32> to vector<1x16xi32>
        tpu.vector_store %arg11[%swap3A_809, %swap3A_810], %swap3A_813 {strides = array<i32>} : memref<3x128xi32, #tpu.memory_space<vmem>>, vector<1x16xi32>,
        %mul3A_814 = arith.constant 4 : i32
        %mul3A_815 = arith.muli %add3A_747, %mul3A_814 : i32
        %add3A_816 = arith.constant 2 : i32
        %add3A_817 = arith.addi %mul3A_815, %add3A_816 : i32
        %get3A_818 = arith.index_cast %add3A_817 : i32 to index
        %get3A_819 = arith.constant 0 : index
        %get3A_820 = tpu.vector_load %arg10[%get3A_818, %get3A_819] {strides = array<i32>} : memref<160x128xi32, #tpu.memory_space<vmem>>, vector<1x16xi32>,
        %get3A_821 = vector.shape_cast %get3A_820 : vector<1x16xi32> to vector<16xi32>
        %swap3A_822 = arith.constant 2 : i32
        %swap3A_823 = arith.index_cast %swap3A_822 : i32 to index
        %swap3A_824 = arith.constant 64 : index
        %swap3A_825 = tpu.vector_load %arg11[%swap3A_823, %swap3A_824] {strides = array<i32>} : memref<3x128xi32, #tpu.memory_space<vmem>>, vector<1x16xi32>,
        %swap3A_826 = vector.shape_cast %swap3A_825 : vector<1x16xi32> to vector<16xi32>
        %swap3A_827 = vector.shape_cast %get3A_821 : vector<16xi32> to vector<1x16xi32>
        tpu.vector_store %arg11[%swap3A_823, %swap3A_824], %swap3A_827 {strides = array<i32>} : memref<3x128xi32, #tpu.memory_space<vmem>>, vector<1x16xi32>,
        %get3A_828 = arith.index_cast %add3A_817 : i32 to index
        %get3A_829 = arith.constant 16 : index
        %get3A_830 = tpu.vector_load %arg10[%get3A_828, %get3A_829] {strides = array<i32>} : memref<160x128xi32, #tpu.memory_space<vmem>>, vector<1x16xi32>,
        %get3A_831 = vector.shape_cast %get3A_830 : vector<1x16xi32> to vector<16xi32>
        %swap3A_832 = arith.constant 2 : i32
        %swap3A_833 = arith.index_cast %swap3A_832 : i32 to index
        %swap3A_834 = arith.constant 80 : index
        %swap3A_835 = tpu.vector_load %arg11[%swap3A_833, %swap3A_834] {strides = array<i32>} : memref<3x128xi32, #tpu.memory_space<vmem>>, vector<1x16xi32>,
        %swap3A_836 = vector.shape_cast %swap3A_835 : vector<1x16xi32> to vector<16xi32>
        %swap3A_837 = vector.shape_cast %get3A_831 : vector<16xi32> to vector<1x16xi32>
        tpu.vector_store %arg11[%swap3A_833, %swap3A_834], %swap3A_837 {strides = array<i32>} : memref<3x128xi32, #tpu.memory_space<vmem>>, vector<1x16xi32>,
        %mul3A_838 = arith.constant 4 : i32
        %mul3A_839 = arith.muli %add3A_747, %mul3A_838 : i32
        %add3A_840 = arith.constant 3 : i32
        %add3A_841 = arith.addi %mul3A_839, %add3A_840 : i32
        %get3A_842 = arith.index_cast %add3A_841 : i32 to index
        %get3A_843 = arith.constant 0 : index
        %get3A_844 = tpu.vector_load %arg10[%get3A_842, %get3A_843] {strides = array<i32>} : memref<160x128xi32, #tpu.memory_space<vmem>>, vector<1x16xi32>,
        %get3A_845 = vector.shape_cast %get3A_844 : vector<1x16xi32> to vector<16xi32>
        %swap3A_846 = arith.constant 2 : i32
        %swap3A_847 = arith.index_cast %swap3A_846 : i32 to index
        %swap3A_848 = arith.constant 96 : index
        %swap3A_849 = tpu.vector_load %arg11[%swap3A_847, %swap3A_848] {strides = array<i32>} : memref<3x128xi32, #tpu.memory_space<vmem>>, vector<1x16xi32>,
        %swap3A_850 = vector.shape_cast %swap3A_849 : vector<1x16xi32> to vector<16xi32>
        %swap3A_851 = vector.shape_cast %get3A_845 : vector<16xi32> to vector<1x16xi32>
        tpu.vector_store %arg11[%swap3A_847, %swap3A_848], %swap3A_851 {strides = array<i32>} : memref<3x128xi32, #tpu.memory_space<vmem>>, vector<1x16xi32>,
        %get3A_852 = arith.index_cast %add3A_841 : i32 to index
        %get3A_853 = arith.constant 16 : index
        %get3A_854 = tpu.vector_load %arg10[%get3A_852, %get3A_853] {strides = array<i32>} : memref<160x128xi32, #tpu.memory_space<vmem>>, vector<1x16xi32>,
        %get3A_855 = vector.shape_cast %get3A_854 : vector<1x16xi32> to vector<16xi32>
        %swap3A_856 = arith.constant 2 : i32
        %swap3A_857 = arith.index_cast %swap3A_856 : i32 to index
        %swap3A_858 = arith.constant 112 : index
        %swap3A_859 = tpu.vector_load %arg11[%swap3A_857, %swap3A_858] {strides = array<i32>} : memref<3x128xi32, #tpu.memory_space<vmem>>, vector<1x16xi32>,
        %swap3A_860 = vector.shape_cast %swap3A_859 : vector<1x16xi32> to vector<16xi32>
        %swap3A_861 = vector.shape_cast %get3A_855 : vector<16xi32> to vector<1x16xi32>
        tpu.vector_store %arg11[%swap3A_857, %swap3A_858], %swap3A_861 {strides = array<i32>} : memref<3x128xi32, #tpu.memory_space<vmem>>, vector<1x16xi32>,
        %dma_start3A_862 = arith.constant 2 : i32
        %dma_start3A_863 = arith.constant 2 : i32
        %dma_start3A_864 = arith.constant 0 : i32
        %dma_start3A_865 = arith.constant 0 : i32
        %dma_start3A_866 = tpu.memref_slice %arg15[%dma_start3A_863, %dma_start3A_864, %dma_start3A_865] : memref<3x128x128xf32, #tpu.memory_space<vmem>> -> memref<1x128x128xf32, #tpu.memory_space<vmem>>
        %dma_start3A_867 = tpu.memref_squeeze %dma_start3A_866 : memref<1x128x128xf32, #tpu.memory_space<vmem>> -> memref<128x128xf32, #tpu.memory_space<vmem>>
        %dma_start3A_868 = arith.constant 0 : i32
        %dma_start3A_869 = tpu.memref_slice %arg11[%dma_start3A_862, %dma_start3A_868] : memref<3x128xi32, #tpu.memory_space<vmem>> -> memref<1x128xi32, #tpu.memory_space<vmem>>
        %dma_start3A_870 = tpu.memref_squeeze %dma_start3A_869 : memref<1x128xi32, #tpu.memory_space<vmem>> -> memref<128xi32, #tpu.memory_space<vmem>>
        %dma_start3A_871 = arith.constant 0 : i32
        %dma_start3A_872 = arith.constant 0 : i32
        %dma_start3A_873 = tpu.memref_slice %arg2[%dma_start3A_871, %dma_start3A_872] : memref<10000x128xf32, #tpu.memory_space<hbm>> -> memref<10000x128xf32, #tpu.memory_space<hbm>>
        tpu.enqueue_indirect_dma source(%dma_start3A_873 : memref<10000x128xf32, #tpu.memory_space<hbm>>) target(%dma_start3A_867 : memref<128x128xf32, #tpu.memory_space<vmem>>) offsets(%dma_start3A_870 : memref<128xi32, #tpu.memory_space<vmem>>) semaphore(%arg21 : memref<!tpu.dma_semaphore, #tpu.memory_space<semaphore_mem>>)
      } else {
      }
      %sub3A_753 = arith.constant 2 : i32
      %sub3A_754 = arith.subi %add3A_747, %sub3A_753 : i32
      %ge3A_755 = arith.constant 0 : i32
      %ge3A_756 = arith.cmpi sge, %sub3A_754, %ge3A_755 : i32
      %lt3A_757 = arith.constant 40 : i32
      %lt3A_758 = arith.cmpi slt, %sub3A_754, %lt3A_757 : i32
      %and3A_759 = arith.andi %ge3A_756, %lt3A_758 : i1
      %convert_element_type3A_760 = arith.extui %and3A_759 : i1 to i32
      %cond3A_761 = arith.constant 0 : i32
      %cond3A_762 = arith.cmpi ne, %convert_element_type3A_760, %cond3A_761 : i32
      scf.if %cond3A_762 {
        %dma_wait3A_763 = arith.constant 0 : i32
        %dma_wait3A_764 = arith.constant 0 : i32
        %dma_wait3A_765 = arith.constant 0 : i32
        %dma_wait3A_766 = arith.constant 0 : i32
        %dma_wait3A_767 = tpu.memref_slice %arg15[%dma_wait3A_764, %dma_wait3A_765, %dma_wait3A_766] : memref<3x128x128xf32, #tpu.memory_space<vmem>> -> memref<1x128x128xf32, #tpu.memory_space<vmem>>
        %dma_wait3A_768 = tpu.memref_squeeze %dma_wait3A_767 : memref<1x128x128xf32, #tpu.memory_space<vmem>> -> memref<128x128xf32, #tpu.memory_space<vmem>>
        %dma_wait3A_769 = arith.constant 0 : i32
        %dma_wait3A_770 = tpu.memref_slice %arg11[%dma_wait3A_763, %dma_wait3A_769] : memref<3x128xi32, #tpu.memory_space<vmem>> -> memref<1x128xi32, #tpu.memory_space<vmem>>
        %dma_wait3A_771 = tpu.memref_squeeze %dma_wait3A_770 : memref<1x128xi32, #tpu.memory_space<vmem>> -> memref<128xi32, #tpu.memory_space<vmem>>
        %dma_wait3A_772 = arith.constant 0 : i32
        %dma_wait3A_773 = arith.constant 0 : i32
        %dma_wait3A_774 = tpu.memref_slice %arg2[%dma_wait3A_772, %dma_wait3A_773] : memref<10000x128xf32, #tpu.memory_space<hbm>> -> memref<10000x128xf32, #tpu.memory_space<hbm>>
        tpu.wait_indirect_dma semaphore(%arg19 : memref<!tpu.dma_semaphore, #tpu.memory_space<semaphore_mem>>) src(%dma_wait3A_774 : memref<10000x128xf32, #tpu.memory_space<hbm>>) dst(%dma_wait3A_768 : memref<128x128xf32, #tpu.memory_space<vmem>>)
        %mul3A_775 = arith.constant 4 : i32
        %mul3A_776 = arith.muli %sub3A_754, %mul3A_775 : i32
        %add3A_777 = arith.constant 0 : i32
        %add3A_778 = arith.addi %mul3A_776, %add3A_777 : i32
        %broadcast_in_dim3A = arith.constant 0 : i32
        %broadcast_in_dim3A_779 = vector.broadcast %broadcast_in_dim3A : i32 to vector<16xi32>
        %add3A_780 = arith.addi %mul3A_4, %add3A_778 : i32
        %add3A_781 = vector.broadcast %add3A_780 : i32 to vector<16xi32>
        %add3A_782 = arith.addi %broadcast_in_dim3A_779, %add3A_781 : vector<16xi32>
        %swap3A = arith.constant 0 : i32
        %swap3A_783 = arith.index_cast %swap3A : i32 to index
        %swap3A_784 = arith.constant 0 : index
        %swap3A_785 = tpu.vector_load %arg12[%swap3A_783, %swap3A_784] {strides = array<i32>} : memref<3x128xi32, #tpu.memory_space<vmem>>, vector<1x16xi32>,
        %swap3A_786 = vector.shape_cast %swap3A_785 : vector<1x16xi32> to vector<16xi32>
        %swap3A_787 = vector.shape_cast %add3A_782 : vector<16xi32> to vector<1x16xi32>
        tpu.vector_store %arg12[%swap3A_783, %swap3A_784], %swap3A_787 {strides = array<i32>} : memref<3x128xi32, #tpu.memory_space<vmem>>, vector<1x16xi32>,
        %mul3A_788 = arith.constant 4 : i32
        %mul3A_789 = arith.muli %sub3A_754, %mul3A_788 : i32
        %add3A_790 = arith.constant 0 : i32
        %add3A_791 = arith.addi %mul3A_789, %add3A_790 : i32
        %add3A_792 = arith.constant 160 : i32
        %add3A_793 = arith.addi %mul3A_4, %add3A_792 : i32
        %add3A_794 = arith.constant 0 : i32
        %add3A_795 = arith.addi %add3A_793, %add3A_794 : i32
        %lt3A_796 = arith.constant 9 : i32
        %lt3A_797 = vector.broadcast %lt3A_796 : i32 to vector<16xi32>
        %lt3A_798 = arith.cmpi slt, %iota3A, %lt3A_797 : vector<16xi32>
        %add3A_799 = arith.addi %mul3A_4, %add3A_791 : i32
        %broadcast_in_dim3A_800 = vector.broadcast %add3A_799 : i32 to vector<16xi32>
        %broadcast_in_dim3A_801 = vector.broadcast %add3A_795 : i32 to vector<16xi32>
        %select_n3A = arith.select %lt3A_798, %broadcast_in_dim3A_800, %broadcast_in_dim3A_801 : vector<16xi1>, vector<16xi32>
        %swap3A_802 = arith.constant 0 : i32
        %swap3A_803 = arith.index_cast %swap3A_802 : i32 to index
        %swap3A_804 = arith.constant 16 : index
        %swap3A_805 = tpu.vector_load %arg12[%swap3A_803, %swap3A_804] {strides = array<i32>} : memref<3x128xi32, #tpu.memory_space<vmem>>, vector<1x16xi32>,
        %swap3A_806 = vector.shape_cast %swap3A_805 : vector<1x16xi32> to vector<16xi32>
        %swap3A_807 = vector.shape_cast %select_n3A : vector<16xi32> to vector<1x16xi32>
        tpu.vector_store %arg12[%swap3A_803, %swap3A_804], %swap3A_807 {strides = array<i32>} : memref<3x128xi32, #tpu.memory_space<vmem>>, vector<1x16xi32>,
        %mul3A_808 = arith.constant 4 : i32
        %mul3A_809 = arith.muli %sub3A_754, %mul3A_808 : i32
        %add3A_810 = arith.constant 1 : i32
        %add3A_811 = arith.addi %mul3A_809, %add3A_810 : i32
        %broadcast_in_dim3A_812 = arith.constant 0 : i32
        %broadcast_in_dim3A_813 = vector.broadcast %broadcast_in_dim3A_812 : i32 to vector<16xi32>
        %add3A_814 = arith.addi %mul3A_4, %add3A_811 : i32
        %add3A_815 = vector.broadcast %add3A_814 : i32 to vector<16xi32>
        %add3A_816 = arith.addi %broadcast_in_dim3A_813, %add3A_815 : vector<16xi32>
        %swap3A_817 = arith.constant 0 : i32
        %swap3A_818 = arith.index_cast %swap3A_817 : i32 to index
        %swap3A_819 = arith.constant 32 : index
        %swap3A_820 = tpu.vector_load %arg12[%swap3A_818, %swap3A_819] {strides = array<i32>} : memref<3x128xi32, #tpu.memory_space<vmem>>, vector<1x16xi32>,
        %swap3A_821 = vector.shape_cast %swap3A_820 : vector<1x16xi32> to vector<16xi32>
        %swap3A_822 = vector.shape_cast %add3A_816 : vector<16xi32> to vector<1x16xi32>
        tpu.vector_store %arg12[%swap3A_818, %swap3A_819], %swap3A_822 {strides = array<i32>} : memref<3x128xi32, #tpu.memory_space<vmem>>, vector<1x16xi32>,
        %mul3A_823 = arith.constant 4 : i32
        %mul3A_824 = arith.muli %sub3A_754, %mul3A_823 : i32
        %add3A_825 = arith.constant 1 : i32
        %add3A_826 = arith.addi %mul3A_824, %add3A_825 : i32
        %add3A_827 = arith.constant 160 : i32
        %add3A_828 = arith.addi %mul3A_4, %add3A_827 : i32
        %add3A_829 = arith.constant 1 : i32
        %add3A_830 = arith.addi %add3A_828, %add3A_829 : i32
        %lt3A_831 = arith.constant 9 : i32
        %lt3A_832 = vector.broadcast %lt3A_831 : i32 to vector<16xi32>
        %lt3A_833 = arith.cmpi slt, %iota3A, %lt3A_832 : vector<16xi32>
        %add3A_834 = arith.addi %mul3A_4, %add3A_826 : i32
        %broadcast_in_dim3A_835 = vector.broadcast %add3A_834 : i32 to vector<16xi32>
        %broadcast_in_dim3A_836 = vector.broadcast %add3A_830 : i32 to vector<16xi32>
        %select_n3A_837 = arith.select %lt3A_833, %broadcast_in_dim3A_835, %broadcast_in_dim3A_836 : vector<16xi1>, vector<16xi32>
        %swap3A_838 = arith.constant 0 : i32
        %swap3A_839 = arith.index_cast %swap3A_838 : i32 to index
        %swap3A_840 = arith.constant 48 : index
        %swap3A_841 = tpu.vector_load %arg12[%swap3A_839, %swap3A_840] {strides = array<i32>} : memref<3x128xi32, #tpu.memory_space<vmem>>, vector<1x16xi32>,
        %swap3A_842 = vector.shape_cast %swap3A_841 : vector<1x16xi32> to vector<16xi32>
        %swap3A_843 = vector.shape_cast %select_n3A_837 : vector<16xi32> to vector<1x16xi32>
        tpu.vector_store %arg12[%swap3A_839, %swap3A_840], %swap3A_843 {strides = array<i32>} : memref<3x128xi32, #tpu.memory_space<vmem>>, vector<1x16xi32>,
        %mul3A_844 = arith.constant 4 : i32
        %mul3A_845 = arith.muli %sub3A_754, %mul3A_844 : i32
        %add3A_846 = arith.constant 2 : i32
        %add3A_847 = arith.addi %mul3A_845, %add3A_846 : i32
        %broadcast_in_dim3A_848 = arith.constant 0 : i32
        %broadcast_in_dim3A_849 = vector.broadcast %broadcast_in_dim3A_848 : i32 to vector<16xi32>
        %add3A_850 = arith.addi %mul3A_4, %add3A_847 : i32
        %add3A_851 = vector.broadcast %add3A_850 : i32 to vector<16xi32>
        %add3A_852 = arith.addi %broadcast_in_dim3A_849, %add3A_851 : vector<16xi32>
        %swap3A_853 = arith.constant 0 : i32
        %swap3A_854 = arith.index_cast %swap3A_853 : i32 to index
        %swap3A_855 = arith.constant 64 : index
        %swap3A_856 = tpu.vector_load %arg12[%swap3A_854, %swap3A_855] {strides = array<i32>} : memref<3x128xi32, #tpu.memory_space<vmem>>, vector<1x16xi32>,
        %swap3A_857 = vector.shape_cast %swap3A_856 : vector<1x16xi32> to vector<16xi32>
        %swap3A_858 = vector.shape_cast %add3A_852 : vector<16xi32> to vector<1x16xi32>
        tpu.vector_store %arg12[%swap3A_854, %swap3A_855], %swap3A_858 {strides = array<i32>} : memref<3x128xi32, #tpu.memory_space<vmem>>, vector<1x16xi32>,
        %mul3A_859 = arith.constant 4 : i32
        %mul3A_860 = arith.muli %sub3A_754, %mul3A_859 : i32
        %add3A_861 = arith.constant 2 : i32
        %add3A_862 = arith.addi %mul3A_860, %add3A_861 : i32
        %add3A_863 = arith.constant 160 : i32
        %add3A_864 = arith.addi %mul3A_4, %add3A_863 : i32
        %add3A_865 = arith.constant 2 : i32
        %add3A_866 = arith.addi %add3A_864, %add3A_865 : i32
        %lt3A_867 = arith.constant 9 : i32
        %lt3A_868 = vector.broadcast %lt3A_867 : i32 to vector<16xi32>
        %lt3A_869 = arith.cmpi slt, %iota3A, %lt3A_868 : vector<16xi32>
        %add3A_870 = arith.addi %mul3A_4, %add3A_862 : i32
        %broadcast_in_dim3A_871 = vector.broadcast %add3A_870 : i32 to vector<16xi32>
        %broadcast_in_dim3A_872 = vector.broadcast %add3A_866 : i32 to vector<16xi32>
        %select_n3A_873 = arith.select %lt3A_869, %broadcast_in_dim3A_871, %broadcast_in_dim3A_872 : vector<16xi1>, vector<16xi32>
        %swap3A_874 = arith.constant 0 : i32
        %swap3A_875 = arith.index_cast %swap3A_874 : i32 to index
        %swap3A_876 = arith.constant 80 : index
        %swap3A_877 = tpu.vector_load %arg12[%swap3A_875, %swap3A_876] {strides = array<i32>} : memref<3x128xi32, #tpu.memory_space<vmem>>, vector<1x16xi32>,
        %swap3A_878 = vector.shape_cast %swap3A_877 : vector<1x16xi32> to vector<16xi32>
        %swap3A_879 = vector.shape_cast %select_n3A_873 : vector<16xi32> to vector<1x16xi32>
        tpu.vector_store %arg12[%swap3A_875, %swap3A_876], %swap3A_879 {strides = array<i32>} : memref<3x128xi32, #tpu.memory_space<vmem>>, vector<1x16xi32>,
        %mul3A_880 = arith.constant 4 : i32
        %mul3A_881 = arith.muli %sub3A_754, %mul3A_880 : i32
        %add3A_882 = arith.constant 3 : i32
        %add3A_883 = arith.addi %mul3A_881, %add3A_882 : i32
        %broadcast_in_dim3A_884 = arith.constant 0 : i32
        %broadcast_in_dim3A_885 = vector.broadcast %broadcast_in_dim3A_884 : i32 to vector<16xi32>
        %add3A_886 = arith.addi %mul3A_4, %add3A_883 : i32
        %add3A_887 = vector.broadcast %add3A_886 : i32 to vector<16xi32>
        %add3A_888 = arith.addi %broadcast_in_dim3A_885, %add3A_887 : vector<16xi32>
        %swap3A_889 = arith.constant 0 : i32
        %swap3A_890 = arith.index_cast %swap3A_889 : i32 to index
        %swap3A_891 = arith.constant 96 : index
        %swap3A_892 = tpu.vector_load %arg12[%swap3A_890, %swap3A_891] {strides = array<i32>} : memref<3x128xi32, #tpu.memory_space<vmem>>, vector<1x16xi32>,
        %swap3A_893 = vector.shape_cast %swap3A_892 : vector<1x16xi32> to vector<16xi32>
        %swap3A_894 = vector.shape_cast %add3A_888 : vector<16xi32> to vector<1x16xi32>
        tpu.vector_store %arg12[%swap3A_890, %swap3A_891], %swap3A_894 {strides = array<i32>} : memref<3x128xi32, #tpu.memory_space<vmem>>, vector<1x16xi32>,
        %mul3A_895 = arith.constant 4 : i32
        %mul3A_896 = arith.muli %sub3A_754, %mul3A_895 : i32
        %add3A_897 = arith.constant 3 : i32
        %add3A_898 = arith.addi %mul3A_896, %add3A_897 : i32
        %add3A_899 = arith.constant 160 : i32
        %add3A_900 = arith.addi %mul3A_4, %add3A_899 : i32
        %add3A_901 = arith.constant 3 : i32
        %add3A_902 = arith.addi %add3A_900, %add3A_901 : i32
        %lt3A_903 = arith.constant 9 : i32
        %lt3A_904 = vector.broadcast %lt3A_903 : i32 to vector<16xi32>
        %lt3A_905 = arith.cmpi slt, %iota3A, %lt3A_904 : vector<16xi32>
        %add3A_906 = arith.addi %mul3A_4, %add3A_898 : i32
        %broadcast_in_dim3A_907 = vector.broadcast %add3A_906 : i32 to vector<16xi32>
        %broadcast_in_dim3A_908 = vector.broadcast %add3A_902 : i32 to vector<16xi32>
        %select_n3A_909 = arith.select %lt3A_905, %broadcast_in_dim3A_907, %broadcast_in_dim3A_908 : vector<16xi1>, vector<16xi32>
        %swap3A_910 = arith.constant 0 : i32
        %swap3A_911 = arith.index_cast %swap3A_910 : i32 to index
        %swap3A_912 = arith.constant 112 : index
        %swap3A_913 = tpu.vector_load %arg12[%swap3A_911, %swap3A_912] {strides = array<i32>} : memref<3x128xi32, #tpu.memory_space<vmem>>, vector<1x16xi32>,
        %swap3A_914 = vector.shape_cast %swap3A_913 : vector<1x16xi32> to vector<16xi32>
        %swap3A_915 = vector.shape_cast %select_n3A_909 : vector<16xi32> to vector<1x16xi32>
        tpu.vector_store %arg12[%swap3A_911, %swap3A_912], %swap3A_915 {strides = array<i32>} : memref<3x128xi32, #tpu.memory_space<vmem>>, vector<1x16xi32>,
        %dma_start3A_916 = arith.constant 0 : i32
        %dma_start3A_917 = arith.constant 0 : i32
        %dma_start3A_918 = arith.constant 0 : i32
        %dma_start3A_919 = arith.constant 0 : i32
        %dma_start3A_920 = tpu.memref_slice %arg15[%dma_start3A_916, %dma_start3A_918, %dma_start3A_919] : memref<3x128x128xf32, #tpu.memory_space<vmem>> -> memref<1x128x128xf32, #tpu.memory_space<vmem>>
        %dma_start3A_921 = tpu.memref_squeeze %dma_start3A_920 : memref<1x128x128xf32, #tpu.memory_space<vmem>> -> memref<128x128xf32, #tpu.memory_space<vmem>>
        %dma_start3A_922 = arith.constant 0 : i32
        %dma_start3A_923 = tpu.memref_slice %arg12[%dma_start3A_917, %dma_start3A_922] : memref<3x128xi32, #tpu.memory_space<vmem>> -> memref<1x128xi32, #tpu.memory_space<vmem>>
        %dma_start3A_924 = tpu.memref_squeeze %dma_start3A_923 : memref<1x128xi32, #tpu.memory_space<vmem>> -> memref<128xi32, #tpu.memory_space<vmem>>
        %dma_start3A_925 = arith.constant 0 : i32
        %dma_start3A_926 = arith.constant 0 : i32
        %dma_start3A_927 = tpu.memref_slice %arg16[%dma_start3A_925, %dma_start3A_926] : memref<2624x128xf32, #tpu.memory_space<vmem_shared>> -> memref<2624x128xf32, #tpu.memory_space<vmem_shared>>
        tpu.enqueue_indirect_dma source(%dma_start3A_921 : memref<128x128xf32, #tpu.memory_space<vmem>>) target(%dma_start3A_927 : memref<2624x128xf32, #tpu.memory_space<vmem_shared>>) offsets(%dma_start3A_924 : memref<128xi32, #tpu.memory_space<vmem>>) semaphore(%arg22 : memref<!tpu.dma_semaphore, #tpu.memory_space<semaphore_mem>>) {add = true}
      } else {
      }
    }
    %scan3A_505 = arith.constant 14 : i32
    %dma_wait3A_506 = arith.constant 0 : i32
    %dma_wait3A_507 = arith.constant 0 : i32
    %dma_wait3A_508 = arith.constant 0 : i32
    %dma_wait3A_509 = tpu.memref_slice %arg13[%dma_wait3A_507, %dma_wait3A_508] : memref<160x128xf32, #tpu.memory_space<vmem>> -> memref<10x128xf32, #tpu.memory_space<vmem>>
    %dma_wait3A_510 = arith.constant 0 : i32
    %dma_wait3A_511 = tpu.memref_slice %arg9[%dma_wait3A_506, %dma_wait3A_510] : memref<16x128xi32, #tpu.memory_space<vmem>> -> memref<1x10xi32, #tpu.memory_space<vmem>>
    %dma_wait3A_512 = tpu.memref_squeeze %dma_wait3A_511 : memref<1x10xi32, #tpu.memory_space<vmem>> -> memref<10xi32, #tpu.memory_space<vmem>>
    %dma_wait3A_513 = arith.constant 0 : i32
    %dma_wait3A_514 = arith.constant 0 : i32
    %dma_wait3A_515 = tpu.memref_slice %arg2[%dma_wait3A_513, %dma_wait3A_514] : memref<10000x128xf32, #tpu.memory_space<hbm>> -> memref<10000x128xf32, #tpu.memory_space<hbm>>
    tpu.wait_indirect_dma semaphore(%arg18 : memref<!tpu.dma_semaphore, #tpu.memory_space<semaphore_mem>>) src(%dma_wait3A_515 : memref<10000x128xf32, #tpu.memory_space<hbm>>) dst(%dma_wait3A_509 : memref<10x128xf32, #tpu.memory_space<vmem>>)
    %dma_wait3A_516 = arith.constant 1 : i32
    %dma_wait3A_517 = arith.constant 10 : i32
    %dma_wait3A_518 = arith.constant 0 : i32
    %dma_wait3A_519 = tpu.memref_slice %arg13[%dma_wait3A_517, %dma_wait3A_518] : memref<160x128xf32, #tpu.memory_space<vmem>> -> memref<10x128xf32, #tpu.memory_space<vmem>>
    %dma_wait3A_520 = arith.constant 0 : i32
    %dma_wait3A_521 = tpu.memref_slice %arg9[%dma_wait3A_516, %dma_wait3A_520] : memref<16x128xi32, #tpu.memory_space<vmem>> -> memref<1x10xi32, #tpu.memory_space<vmem>>
    %dma_wait3A_522 = tpu.memref_squeeze %dma_wait3A_521 : memref<1x10xi32, #tpu.memory_space<vmem>> -> memref<10xi32, #tpu.memory_space<vmem>>
    %dma_wait3A_523 = arith.constant 0 : i32
    %dma_wait3A_524 = arith.constant 0 : i32
    %dma_wait3A_525 = tpu.memref_slice %arg2[%dma_wait3A_523, %dma_wait3A_524] : memref<10000x128xf32, #tpu.memory_space<hbm>> -> memref<10000x128xf32, #tpu.memory_space<hbm>>
    tpu.wait_indirect_dma semaphore(%arg18 : memref<!tpu.dma_semaphore, #tpu.memory_space<semaphore_mem>>) src(%dma_wait3A_525 : memref<10000x128xf32, #tpu.memory_space<hbm>>) dst(%dma_wait3A_519 : memref<10x128xf32, #tpu.memory_space<vmem>>)
    %dma_wait3A_526 = arith.constant 2 : i32
    %dma_wait3A_527 = arith.constant 20 : i32
    %dma_wait3A_528 = arith.constant 0 : i32
    %dma_wait3A_529 = tpu.memref_slice %arg13[%dma_wait3A_527, %dma_wait3A_528] : memref<160x128xf32, #tpu.memory_space<vmem>> -> memref<10x128xf32, #tpu.memory_space<vmem>>
    %dma_wait3A_530 = arith.constant 0 : i32
    %dma_wait3A_531 = tpu.memref_slice %arg9[%dma_wait3A_526, %dma_wait3A_530] : memref<16x128xi32, #tpu.memory_space<vmem>> -> memref<1x10xi32, #tpu.memory_space<vmem>>
    %dma_wait3A_532 = tpu.memref_squeeze %dma_wait3A_531 : memref<1x10xi32, #tpu.memory_space<vmem>> -> memref<10xi32, #tpu.memory_space<vmem>>
    %dma_wait3A_533 = arith.constant 0 : i32
    %dma_wait3A_534 = arith.constant 0 : i32
    %dma_wait3A_535 = tpu.memref_slice %arg2[%dma_wait3A_533, %dma_wait3A_534] : memref<10000x128xf32, #tpu.memory_space<hbm>> -> memref<10000x128xf32, #tpu.memory_space<hbm>>
    tpu.wait_indirect_dma semaphore(%arg18 : memref<!tpu.dma_semaphore, #tpu.memory_space<semaphore_mem>>) src(%dma_wait3A_535 : memref<10000x128xf32, #tpu.memory_space<hbm>>) dst(%dma_wait3A_529 : memref<10x128xf32, #tpu.memory_space<vmem>>)
    %dma_wait3A_536 = arith.constant 3 : i32
    %dma_wait3A_537 = arith.constant 30 : i32
    %dma_wait3A_538 = arith.constant 0 : i32
    %dma_wait3A_539 = tpu.memref_slice %arg13[%dma_wait3A_537, %dma_wait3A_538] : memref<160x128xf32, #tpu.memory_space<vmem>> -> memref<10x128xf32, #tpu.memory_space<vmem>>
    %dma_wait3A_540 = arith.constant 0 : i32
    %dma_wait3A_541 = tpu.memref_slice %arg9[%dma_wait3A_536, %dma_wait3A_540] : memref<16x128xi32, #tpu.memory_space<vmem>> -> memref<1x10xi32, #tpu.memory_space<vmem>>
    %dma_wait3A_542 = tpu.memref_squeeze %dma_wait3A_541 : memref<1x10xi32, #tpu.memory_space<vmem>> -> memref<10xi32, #tpu.memory_space<vmem>>
    %dma_wait3A_543 = arith.constant 0 : i32
    %dma_wait3A_544 = arith.constant 0 : i32
    %dma_wait3A_545 = tpu.memref_slice %arg2[%dma_wait3A_543, %dma_wait3A_544] : memref<10000x128xf32, #tpu.memory_space<hbm>> -> memref<10000x128xf32, #tpu.memory_space<hbm>>
    tpu.wait_indirect_dma semaphore(%arg18 : memref<!tpu.dma_semaphore, #tpu.memory_space<semaphore_mem>>) src(%dma_wait3A_545 : memref<10000x128xf32, #tpu.memory_space<hbm>>) dst(%dma_wait3A_539 : memref<10x128xf32, #tpu.memory_space<vmem>>)
    %dma_wait3A_546 = arith.constant 4 : i32
    %dma_wait3A_547 = arith.constant 40 : i32
    %dma_wait3A_548 = arith.constant 0 : i32
    %dma_wait3A_549 = tpu.memref_slice %arg13[%dma_wait3A_547, %dma_wait3A_548] : memref<160x128xf32, #tpu.memory_space<vmem>> -> memref<10x128xf32, #tpu.memory_space<vmem>>
    %dma_wait3A_550 = arith.constant 0 : i32
    %dma_wait3A_551 = tpu.memref_slice %arg9[%dma_wait3A_546, %dma_wait3A_550] : memref<16x128xi32, #tpu.memory_space<vmem>> -> memref<1x10xi32, #tpu.memory_space<vmem>>
    %dma_wait3A_552 = tpu.memref_squeeze %dma_wait3A_551 : memref<1x10xi32, #tpu.memory_space<vmem>> -> memref<10xi32, #tpu.memory_space<vmem>>
    %dma_wait3A_553 = arith.constant 0 : i32
    %dma_wait3A_554 = arith.constant 0 : i32
    %dma_wait3A_555 = tpu.memref_slice %arg2[%dma_wait3A_553, %dma_wait3A_554] : memref<10000x128xf32, #tpu.memory_space<hbm>> -> memref<10000x128xf32, #tpu.memory_space<hbm>>
    tpu.wait_indirect_dma semaphore(%arg18 : memref<!tpu.dma_semaphore, #tpu.memory_space<semaphore_mem>>) src(%dma_wait3A_555 : memref<10000x128xf32, #tpu.memory_space<hbm>>) dst(%dma_wait3A_549 : memref<10x128xf32, #tpu.memory_space<vmem>>)
    %dma_wait3A_556 = arith.constant 5 : i32
    %dma_wait3A_557 = arith.constant 50 : i32
    %dma_wait3A_558 = arith.constant 0 : i32
    %dma_wait3A_559 = tpu.memref_slice %arg13[%dma_wait3A_557, %dma_wait3A_558] : memref<160x128xf32, #tpu.memory_space<vmem>> -> memref<10x128xf32, #tpu.memory_space<vmem>>
    %dma_wait3A_560 = arith.constant 0 : i32
    %dma_wait3A_561 = tpu.memref_slice %arg9[%dma_wait3A_556, %dma_wait3A_560] : memref<16x128xi32, #tpu.memory_space<vmem>> -> memref<1x10xi32, #tpu.memory_space<vmem>>
    %dma_wait3A_562 = tpu.memref_squeeze %dma_wait3A_561 : memref<1x10xi32, #tpu.memory_space<vmem>> -> memref<10xi32, #tpu.memory_space<vmem>>
    %dma_wait3A_563 = arith.constant 0 : i32
    %dma_wait3A_564 = arith.constant 0 : i32
    %dma_wait3A_565 = tpu.memref_slice %arg2[%dma_wait3A_563, %dma_wait3A_564] : memref<10000x128xf32, #tpu.memory_space<hbm>> -> memref<10000x128xf32, #tpu.memory_space<hbm>>
    tpu.wait_indirect_dma semaphore(%arg18 : memref<!tpu.dma_semaphore, #tpu.memory_space<semaphore_mem>>) src(%dma_wait3A_565 : memref<10000x128xf32, #tpu.memory_space<hbm>>) dst(%dma_wait3A_559 : memref<10x128xf32, #tpu.memory_space<vmem>>)
    %dma_wait3A_566 = arith.constant 6 : i32
    %dma_wait3A_567 = arith.constant 60 : i32
    %dma_wait3A_568 = arith.constant 0 : i32
    %dma_wait3A_569 = tpu.memref_slice %arg13[%dma_wait3A_567, %dma_wait3A_568] : memref<160x128xf32, #tpu.memory_space<vmem>> -> memref<10x128xf32, #tpu.memory_space<vmem>>
    %dma_wait3A_570 = arith.constant 0 : i32
    %dma_wait3A_571 = tpu.memref_slice %arg9[%dma_wait3A_566, %dma_wait3A_570] : memref<16x128xi32, #tpu.memory_space<vmem>> -> memref<1x10xi32, #tpu.memory_space<vmem>>
    %dma_wait3A_572 = tpu.memref_squeeze %dma_wait3A_571 : memref<1x10xi32, #tpu.memory_space<vmem>> -> memref<10xi32, #tpu.memory_space<vmem>>
    %dma_wait3A_573 = arith.constant 0 : i32
    %dma_wait3A_574 = arith.constant 0 : i32
    %dma_wait3A_575 = tpu.memref_slice %arg2[%dma_wait3A_573, %dma_wait3A_574] : memref<10000x128xf32, #tpu.memory_space<hbm>> -> memref<10000x128xf32, #tpu.memory_space<hbm>>
    tpu.wait_indirect_dma semaphore(%arg18 : memref<!tpu.dma_semaphore, #tpu.memory_space<semaphore_mem>>) src(%dma_wait3A_575 : memref<10000x128xf32, #tpu.memory_space<hbm>>) dst(%dma_wait3A_569 : memref<10x128xf32, #tpu.memory_space<vmem>>)
    %dma_wait3A_576 = arith.constant 7 : i32
    %dma_wait3A_577 = arith.constant 70 : i32
    %dma_wait3A_578 = arith.constant 0 : i32
    %dma_wait3A_579 = tpu.memref_slice %arg13[%dma_wait3A_577, %dma_wait3A_578] : memref<160x128xf32, #tpu.memory_space<vmem>> -> memref<10x128xf32, #tpu.memory_space<vmem>>
    %dma_wait3A_580 = arith.constant 0 : i32
    %dma_wait3A_581 = tpu.memref_slice %arg9[%dma_wait3A_576, %dma_wait3A_580] : memref<16x128xi32, #tpu.memory_space<vmem>> -> memref<1x10xi32, #tpu.memory_space<vmem>>
    %dma_wait3A_582 = tpu.memref_squeeze %dma_wait3A_581 : memref<1x10xi32, #tpu.memory_space<vmem>> -> memref<10xi32, #tpu.memory_space<vmem>>
    %dma_wait3A_583 = arith.constant 0 : i32
    %dma_wait3A_584 = arith.constant 0 : i32
    %dma_wait3A_585 = tpu.memref_slice %arg2[%dma_wait3A_583, %dma_wait3A_584] : memref<10000x128xf32, #tpu.memory_space<hbm>> -> memref<10000x128xf32, #tpu.memory_space<hbm>>
    tpu.wait_indirect_dma semaphore(%arg18 : memref<!tpu.dma_semaphore, #tpu.memory_space<semaphore_mem>>) src(%dma_wait3A_585 : memref<10000x128xf32, #tpu.memory_space<hbm>>) dst(%dma_wait3A_579 : memref<10x128xf32, #tpu.memory_space<vmem>>)
    %dma_wait3A_586 = arith.constant 8 : i32
    %dma_wait3A_587 = arith.constant 80 : i32
    %dma_wait3A_588 = arith.constant 0 : i32
    %dma_wait3A_589 = tpu.memref_slice %arg13[%dma_wait3A_587, %dma_wait3A_588] : memref<160x128xf32, #tpu.memory_space<vmem>> -> memref<10x128xf32, #tpu.memory_space<vmem>>
    %dma_wait3A_590 = arith.constant 0 : i32
    %dma_wait3A_591 = tpu.memref_slice %arg9[%dma_wait3A_586, %dma_wait3A_590] : memref<16x128xi32, #tpu.memory_space<vmem>> -> memref<1x10xi32, #tpu.memory_space<vmem>>
    %dma_wait3A_592 = tpu.memref_squeeze %dma_wait3A_591 : memref<1x10xi32, #tpu.memory_space<vmem>> -> memref<10xi32, #tpu.memory_space<vmem>>
    %dma_wait3A_593 = arith.constant 0 : i32
    %dma_wait3A_594 = arith.constant 0 : i32
    %dma_wait3A_595 = tpu.memref_slice %arg2[%dma_wait3A_593, %dma_wait3A_594] : memref<10000x128xf32, #tpu.memory_space<hbm>> -> memref<10000x128xf32, #tpu.memory_space<hbm>>
    tpu.wait_indirect_dma semaphore(%arg18 : memref<!tpu.dma_semaphore, #tpu.memory_space<semaphore_mem>>) src(%dma_wait3A_595 : memref<10000x128xf32, #tpu.memory_space<hbm>>) dst(%dma_wait3A_589 : memref<10x128xf32, #tpu.memory_space<vmem>>)
    %dma_wait3A_596 = arith.constant 9 : i32
    %dma_wait3A_597 = arith.constant 90 : i32
    %dma_wait3A_598 = arith.constant 0 : i32
    %dma_wait3A_599 = tpu.memref_slice %arg13[%dma_wait3A_597, %dma_wait3A_598] : memref<160x128xf32, #tpu.memory_space<vmem>> -> memref<10x128xf32, #tpu.memory_space<vmem>>
    %dma_wait3A_600 = arith.constant 0 : i32
    %dma_wait3A_601 = tpu.memref_slice %arg9[%dma_wait3A_596, %dma_wait3A_600] : memref<16x128xi32, #tpu.memory_space<vmem>> -> memref<1x10xi32, #tpu.memory_space<vmem>>
    %dma_wait3A_602 = tpu.memref_squeeze %dma_wait3A_601 : memref<1x10xi32, #tpu.memory_space<vmem>> -> memref<10xi32, #tpu.memory_space<vmem>>
    %dma_wait3A_603 = arith.constant 0 : i32
    %dma_wait3A_604 = arith.constant 0 : i32
    %dma_wait3A_605 = tpu.memref_slice %arg2[%dma_wait3A_603, %dma_wait3A_604] : memref<10000x128xf32, #tpu.memory_space<hbm>> -> memref<10000x128xf32, #tpu.memory_space<hbm>>
    tpu.wait_indirect_dma semaphore(%arg18 : memref<!tpu.dma_semaphore, #tpu.memory_space<semaphore_mem>>) src(%dma_wait3A_605 : memref<10000x128xf32, #tpu.memory_space<hbm>>) dst(%dma_wait3A_599 : memref<10x128xf32, #tpu.memory_space<vmem>>)
    %dma_wait3A_606 = arith.constant 10 : i32
    %dma_wait3A_607 = arith.constant 100 : i32
    %dma_wait3A_608 = arith.constant 0 : i32
    %dma_wait3A_609 = tpu.memref_slice %arg13[%dma_wait3A_607, %dma_wait3A_608] : memref<160x128xf32, #tpu.memory_space<vmem>> -> memref<10x128xf32, #tpu.memory_space<vmem>>
    %dma_wait3A_610 = arith.constant 0 : i32
    %dma_wait3A_611 = tpu.memref_slice %arg9[%dma_wait3A_606, %dma_wait3A_610] : memref<16x128xi32, #tpu.memory_space<vmem>> -> memref<1x10xi32, #tpu.memory_space<vmem>>
    %dma_wait3A_612 = tpu.memref_squeeze %dma_wait3A_611 : memref<1x10xi32, #tpu.memory_space<vmem>> -> memref<10xi32, #tpu.memory_space<vmem>>
    %dma_wait3A_613 = arith.constant 0 : i32
    %dma_wait3A_614 = arith.constant 0 : i32
    %dma_wait3A_615 = tpu.memref_slice %arg2[%dma_wait3A_613, %dma_wait3A_614] : memref<10000x128xf32, #tpu.memory_space<hbm>> -> memref<10000x128xf32, #tpu.memory_space<hbm>>
    tpu.wait_indirect_dma semaphore(%arg18 : memref<!tpu.dma_semaphore, #tpu.memory_space<semaphore_mem>>) src(%dma_wait3A_615 : memref<10000x128xf32, #tpu.memory_space<hbm>>) dst(%dma_wait3A_609 : memref<10x128xf32, #tpu.memory_space<vmem>>)
    %dma_wait3A_616 = arith.constant 11 : i32
    %dma_wait3A_617 = arith.constant 110 : i32
    %dma_wait3A_618 = arith.constant 0 : i32
    %dma_wait3A_619 = tpu.memref_slice %arg13[%dma_wait3A_617, %dma_wait3A_618] : memref<160x128xf32, #tpu.memory_space<vmem>> -> memref<10x128xf32, #tpu.memory_space<vmem>>
    %dma_wait3A_620 = arith.constant 0 : i32
    %dma_wait3A_621 = tpu.memref_slice %arg9[%dma_wait3A_616, %dma_wait3A_620] : memref<16x128xi32, #tpu.memory_space<vmem>> -> memref<1x10xi32, #tpu.memory_space<vmem>>
    %dma_wait3A_622 = tpu.memref_squeeze %dma_wait3A_621 : memref<1x10xi32, #tpu.memory_space<vmem>> -> memref<10xi32, #tpu.memory_space<vmem>>
    %dma_wait3A_623 = arith.constant 0 : i32
    %dma_wait3A_624 = arith.constant 0 : i32
    %dma_wait3A_625 = tpu.memref_slice %arg2[%dma_wait3A_623, %dma_wait3A_624] : memref<10000x128xf32, #tpu.memory_space<hbm>> -> memref<10000x128xf32, #tpu.memory_space<hbm>>
    tpu.wait_indirect_dma semaphore(%arg18 : memref<!tpu.dma_semaphore, #tpu.memory_space<semaphore_mem>>) src(%dma_wait3A_625 : memref<10000x128xf32, #tpu.memory_space<hbm>>) dst(%dma_wait3A_619 : memref<10x128xf32, #tpu.memory_space<vmem>>)
    %dma_wait3A_626 = arith.constant 12 : i32
    %dma_wait3A_627 = arith.constant 120 : i32
    %dma_wait3A_628 = arith.constant 0 : i32
    %dma_wait3A_629 = tpu.memref_slice %arg13[%dma_wait3A_627, %dma_wait3A_628] : memref<160x128xf32, #tpu.memory_space<vmem>> -> memref<10x128xf32, #tpu.memory_space<vmem>>
    %dma_wait3A_630 = arith.constant 0 : i32
    %dma_wait3A_631 = tpu.memref_slice %arg9[%dma_wait3A_626, %dma_wait3A_630] : memref<16x128xi32, #tpu.memory_space<vmem>> -> memref<1x10xi32, #tpu.memory_space<vmem>>
    %dma_wait3A_632 = tpu.memref_squeeze %dma_wait3A_631 : memref<1x10xi32, #tpu.memory_space<vmem>> -> memref<10xi32, #tpu.memory_space<vmem>>
    %dma_wait3A_633 = arith.constant 0 : i32
    %dma_wait3A_634 = arith.constant 0 : i32
    %dma_wait3A_635 = tpu.memref_slice %arg2[%dma_wait3A_633, %dma_wait3A_634] : memref<10000x128xf32, #tpu.memory_space<hbm>> -> memref<10000x128xf32, #tpu.memory_space<hbm>>
    tpu.wait_indirect_dma semaphore(%arg18 : memref<!tpu.dma_semaphore, #tpu.memory_space<semaphore_mem>>) src(%dma_wait3A_635 : memref<10000x128xf32, #tpu.memory_space<hbm>>) dst(%dma_wait3A_629 : memref<10x128xf32, #tpu.memory_space<vmem>>)
    %dma_wait3A_636 = arith.constant 13 : i32
    %dma_wait3A_637 = arith.constant 130 : i32
    %dma_wait3A_638 = arith.constant 0 : i32
    %dma_wait3A_639 = tpu.memref_slice %arg13[%dma_wait3A_637, %dma_wait3A_638] : memref<160x128xf32, #tpu.memory_space<vmem>> -> memref<10x128xf32, #tpu.memory_space<vmem>>
    %dma_wait3A_640 = arith.constant 0 : i32
    %dma_wait3A_641 = tpu.memref_slice %arg9[%dma_wait3A_636, %dma_wait3A_640] : memref<16x128xi32, #tpu.memory_space<vmem>> -> memref<1x10xi32, #tpu.memory_space<vmem>>
    %dma_wait3A_642 = tpu.memref_squeeze %dma_wait3A_641 : memref<1x10xi32, #tpu.memory_space<vmem>> -> memref<10xi32, #tpu.memory_space<vmem>>
    %dma_wait3A_643 = arith.constant 0 : i32
    %dma_wait3A_644 = arith.constant 0 : i32
    %dma_wait3A_645 = tpu.memref_slice %arg2[%dma_wait3A_643, %dma_wait3A_644] : memref<10000x128xf32, #tpu.memory_space<hbm>> -> memref<10000x128xf32, #tpu.memory_space<hbm>>
    tpu.wait_indirect_dma semaphore(%arg18 : memref<!tpu.dma_semaphore, #tpu.memory_space<semaphore_mem>>) src(%dma_wait3A_645 : memref<10000x128xf32, #tpu.memory_space<hbm>>) dst(%dma_wait3A_639 : memref<10x128xf32, #tpu.memory_space<vmem>>)
    %dma_wait3A_646 = arith.constant 14 : i32
    %dma_wait3A_647 = arith.constant 140 : i32
    %dma_wait3A_648 = arith.constant 0 : i32
    %dma_wait3A_649 = tpu.memref_slice %arg13[%dma_wait3A_647, %dma_wait3A_648] : memref<160x128xf32, #tpu.memory_space<vmem>> -> memref<10x128xf32, #tpu.memory_space<vmem>>
    %dma_wait3A_650 = arith.constant 0 : i32
    %dma_wait3A_651 = tpu.memref_slice %arg9[%dma_wait3A_646, %dma_wait3A_650] : memref<16x128xi32, #tpu.memory_space<vmem>> -> memref<1x10xi32, #tpu.memory_space<vmem>>
    %dma_wait3A_652 = tpu.memref_squeeze %dma_wait3A_651 : memref<1x10xi32, #tpu.memory_space<vmem>> -> memref<10xi32, #tpu.memory_space<vmem>>
    %dma_wait3A_653 = arith.constant 0 : i32
    %dma_wait3A_654 = arith.constant 0 : i32
    %dma_wait3A_655 = tpu.memref_slice %arg2[%dma_wait3A_653, %dma_wait3A_654] : memref<10000x128xf32, #tpu.memory_space<hbm>> -> memref<10000x128xf32, #tpu.memory_space<hbm>>
    tpu.wait_indirect_dma semaphore(%arg18 : memref<!tpu.dma_semaphore, #tpu.memory_space<semaphore_mem>>) src(%dma_wait3A_655 : memref<10000x128xf32, #tpu.memory_space<hbm>>) dst(%dma_wait3A_649 : memref<10x128xf32, #tpu.memory_space<vmem>>)
    %dma_wait3A_656 = arith.constant 15 : i32
    %dma_wait3A_657 = arith.constant 150 : i32
    %dma_wait3A_658 = arith.constant 0 : i32
    %dma_wait3A_659 = tpu.memref_slice %arg13[%dma_wait3A_657, %dma_wait3A_658] : memref<160x128xf32, #tpu.memory_space<vmem>> -> memref<10x128xf32, #tpu.memory_space<vmem>>
    %dma_wait3A_660 = arith.constant 0 : i32
    %dma_wait3A_661 = tpu.memref_slice %arg9[%dma_wait3A_656, %dma_wait3A_660] : memref<16x128xi32, #tpu.memory_space<vmem>> -> memref<1x10xi32, #tpu.memory_space<vmem>>
    %dma_wait3A_662 = tpu.memref_squeeze %dma_wait3A_661 : memref<1x10xi32, #tpu.memory_space<vmem>> -> memref<10xi32, #tpu.memory_space<vmem>>
    %dma_wait3A_663 = arith.constant 0 : i32
    %dma_wait3A_664 = arith.constant 0 : i32
    %dma_wait3A_665 = tpu.memref_slice %arg2[%dma_wait3A_663, %dma_wait3A_664] : memref<10000x128xf32, #tpu.memory_space<hbm>> -> memref<10000x128xf32, #tpu.memory_space<hbm>>
    tpu.wait_indirect_dma semaphore(%arg18 : memref<!tpu.dma_semaphore, #tpu.memory_space<semaphore_mem>>) src(%dma_wait3A_665 : memref<10000x128xf32, #tpu.memory_space<hbm>>) dst(%dma_wait3A_659 : memref<10x128xf32, #tpu.memory_space<vmem>>)
    %dma_wait3A_666 = arith.constant 0 : i32
    %dma_wait3A_667 = arith.constant 0 : i32
    %dma_wait3A_668 = tpu.memref_slice %arg2[%dma_wait3A_666, %dma_wait3A_667] : memref<10000x128xf32, #tpu.memory_space<hbm>> -> memref<10000x128xf32, #tpu.memory_space<hbm>>
    tpu.wait_indirect_dma semaphore(%arg18 : memref<!tpu.dma_semaphore, #tpu.memory_space<semaphore_mem>>) src(%dma_wait3A_668 : memref<10000x128xf32, #tpu.memory_space<hbm>>) dst(%arg14 : memref<16x128xf32, #tpu.memory_space<vmem>>)
    %mul3A_669 = arith.constant 160 : i32
    %mul3A_670 = arith.muli %add3A, %mul3A_669 : i32
    %multiple_of3A_671 = tpu.assume_multiple %mul3A_670, 8 : i32
    "tpu.region"() ({
      %run_scoped3A_711 = tpu.sem_alloc : memref<!tpu.dma_semaphore, #tpu.memory_space<semaphore_mem>>
      %dma_start3A_712 = arith.constant 0 : i32
      %dma_start3A_713 = tpu.memref_slice %arg6[%multiple_of3A_671, %dma_start3A_712] : memref<5120x128xf32, #tpu.memory_space<hbm>> -> memref<160x128xf32, #tpu.memory_space<hbm>>
      %dma_start3A_714 = arith.constant 0 : i32
      %dma_start3A_715 = tpu.memref_slice %arg6[%multiple_of3A_671, %dma_start3A_714] : memref<5120x128xf32, #tpu.memory_space<hbm>> -> memref<160x128xf32, #tpu.memory_space<hbm>>
      tpu.enqueue_dma source(%arg13 : memref<160x128xf32, #tpu.memory_space<vmem>>) target(%dma_start3A_715 : memref<160x128xf32, #tpu.memory_space<hbm>>) target_semaphore(%run_scoped3A_711 : memref<!tpu.dma_semaphore, #tpu.memory_space<semaphore_mem>>)
      %dma_wait3A_716 = arith.constant 0 : i32
      %dma_wait3A_717 = tpu.memref_slice %arg6[%multiple_of3A_671, %dma_wait3A_716] : memref<5120x128xf32, #tpu.memory_space<hbm>> -> memref<160x128xf32, #tpu.memory_space<hbm>>
      %dma_wait3A_718 = arith.constant 0 : i32
      %dma_wait3A_719 = tpu.memref_slice %arg6[%multiple_of3A_671, %dma_wait3A_718] : memref<5120x128xf32, #tpu.memory_space<hbm>> -> memref<160x128xf32, #tpu.memory_space<hbm>>
      tpu.wait_dma2 semaphore(%run_scoped3A_711 : memref<!tpu.dma_semaphore, #tpu.memory_space<semaphore_mem>>) src(%arg13 : memref<160x128xf32, #tpu.memory_space<vmem>>) dst(%dma_wait3A_719 : memref<160x128xf32, #tpu.memory_space<hbm>>)
      tpu.yield
    }) : () -> ()
    "tpu.region"() ({
      %run_scoped3A_711 = tpu.sem_alloc : memref<!tpu.dma_semaphore, #tpu.memory_space<semaphore_mem>>
      %dma_start3A_712 = arith.constant 0 : i32
      %dma_start3A_713 = tpu.memref_slice %arg5[%multiple_of3A, %dma_start3A_712] : memref<512x128xf32, #tpu.memory_space<hbm>> -> memref<16x128xf32, #tpu.memory_space<hbm>>
      %dma_start3A_714 = arith.constant 0 : i32
      %dma_start3A_715 = tpu.memref_slice %arg5[%multiple_of3A, %dma_start3A_714] : memref<512x128xf32, #tpu.memory_space<hbm>> -> memref<16x128xf32, #tpu.memory_space<hbm>>
      tpu.enqueue_dma source(%arg14 : memref<16x128xf32, #tpu.memory_space<vmem>>) target(%dma_start3A_715 : memref<16x128xf32, #tpu.memory_space<hbm>>) target_semaphore(%run_scoped3A_711 : memref<!tpu.dma_semaphore, #tpu.memory_space<semaphore_mem>>)
      %dma_wait3A_716 = arith.constant 0 : i32
      %dma_wait3A_717 = tpu.memref_slice %arg5[%multiple_of3A, %dma_wait3A_716] : memref<512x128xf32, #tpu.memory_space<hbm>> -> memref<16x128xf32, #tpu.memory_space<hbm>>
      %dma_wait3A_718 = arith.constant 0 : i32
      %dma_wait3A_719 = tpu.memref_slice %arg5[%multiple_of3A, %dma_wait3A_718] : memref<512x128xf32, #tpu.memory_space<hbm>> -> memref<16x128xf32, #tpu.memory_space<hbm>>
      tpu.wait_dma2 semaphore(%run_scoped3A_711 : memref<!tpu.dma_semaphore, #tpu.memory_space<semaphore_mem>>) src(%arg14 : memref<16x128xf32, #tpu.memory_space<vmem>>) dst(%dma_wait3A_719 : memref<16x128xf32, #tpu.memory_space<hbm>>)
      tpu.yield
    }) : () -> ()
    %dma_wait3A_672 = arith.constant 0 : i32
    %dma_wait3A_673 = arith.constant 0 : i32
    %dma_wait3A_674 = arith.constant 0 : i32
    %dma_wait3A_675 = arith.constant 0 : i32
    %dma_wait3A_676 = tpu.memref_slice %arg15[%dma_wait3A_672, %dma_wait3A_674, %dma_wait3A_675] : memref<3x128x128xf32, #tpu.memory_space<vmem>> -> memref<1x128x128xf32, #tpu.memory_space<vmem>>
    %dma_wait3A_677 = tpu.memref_squeeze %dma_wait3A_676 : memref<1x128x128xf32, #tpu.memory_space<vmem>> -> memref<128x128xf32, #tpu.memory_space<vmem>>
    %dma_wait3A_678 = arith.constant 0 : i32
    %dma_wait3A_679 = tpu.memref_slice %arg12[%dma_wait3A_673, %dma_wait3A_678] : memref<3x128xi32, #tpu.memory_space<vmem>> -> memref<1x128xi32, #tpu.memory_space<vmem>>
    %dma_wait3A_680 = tpu.memref_squeeze %dma_wait3A_679 : memref<1x128xi32, #tpu.memory_space<vmem>> -> memref<128xi32, #tpu.memory_space<vmem>>
    %dma_wait3A_681 = arith.constant 0 : i32
    %dma_wait3A_682 = arith.constant 0 : i32
    %dma_wait3A_683 = tpu.memref_slice %arg16[%dma_wait3A_681, %dma_wait3A_682] : memref<2624x128xf32, #tpu.memory_space<vmem_shared>> -> memref<2624x128xf32, #tpu.memory_space<vmem_shared>>
    tpu.wait_indirect_dma semaphore(%arg22 : memref<!tpu.dma_semaphore, #tpu.memory_space<semaphore_mem>>) src(%dma_wait3A_677 : memref<128x128xf32, #tpu.memory_space<vmem>>) dst(%dma_wait3A_683 : memref<2624x128xf32, #tpu.memory_space<vmem_shared>>)
    %dma_wait3A_684 = arith.constant 1 : i32
    %dma_wait3A_685 = arith.constant 1 : i32
    %dma_wait3A_686 = arith.constant 0 : i32
    %dma_wait3A_687 = arith.constant 0 : i32
    %dma_wait3A_688 = tpu.memref_slice %arg15[%dma_wait3A_684, %dma_wait3A_686, %dma_wait3A_687] : memref<3x128x128xf32, #tpu.memory_space<vmem>> -> memref<1x128x128xf32, #tpu.memory_space<vmem>>
    %dma_wait3A_689 = tpu.memref_squeeze %dma_wait3A_688 : memref<1x128x128xf32, #tpu.memory_space<vmem>> -> memref<128x128xf32, #tpu.memory_space<vmem>>
    %dma_wait3A_690 = arith.constant 0 : i32
    %dma_wait3A_691 = tpu.memref_slice %arg12[%dma_wait3A_685, %dma_wait3A_690] : memref<3x128xi32, #tpu.memory_space<vmem>> -> memref<1x128xi32, #tpu.memory_space<vmem>>
    %dma_wait3A_692 = tpu.memref_squeeze %dma_wait3A_691 : memref<1x128xi32, #tpu.memory_space<vmem>> -> memref<128xi32, #tpu.memory_space<vmem>>
    %dma_wait3A_693 = arith.constant 0 : i32
    %dma_wait3A_694 = arith.constant 0 : i32
    %dma_wait3A_695 = tpu.memref_slice %arg16[%dma_wait3A_693, %dma_wait3A_694] : memref<2624x128xf32, #tpu.memory_space<vmem_shared>> -> memref<2624x128xf32, #tpu.memory_space<vmem_shared>>
    tpu.wait_indirect_dma semaphore(%arg23 : memref<!tpu.dma_semaphore, #tpu.memory_space<semaphore_mem>>) src(%dma_wait3A_689 : memref<128x128xf32, #tpu.memory_space<vmem>>) dst(%dma_wait3A_695 : memref<2624x128xf32, #tpu.memory_space<vmem_shared>>)
    %dma_wait3A_696 = arith.constant 2 : i32
    %dma_wait3A_697 = arith.constant 2 : i32
    %dma_wait3A_698 = arith.constant 0 : i32
    %dma_wait3A_699 = arith.constant 0 : i32
    %dma_wait3A_700 = tpu.memref_slice %arg15[%dma_wait3A_696, %dma_wait3A_698, %dma_wait3A_699] : memref<3x128x128xf32, #tpu.memory_space<vmem>> -> memref<1x128x128xf32, #tpu.memory_space<vmem>>
    %dma_wait3A_701 = tpu.memref_squeeze %dma_wait3A_700 : memref<1x128x128xf32, #tpu.memory_space<vmem>> -> memref<128x128xf32, #tpu.memory_space<vmem>>
    %dma_wait3A_702 = arith.constant 0 : i32
    %dma_wait3A_703 = tpu.memref_slice %arg12[%dma_wait3A_697, %dma_wait3A_702] : memref<3x128xi32, #tpu.memory_space<vmem>> -> memref<1x128xi32, #tpu.memory_space<vmem>>
    %dma_wait3A_704 = tpu.memref_squeeze %dma_wait3A_703 : memref<1x128xi32, #tpu.memory_space<vmem>> -> memref<128xi32, #tpu.memory_space<vmem>>
    %dma_wait3A_705 = arith.constant 0 : i32
    %dma_wait3A_706 = arith.constant 0 : i32
    %dma_wait3A_707 = tpu.memref_slice %arg16[%dma_wait3A_705, %dma_wait3A_706] : memref<2624x128xf32, #tpu.memory_space<vmem_shared>> -> memref<2624x128xf32, #tpu.memory_space<vmem_shared>>
    tpu.wait_indirect_dma semaphore(%arg24 : memref<!tpu.dma_semaphore, #tpu.memory_space<semaphore_mem>>) src(%dma_wait3A_701 : memref<128x128xf32, #tpu.memory_space<vmem>>) dst(%dma_wait3A_707 : memref<2624x128xf32, #tpu.memory_space<vmem_shared>>)
    %mul3A_708 = arith.constant 160 : i32
    %mul3A_709 = arith.muli %add3A, %mul3A_708 : i32
    %multiple_of3A_710 = tpu.assume_multiple %mul3A_709, 8 : i32
    "tpu.region"() ({
      %run_scoped3A_711 = tpu.sem_alloc : memref<!tpu.dma_semaphore, #tpu.memory_space<semaphore_mem>>
      %dma_start3A_712 = arith.constant 0 : i32
      %dma_start3A_713 = tpu.memref_slice %arg7[%multiple_of3A_710, %dma_start3A_712] : memref<5120x128xf32, #tpu.memory_space<hbm>> -> memref<160x128xf32, #tpu.memory_space<hbm>>
      %dma_start3A_714 = arith.constant 0 : i32
      %dma_start3A_715 = tpu.memref_slice %arg16[%mul3A_4, %dma_start3A_714] : memref<2624x128xf32, #tpu.memory_space<vmem_shared>> -> memref<160x128xf32, #tpu.memory_space<vmem_shared>>
      tpu.enqueue_dma source(%dma_start3A_715 : memref<160x128xf32, #tpu.memory_space<vmem_shared>>) target(%dma_start3A_713 : memref<160x128xf32, #tpu.memory_space<hbm>>) target_semaphore(%run_scoped3A_711 : memref<!tpu.dma_semaphore, #tpu.memory_space<semaphore_mem>>)
      %dma_wait3A_716 = arith.constant 0 : i32
      %dma_wait3A_717 = tpu.memref_slice %arg7[%multiple_of3A_710, %dma_wait3A_716] : memref<5120x128xf32, #tpu.memory_space<hbm>> -> memref<160x128xf32, #tpu.memory_space<hbm>>
      %dma_wait3A_718 = arith.constant 0 : i32
      %dma_wait3A_719 = tpu.memref_slice %arg16[%mul3A_4, %dma_wait3A_718] : memref<2624x128xf32, #tpu.memory_space<vmem_shared>> -> memref<160x128xf32, #tpu.memory_space<vmem_shared>>
      tpu.wait_dma2 semaphore(%run_scoped3A_711 : memref<!tpu.dma_semaphore, #tpu.memory_space<semaphore_mem>>) src(%dma_wait3A_719 : memref<160x128xf32, #tpu.memory_space<vmem_shared>>) dst(%dma_wait3A_717 : memref<160x128xf32, #tpu.memory_space<hbm>>)
      tpu.yield
    }) : () -> ()
    return
  }
}

module attributes {stable_mosaic.version = 14 : i64} {
  func.func @_tc_body(%arg0: i32, %arg1: memref<1280x128xf32, #tpu.memory_space<vmem>>, %arg2: memref<1280x128xf32, #tpu.memory_space<vmem>>, %arg3: memref<512x128xf32, #tpu.memory_space<vmem>>, %arg4: memref<256x256xf32, #tpu.memory_space<vmem>>, %arg5: memref<256x256xf32, #tpu.memory_space<vmem>>, %arg6: memref<256x128xf32, #tpu.memory_space<vmem>>, %arg7: memref<256x128xf32, #tpu.memory_space<vmem>>, %arg8: memref<512x256xf32, #tpu.memory_space<vmem>>, %arg9: memref<512x128xf32, #tpu.memory_space<vmem>>, %arg10: memref<512x128xf32, #tpu.memory_space<vmem>>) attributes {dimension_semantics = [#tpu.dimension_semantics<arbitrary>], iteration_bounds = array<i64: 4>, scalar_prefetch = 0 : i64, scratch_operands = 2 : i64, tpu.core_type = #tpu.core_type<tc>, window_params = [{transform_indices = @transform_0, window_bounds = array<i64: 1280, 128>}, {transform_indices = @transform_1, window_bounds = array<i64: 1280, 128>}, {pipeline_mode = #tpu.pipeline_mode<synchronous>, transform_indices = @transform_2, window_bounds = array<i64: 512, 128>}, {pipeline_mode = #tpu.pipeline_mode<synchronous>, transform_indices = @transform_3, window_bounds = array<i64: 256, 256>}, {pipeline_mode = #tpu.pipeline_mode<synchronous>, transform_indices = @transform_4, window_bounds = array<i64: 256, 256>}, {pipeline_mode = #tpu.pipeline_mode<synchronous>, transform_indices = @transform_5, window_bounds = array<i64: 256, 128>}, {pipeline_mode = #tpu.pipeline_mode<synchronous>, transform_indices = @transform_6, window_bounds = array<i64: 256, 128>}, {pipeline_mode = #tpu.pipeline_mode<synchronous>, transform_indices = @transform_7, window_bounds = array<i64: 512, 256>}]} {
    %get3A = arith.constant 0 : index
    %get3A_0 = arith.constant 0 : index
    %get3A_1 = vector.load %arg1[%get3A, %get3A_0] : memref<1280x128xf32, #tpu.memory_space<vmem>>, vector<1280x128xf32>
    %get3A_2 = arith.constant 0 : index
    %get3A_3 = arith.constant 0 : index
    %get3A_4 = vector.load %arg2[%get3A_2, %get3A_3] : memref<1280x128xf32, #tpu.memory_space<vmem>>, vector<1280x128xf32>
    %concatenate3A = tpu.concatenate %get3A_1, %get3A_4 in 1 : vector<1280x128xf32>, vector<1280x128xf32> -> vector<1280x256xf32>
    %get3A_5 = arith.constant 0 : index
    %get3A_6 = arith.constant 0 : index
    %get3A_7 = vector.load %arg4[%get3A_5, %get3A_6] : memref<256x256xf32, #tpu.memory_space<vmem>>, vector<256x256xf32>
    %dot_general3A = arith.constant dense<0.000000e+00> : vector<1280x256xf32>
    %dot_general3A_8 = tpu.matmul %concatenate3A, %get3A_7, %dot_general3A {dimension_numbers = #tpu.dot_dimension_numbers<[1], [0], [0], [1], [0, 0, 1, 1], [], []>, transpose_lhs_hint = false} : vector<1280x256xf32>, vector<256x256xf32>, vector<1280x256xf32> -> vector<1280x256xf32>
    %max3A = arith.constant 0.000000e+00 : f32
    %max3A_9 = vector.broadcast %max3A : f32 to vector<1280x256xf32>
    %max3A_10 = arith.maximumf %dot_general3A_8, %max3A_9 : vector<1280x256xf32>
    %get3A_11 = arith.constant 0 : index
    %get3A_12 = arith.constant 0 : index
    %get3A_13 = vector.load %arg6[%get3A_11, %get3A_12] : memref<256x128xf32, #tpu.memory_space<vmem>>, vector<256x128xf32>
    %dot_general3A_14 = arith.constant dense<0.000000e+00> : vector<1280x128xf32>
    %dot_general3A_15 = tpu.matmul %max3A_10, %get3A_13, %dot_general3A_14 {dimension_numbers = #tpu.dot_dimension_numbers<[1], [0], [0], [1], [0, 0, 1, 1], [], []>, transpose_lhs_hint = false} : vector<1280x256xf32>, vector<256x128xf32>, vector<1280x128xf32> -> vector<1280x128xf32>
    %reshape3A = vector.shape_cast %dot_general3A_15 : vector<1280x128xf32> to vector<128x10x128xf32>
    %reduce_sum3A = arith.constant dense<0.000000e+00> : vector<128x128xf32>
    %reduce_sum3A_16 = vector.multi_reduction <add>, %reshape3A, %reduce_sum3A [1] : vector<128x10x128xf32> to vector<128x128xf32>
    %mul3A = arith.constant 128 : i32
    %mul3A_17 = arith.muli %arg0, %mul3A : i32
    %swap3A = arith.index_cast %mul3A_17 : i32 to index
    %swap3A_18 = arith.constant 0 : index
    %swap3A_19 = vector.load %arg9[%swap3A, %swap3A_18] : memref<512x128xf32, #tpu.memory_space<vmem>>, vector<128x128xf32>
    tpu.vector_store %arg9[%swap3A, %swap3A_18], %reduce_sum3A_16 {strides = array<i32>} : memref<512x128xf32, #tpu.memory_space<vmem>>, vector<128x128xf32>,
    %get3A_20 = arith.constant 0 : index
    %get3A_21 = arith.constant 0 : index
    %get3A_22 = vector.load %arg1[%get3A_20, %get3A_21] : memref<1280x128xf32, #tpu.memory_space<vmem>>, vector<1280x128xf32>
    %reshape3A_23 = vector.shape_cast %get3A_22 : vector<1280x128xf32> to vector<128x10x128xf32>
    %reduce_sum3A_24 = arith.constant dense<0.000000e+00> : vector<128x128xf32>
    %reduce_sum3A_25 = vector.multi_reduction <add>, %reshape3A_23, %reduce_sum3A_24 [1] : vector<128x10x128xf32> to vector<128x128xf32>
    %mul3A_26 = arith.constant 128 : i32
    %mul3A_27 = arith.muli %arg0, %mul3A_26 : i32
    %swap3A_28 = arith.index_cast %mul3A_27 : i32 to index
    %swap3A_29 = arith.constant 0 : index
    %swap3A_30 = vector.load %arg10[%swap3A_28, %swap3A_29] : memref<512x128xf32, #tpu.memory_space<vmem>>, vector<128x128xf32>
    tpu.vector_store %arg10[%swap3A_28, %swap3A_29], %reduce_sum3A_25 {strides = array<i32>} : memref<512x128xf32, #tpu.memory_space<vmem>>, vector<128x128xf32>,
    %eq3A = arith.constant 3 : i32
    %eq3A_31 = arith.cmpi eq, %arg0, %eq3A : i32
    %convert_element_type3A = arith.extui %eq3A_31 : i1 to i32
    %cond3A = arith.constant 0 : i32
    %cond3A_32 = arith.cmpi ne, %convert_element_type3A, %cond3A : i32
    scf.if %cond3A_32 {
      %get3A_33 = arith.constant 0 : index
      %get3A_34 = arith.constant 0 : index
      %get3A_35 = vector.load %arg3[%get3A_33, %get3A_34] : memref<512x128xf32, #tpu.memory_space<vmem>>, vector<512x128xf32>
      %get3A_36 = arith.constant 0 : index
      %get3A_37 = arith.constant 0 : index
      %get3A_38 = vector.load %arg10[%get3A_36, %get3A_37] : memref<512x128xf32, #tpu.memory_space<vmem>>, vector<512x128xf32>
      %concatenate3A_39 = tpu.concatenate %get3A_35, %get3A_38 in 1 : vector<512x128xf32>, vector<512x128xf32> -> vector<512x256xf32>
      %get3A_40 = arith.constant 0 : index
      %get3A_41 = arith.constant 0 : index
      %get3A_42 = vector.load %arg5[%get3A_40, %get3A_41] : memref<256x256xf32, #tpu.memory_space<vmem>>, vector<256x256xf32>
      %dot_general3A_43 = arith.constant dense<0.000000e+00> : vector<512x256xf32>
      %dot_general3A_44 = tpu.matmul %concatenate3A_39, %get3A_42, %dot_general3A_43 {dimension_numbers = #tpu.dot_dimension_numbers<[1], [0], [0], [1], [0, 0, 1, 1], [], []>, transpose_lhs_hint = false} : vector<512x256xf32>, vector<256x256xf32>, vector<512x256xf32> -> vector<512x256xf32>
      %max3A_45 = arith.constant 0.000000e+00 : f32
      %max3A_46 = vector.broadcast %max3A_45 : f32 to vector<512x256xf32>
      %max3A_47 = arith.maximumf %dot_general3A_44, %max3A_46 : vector<512x256xf32>
      %get3A_48 = arith.constant 0 : index
      %get3A_49 = arith.constant 0 : index
      %get3A_50 = vector.load %arg7[%get3A_48, %get3A_49] : memref<256x128xf32, #tpu.memory_space<vmem>>, vector<256x128xf32>
      %dot_general3A_51 = arith.constant dense<0.000000e+00> : vector<512x128xf32>
      %dot_general3A_52 = tpu.matmul %max3A_47, %get3A_50, %dot_general3A_51 {dimension_numbers = #tpu.dot_dimension_numbers<[1], [0], [0], [1], [0, 0, 1, 1], [], []>, transpose_lhs_hint = false} : vector<512x256xf32>, vector<256x128xf32>, vector<512x128xf32> -> vector<512x128xf32>
      %get3A_53 = arith.constant 0 : index
      %get3A_54 = arith.constant 0 : index
      %get3A_55 = vector.load %arg9[%get3A_53, %get3A_54] : memref<512x128xf32, #tpu.memory_space<vmem>>, vector<512x128xf32>
      %mul3A_56 = arith.constant 1.000000e-01 : f32
      %mul3A_57 = vector.broadcast %mul3A_56 : f32 to vector<512x128xf32>
      %mul3A_58 = arith.mulf %get3A_55, %mul3A_57 : vector<512x128xf32>
      %concatenate3A_59 = tpu.concatenate %dot_general3A_52, %mul3A_58 in 1 : vector<512x128xf32>, vector<512x128xf32> -> vector<512x256xf32>
      %mul3A_60 = arith.mulf %concatenate3A_59, %concatenate3A_59 : vector<512x256xf32>
      %reduce_sum3A_61 = arith.constant dense<0.000000e+00> : vector<512xf32>
      %reduce_sum3A_62 = vector.multi_reduction <add>, %mul3A_60, %reduce_sum3A_61 [1] : vector<512x256xf32> to vector<512xf32>
      %broadcast_in_dim3A = vector.shape_cast %reduce_sum3A_62 : vector<512xf32> to vector<512x1xf32>
      %sqrt3A = math.sqrt %broadcast_in_dim3A : vector<512x1xf32>
      %max3A_63 = arith.constant 9.99999996E-13 : f32
      %max3A_64 = vector.broadcast %max3A_63 : f32 to vector<512x1xf32>
      %max3A_65 = arith.maximumf %sqrt3A, %max3A_64 : vector<512x1xf32>
      %div3A = vector.broadcast %max3A_65 : vector<512x1xf32> to vector<512x256xf32>
      %div3A_66 = arith.divf %concatenate3A_59, %div3A : vector<512x256xf32>
      %swap3A_67 = arith.constant 0 : index
      %swap3A_68 = arith.constant 0 : index
      %swap3A_69 = vector.load %arg8[%swap3A_67, %swap3A_68] : memref<512x256xf32, #tpu.memory_space<vmem>>, vector<512x256xf32>
      tpu.vector_store %arg8[%swap3A_67, %swap3A_68], %div3A_66 {strides = array<i32>} : memref<512x256xf32, #tpu.memory_space<vmem>>, vector<512x256xf32>,
    } else {
    }
    return
  }
  func.func @transform_0(%arg0: i32) -> (i32, i32) {
    %c0_i32 = arith.constant 0 : i32
    %c0_i32_0 = arith.constant 0 : i32
    return %arg0, %c0_i32 : i32, i32
  }
  func.func @transform_1(%arg0: i32) -> (i32, i32) {
    %c0_i32 = arith.constant 0 : i32
    %c0_i32_0 = arith.constant 0 : i32
    return %arg0, %c0_i32 : i32, i32
  }
  func.func @transform_2(%arg0: i32) -> (i32, i32) {
    %c0_i32 = arith.constant 0 : i32
    %c0_i32_0 = arith.constant 0 : i32
    %c0_i32_1 = arith.constant 0 : i32
    return %c0_i32, %c0_i32_0 : i32, i32
  }
  func.func @transform_3(%arg0: i32) -> (i32, i32) {
    %c0_i32 = arith.constant 0 : i32
    %c0_i32_0 = arith.constant 0 : i32
    %c0_i32_1 = arith.constant 0 : i32
    return %c0_i32, %c0_i32_0 : i32, i32
  }
  func.func @transform_4(%arg0: i32) -> (i32, i32) {
    %c0_i32 = arith.constant 0 : i32
    %c0_i32_0 = arith.constant 0 : i32
    %c0_i32_1 = arith.constant 0 : i32
    return %c0_i32, %c0_i32_0 : i32, i32
  }
  func.func @transform_5(%arg0: i32) -> (i32, i32) {
    %c0_i32 = arith.constant 0 : i32
    %c0_i32_0 = arith.constant 0 : i32
    %c0_i32_1 = arith.constant 0 : i32
    return %c0_i32, %c0_i32_0 : i32, i32
  }
  func.func @transform_6(%arg0: i32) -> (i32, i32) {
    %c0_i32 = arith.constant 0 : i32
    %c0_i32_0 = arith.constant 0 : i32
    %c0_i32_1 = arith.constant 0 : i32
    return %c0_i32, %c0_i32_0 : i32, i32
  }
  func.func @transform_7(%arg0: i32) -> (i32, i32) {
    %c0_i32 = arith.constant 0 : i32
    %c0_i32_0 = arith.constant 0 : i32
    %c0_i32_1 = arith.constant 0 : i32
    return %c0_i32, %c0_i32_0 : i32, i32
  }
}

</mosaic_0001>

<sc_bundles>
// kernel: kernel.4.cloned.1.call-start
scs
__scs_entry_jumppad:
0x0: {  	(pc) =	sbr.rel $0x88, $3  }
0x1: {  	(tag) =	ssettag $0x0;
	lr =	simm.s32 $0x1  }
0x2: {  	[smem:$0x3F9A] =	sst lr;
	_ =	strace $0xD0000000  }
0x3: {  	_ = 	snop  }
0x4: {  	_ = 	snop  }
0x5: {  	_ = 	snop  }
0x6: {  	_ = 	snop  }
0x7: {  	_ = 	snop  }
__scs_overlays_trampoline_lowered:
0x8: {  	[smem:$0x3FA9] =	sst s0  }
0x9: {  	[smem:$0x3FAA] =	sst s1  }
0xa: {  	[smem:$0x3FAB] =	sst s2  }
0xb: {  	[smem:$0x3FAC] =	sst s3  }
0xc: {  	[smem:$0x3FAD] =	sst s4  }
0xd: {  	[smem:$0x3FAE] =	sst s5  }
0xe: {  	[smem:$0x3FAF] =	sst s6  }
0xf: {  	[smem:$0x3FB0] =	sst s7  }
0x10: {  	[smem:$0x3FB1] =	sst s8  }
0x11: {  	[smem:$0x3FB2] =	sst s9;
	s0 =	simm.s32 @!p0 $0x0  }
0x12: {  	s1 =	sld [smem:$0x3F98];
	s0 =	simm.s32 @p0 $0x1  }
0x13: {  	[smem:$0x3FB3] =	sst s0;
	s0 =	simm.s32 @!p1 $0x0  }
0x14: {  	s2 =	sld [smem:$0x3F97];
	s0 =	simm.s32 @p1 $0x1  }
0x15: {  	[smem:$0x3FB4] =	sst s0;
	s0 =	simm.s32 @!p2 $0x0  }
0x16: {  	s3 =	sld [smem:$0x3FDB];
	s0 =	simm.s32 @p2 $0x1  }
0x17: {  	s4 =	simm.s32 $0x1BF5;
	[smem:$0x3FB6] =	sst s0  }
0x18: {  	s0 =	sld [smem:$0x3F99];
	_ =	swait.ge [sflag:s4], $0x0  }
0x19: {  	s7 =	sld [smem:$0x3F9A]  }
0x1a: {  	s8 =	sadd.s32 $0xFFFFE003, lr  }
0x1b: {  	s9 =	sadd.s32 $0xFFFFFEF7, lr;
	s5 =	simm.s32 $0xFFFFFFFF;
	p2 =	slt.u32 s8, $0xFFFFF086  }
0x1c: {  	p1 =	slt.u32 s9, $0xF7A;
	s5 =	simm.s32 @!p2 $0x0  }
0x1d: {  	s5 =	simm.s32 @p1 $0x1;
	p0 =	seq.s32 s7, s2  }
0x1e: {  	s7 =	smul.u32 @!p0 $0xF7A, s2;
	p2 =	seq.s32 @!p0 s5, $0x0  }
0x1f: {  	s9 =	smul.u32 $0xF7A, s1;
	s8 =	simm.s32 @!p0 $0x1BF5;
	p2 =	por !p2, p0  }
0x20: {  	[sflag:s8] =	ssyncset.s32 @!p0 $0xFFFFF086;
	s6 =	sadd.s32 @!p0 s3, s7;
	s7 =	simm.s32 @!p0 $0x108  }
0x21: {  	s3 =	sadd.s32 s3, s9;
	s6 =	sadd.s32 @!p0 $0x88, s6;
	s7 =	simm.s32 @p2 $0x1082  }
0x22: {  	[simem:s7], [sflag:s8] =	dma.local @!p0 [hbm:s6], $0xF7A  }
0x23: {  	s9 =	sor.u32 $0xD0000000, s2;
	s6 =	simm.s32 $0x108;
	_ =	swait.ge @!p0 [sflag:s8], $0x0  }
0x24: {  	s3 =	sadd.s32 $0x88, s3;
	s6 =	simm.s32 @!p1 $0x1082;
	[sflag:s4] =	ssyncset.s32 $0xFFFFF086  }
0x25: {  	[simem:s6], [sflag:s4] =	dma.local [hbm:s3], $0xF7A  }
0x26: {  	[smem:$0x3F9A] =	sst s1;
	(tag) =	ssettag s2;
	_ =	strace s9  }
0x27: {  	s1 =	sld [smem:$0x3FAA]  }
0x28: {  	s2 =	sld [smem:$0x3FAB]  }
0x29: {  	s4 =	sld [smem:$0x3FAD]  }
0x2a: {  	p0 =	seq.s32 s5, $0x0;
	s5 =	sld [smem:$0x3FAE]  }
0x2b: {  	s6 =	sld [smem:$0x3FAF]  }
0x2c: {  	s7 =	sld [smem:$0x3FB0]  }
0x2d: {  	s3 =	simm.s32 $0x108;
	s8 =	sld [smem:$0x3FB1]  }
0x2e: {  	s3 =	simm.s32 @!p0 $0x1082;
	s9 =	sld [smem:$0x3FB2]  }
0x2f: {  	lr =	sadd.s32 s0, s3;
	s0 =	sld [smem:$0x3FA9]  }
0x30: {  	s3 =	sld [smem:$0x3FAC]  }
0x31: {  	[smem:$0x3FB5] =	sst s10  }
0x32: {  	s10 =	sld [smem:$0x3FB3];
	_ =	sdelay $0x3  }
0x33: {  	p0 =	seq.s32 s10, $0x1;
	s10 =	sld [smem:$0x3FB5];
	_ =	sdelay $0x3  }
0x34: {  	[smem:$0x3FB5] =	sst s10  }
0x35: {  	s10 =	sld [smem:$0x3FB4];
	_ =	sdelay $0x3  }
0x36: {  	p1 =	seq.s32 s10, $0x1;
	s10 =	sld [smem:$0x3FB5];
	_ =	sdelay $0x3  }
0x37: {  	[smem:$0x3FB5] =	sst s10  }
0x38: {  	s10 =	sld [smem:$0x3FB6]  }
0x39: {  	_ = 	snop;
	(pc) =	sbr.ind lr, $3  }
0x3a: {  	_ = 	snop  }
0x3b: {  	_ = 	snop  }
0x3c: {  	p2 =	seq.s32 s10, $0x1;
	s10 =	sld [smem:$0x3FB5]  }
0x3d: {  	_ =	shalt  }
0x3e: {  	_ =	shalt  }
0x3f: {  	_ =	shalt  }
0x40: {  	_ =	shalt  }
0x41: {  	_ =	shalt  }
0x42: {  	_ =	shalt  }
0x43: {  	_ =	shalt  }
0x44: {  	_ =	shalt  }
0x45: {  	_ =	shalt  }
0x46: {  	_ =	shalt  }
0x47: {  	_ =	shalt  }
0x48: {  	_ =	shalt  }
0x49: {  	_ =	shalt  }
0x4a: {  	_ =	shalt  }
0x4b: {  	_ =	shalt  }
0x4c: {  	_ =	shalt  }
0x4d: {  	_ =	shalt  }
0x4e: {  	_ =	shalt  }
0x4f: {  	_ =	shalt  }
0x50: {  	_ =	shalt  }
0x51: {  	_ =	shalt  }
0x52: {  	_ =	shalt  }
0x53: {  	_ =	shalt  }
0x54: {  	_ =	shalt  }
0x55: {  	_ =	shalt  }
0x56: {  	_ =	shalt  }
0x57: {  	_ =	shalt  }
0x58: {  	_ =	shalt  }
0x59: {  	_ =	shalt  }
0x5a: {  	_ =	shalt  }
0x5b: {  	_ =	shalt  }
0x5c: {  	_ =	shalt  }
0x5d: {  	_ =	shalt  }
0x5e: {  	_ =	shalt  }
0x5f: {  	_ =	shalt  }
0x60: {  	_ =	shalt  }
0x61: {  	_ =	shalt  }
0x62: {  	_ =	shalt  }
0x63: {  	_ =	shalt  }
0x64: {  	_ =	shalt  }
0x65: {  	_ =	shalt  }
0x66: {  	_ =	shalt  }
0x67: {  	_ =	shalt  }
0x68: {  	_ =	shalt  }
0x69: {  	_ =	shalt  }
0x6a: {  	_ =	shalt  }
0x6b: {  	_ =	shalt  }
0x6c: {  	_ =	shalt  }
0x6d: {  	_ =	shalt  }
0x6e: {  	_ =	shalt  }
0x6f: {  	_ =	shalt  }
0x70: {  	_ =	shalt  }
0x71: {  	_ =	shalt  }
0x72: {  	_ =	shalt  }
0x73: {  	_ =	shalt  }
0x74: {  	_ =	shalt  }
0x75: {  	_ =	shalt  }
0x76: {  	_ =	shalt  }
0x77: {  	_ =	shalt  }
0x78: {  	_ =	shalt  }
0x79: {  	_ =	shalt  }
0x7a: {  	_ =	shalt  }
0x7b: {  	_ =	shalt  }
0x7c: {  	_ =	shalt  }
0x7d: {  	_ =	shalt  }
0x7e: {  	_ =	shalt  }
0x7f: {  	_ =	shalt  }
0x80: {  	_ =	shalt  }
0x81: {  	_ =	shalt  }
0x82: {  	_ =	shalt  }
0x83: {  	_ =	shalt  }
0x84: {  	_ =	shalt  }
0x85: {  	_ =	shalt  }
0x86: {  	_ =	shalt  }
0x87: {  	_ =	shalt  }
.Lfunc_end0:
.L_simem_size_0:
called_computation_lowered:
.L_overlay_start_0:
0x88: {  	s2 =	sld [smem:$0x3FD9]  }
0x89: {  	s3 =	sld [smem:$0x3FFE];
	_ =	sdelay $0x1  }
0x8a: {  	s1 =	srdreg.scid  }
0x8b: {  	s0 =	sand.u32 $0x1, s1  }
0x8c: {  	s17 =	sshll.u32 s0, $0xA;
	s2 =	sadd.s32 s3, s2  }
0x8d: {  	s2 =	sadd.s32 s2, s17  }
0x8e: {  	[smem:$0x3FC1] =	sst s2  }
0x8f: {  	_ = 	snop  }
0x90: {  	s2 =	sld [smem:$0x3FC9]  }
0x91: {  	s18 =	sld [smem:$0x3FC3]  }
0x92: {  	s4 =	sld [smem:$0x3FD0];
	(tm) =	ssettm $0x1  }
0x93: {  	s5 =	sld [smem:$0x3FFB];
	_ =	sdelay $0x3  }
0x94: {  	_ =	strace s5  }
0x95: {  	s5 =	sld [smem:$0x3FFC];
	_ =	sdelay $0x3  }
0x96: {  	_ =	strace s5  }
0x97: {  	s5 =	sld [smem:$0x3FFD];
	_ =	sdelay $0x3  }
0x98: {  	_ =	strace s5  }
0x99: {  	_ =	strace $0x8FFFFFFF  }
0x9a: {  	s19 =	sld [smem:$0x3FDB];
	_ =	sdelay $0x1  }
0x9b: {  	s6 =	simm.s32 $_scs_section_size  }
0x9c: {  	s7 =	simm.s32 $_size__tile_overlayer_lowered;
	s8 =	simm.s32 $_tile_overlayer_lowered  }
0x9d: {  	s22 =	simm.s32 $0x1BFF;
	s21 =	sshll.u32 s8, $0x1;
	s5 =	sadd.s32 s6, s19  }
0x9e: {  	s9 =	simm.s32 $0x0;
	s20 =	sshll.u32 s7, $0x1;
	s7 =	sadd.s32 s21, s5  }
0x9f: {  	[timem:s9], [sflag:s22] =	dma.local [hbm:s7], s20  }
0xa0: {  	_ =	swait.ge [sflag:s22], s20  }
0xa1: {  	s6 =	ssub.s32 $0x0, s20;
	[sflag:s22] =	ssyncset.done $0x0  }
0xa2: {  	[sflag:s22] =	ssyncadd.s32 s6;
	_ =	sdelay $0x1  }
0xa3: {  	s23 =	simm.s32 $0x1B8B  }
0xa4: {  	_ =	swait.ge [sflag:s23], $0x1  }
0xa5: {  	[sflag:s23] =	ssyncset.done $0x0  }
0xa6: {  	s25 =	simm.s32 $0x1B8E;
	s24 =	sld [smem:$0x3FFE];
	[sflag:s23] =	ssyncadd.s32 $0xFFFFFFFF  }
0xa7: {  	s26 =	simm.s32 $execute0_lowered;
	[smem:$0x3FD2] =	sst s25  }
0xa8: {  	s7 =	sshll.u32 s26, $0x1;
	_ =	strace $0x80000046;
	[dreg:$0x1] =	wrdreg $0xFFFFFFFF  }
0xa9: {  	s28 =	simm.s32 $_size_execute0_lowered;
	s5 =	sadd.s32 s5, s7;
	[dreg:$0x0] =	wrdreg $0x0  }
0xaa: {  	s7 =	sshll.u32 s28, $0x1;
	[dreg:$0x2] =	wrdreg s5  }
0xab: {  	[dreg:$0x3] =	wrdreg s7  }
0xac: {  	[dreg:$0x4] =	wrdreg $0xC0  }
0xad: {  	_ =	task [dreg:s9], $0x5FFFF  }
0xae: {  	[dreg:$0x1] =	wrdreg $0xFFFFFFFF  }
0xaf: {  	[dreg:$0x0] =	wrdreg $0x60  }
0xb0: {  	[dreg:$0x2] =	wrdreg s2  }
0xb1: {  	[dreg:$0x3] =	wrdreg s24  }
0xb2: {  	[dreg:$0x4] =	wrdreg s18  }
0xb3: {  	[dreg:$0x5] =	wrdreg s4  }
0xb4: {  	[dreg:$0x6] =	wrdreg $0x174800  }
0xb5: {  	[dreg:$0x7] =	wrdreg $0x9  }
0xb6: {  	_ =	task.clear_ibuf [dreg:s9], $0x8FFFF;
	_ =	strace $0x90000046  }
0xb7: {  	s29 =	simm.s32 $0x9;
	_ =	strace $0x80000048  }
0xb8: {  	_ =	swait.ge [sflag:s29], $0x1  }
0xb9: {  	[sflag:s29] =	ssyncadd.s32 $0xFFFFFFFF  }
0xba: {  	_ =	strace $0x90000048  }
0xbb: {  	_ =	sfence  }
0xbc: {  	s30 =	sld [smem:$0x0];
	_ =	sdelay $0x2  }
0xbd: {  	s31 =	sshll.u32 s1, $0xD;
	s1 =	sshrl.u32 s1, $0x2  }
0xbe: {  	s3 =	sand.u32 $0x4000, s31;
	s1 =	sadd.s32 s1, s30  }
0xbf: {  	s0 =	sor.u32 s3, s0;
	s1 =	sshll.u32 s1, $0x11  }
0xc0: {  	s0 =	sor.u32 s1, s0  }
0xc1: {  	s0 =	sadd.s32 $0x8F2B, s0  }
0xc2: {  	[sflag:s0] =	ssyncadd.remote.s32 $0x1  }
0xc3: {  	_ =	sfence.sel $0xFFFF  }
0xc4: {  	[dreg:$0x0] =	wrdreg $0xFFFFFFFF;
	(pc) =	sbr.abs _section_cstart, $3  }
0xc5: {  	[dreg:$0x1] =	wrdreg $0xFFFFFFFF  }
0xc6: {  	_ =	task.clear_ibuf [dreg:s9], $0x2FFFF;
	_ =	strace $0x9FFFFFFF  }
0xc7: {  	(tm) =	ssettm $0x7FFFFFFF  }
tec
execute0_lowered:
.L_overlay_start_1:
0x0: {  	(tag) =	ssettag $0x1  }
0x1: {  	s0 =	rddreg [dreg:$0x0]  }
0x2: {  	s1 =	rddreg [dreg:$0x1]  }
0x3: {  	s2 =	rddreg [dreg:$0x2]  }
0x4: {  	s8 =	rddreg [dreg:$0x3]  }
0x5: {  	s4 =	srdreg.scid;
	s10 =	stileid.u32  }
0x6: {  	s3 =	rddreg [dreg:$0x4];
	s18 =	simm.s32 $0x0;
	s29 =	simm.s32 $0xAC80  }
0x7: {  	s28 =	simm.s32 $0xF480;
	s31 =	simm.s32 $0x5;
	s30 =	simm.s32 $0x13480  }
0x8: {  	s5 =	sand.u32 $0x1, s4;
	s6 =	sshll.u32 s10, $0x1;
	[smem:$0x7FF] =	sst s18  }
0x9: {  	s9 =	smul.u32 $0x14800, s10;
	s14 =	sor.u32 s5, s6;
	_ =	strace $0x80000047  }
0xa: {  	s7 =	ssub.s32 $0x2, s5;
	s5 =	sadd.s32 $0x1A00, s1;
	s6 =	smul.u32 $0xA00, s14  }
0xb: {  	s17 =	sshrl.u32 s7, $0x1;
	s19 =	sshll.u32 s14, $0x1;
	s9 =	sshrl.u32 s9, $0x2  }
0xc: {  	s23 =	sshll.u32 s14, $0x8;
	s14 =	simm.s32 $0x5C80;
	s16 =	ssub.s32 s7, s17  }
0xd: {  	s20 =	sadd.s32 s2, s19;
	s22 =	sadd.s32 s9, s3;
	s2 =	sadd.s32 s8, s23  }
0xe: {  	s17 =	simm.s32 $0x9;
	s19 =	simm.s32 $0x80;
	s23 =	simm.s32 $0x2  }
0xf: {  	s8 =	simm.s32 $0x0;
	s15 =	sadd.s32 s6, s1;
	[dreg:$0x6] =	wrdreg s20  }
0x10: {  	s6 =	smul.u32 $0xA4, s10;
	s21 =	sadd.s32 $0x4000, s22;
	[dreg:$0xa] =	wrdreg s2  }
0x11: {  	s26 =	smax.u32 s16, $0x1;
	s20 =	simm.s32 $0x1;
	[dreg:$0x7] =	wrdreg s22  }
0x12: {  	s16 =	simm.s32 $0x5880;
	s2 =	simm.s32 $0x3;
	[dreg:$0x8] =	wrdreg s21  }
0x13: {  	s24 =	sadd.s32 $0x28C00, s15;
	s25 =	sadd.s32 $0x3CC00, s15;
	[dreg:$0xc] =	wrdreg s26  }
0x14: {  	s21 =	simm.s32 $0xA;
	s15 =	simm.s32 $0xB480;
	s26 =	simm.s32 $0x5980  }
.Ltmp0:
0x15: {  	s1 =	sadd.s32 $0xA0, s6;
	s10 =	sor.u32 $0x1, s6;
	(pc) =	sbr.rel .LBB2_1-.Ltmp0, $4  }
0x16: {  	s9 =	sadd.s32 $0xA1, s6;
	s11 =	sor.u32 $0x2, s6;
	s13 =	sadd.s32 $0xA2, s6  }
0x17: {  	s12 =	sor.u32 $0x3, s6;
	s7 =	sadd.s32 $0xA3, s6;
	[dreg:$0x9] =	wrdreg s24  }
0x18: {  	v4 =	vimm.f32 $0.0e+00;
	vm0 =	vmmov $0x1ff;
	[dreg:$0xb] =	wrdreg s25;
	s24 =	simm.s32 $0x5900;
	s25 =	simm.s32 $0x5B80;
	v0 =	vmov s1  }
0x19: {  	v1 =	vmov s9;
	v2 =	vmov s13;
	s1 =	simm.s32 $0x5A80;
	v3 =	vmov s7;
	s7 =	simm.s32 $0x7;
	s9 =	simm.s32 $0x8  }
.LBB2_14:
0x1a: {  	_ =	swait.ge [sflag:s23], $0x500  }
0x1b: {  	[sflag:s23] =	ssyncset.done $0x0  }
0x1c: {  	[sflag:s23] =	ssyncadd.s32 $0xFFFFFB00  }
0x1d: {  	_ =	swait.ge [sflag:s23], $0x500  }
0x1e: {  	[sflag:s23] =	ssyncset.done $0x0  }
0x1f: {  	[sflag:s23] =	ssyncadd.s32 $0xFFFFFB00  }
0x20: {  	_ =	swait.ge [sflag:s23], $0x500  }
0x21: {  	[sflag:s23] =	ssyncset.done $0x0  }
0x22: {  	[sflag:s23] =	ssyncadd.s32 $0xFFFFFB00  }
0x23: {  	_ =	swait.ge [sflag:s23], $0x500  }
0x24: {  	[sflag:s23] =	ssyncset.done $0x0  }
0x25: {  	[sflag:s23] =	ssyncadd.s32 $0xFFFFFB00  }
0x26: {  	_ =	swait.ge [sflag:s23], $0x500  }
0x27: {  	[sflag:s23] =	ssyncset.done $0x0  }
0x28: {  	[sflag:s23] =	ssyncadd.s32 $0xFFFFFB00  }
0x29: {  	_ =	swait.ge [sflag:s23], $0x500  }
0x2a: {  	[sflag:s23] =	ssyncset.done $0x0  }
0x2b: {  	[sflag:s23] =	ssyncadd.s32 $0xFFFFFB00  }
0x2c: {  	_ =	swait.ge [sflag:s23], $0x500  }
0x2d: {  	[sflag:s23] =	ssyncset.done $0x0  }
0x2e: {  	[sflag:s23] =	ssyncadd.s32 $0xFFFFFB00  }
0x2f: {  	_ =	swait.ge [sflag:s23], $0x500  }
0x30: {  	[sflag:s23] =	ssyncset.done $0x0  }
0x31: {  	[sflag:s23] =	ssyncadd.s32 $0xFFFFFB00  }
0x32: {  	_ =	swait.ge [sflag:s23], $0x500  }
0x33: {  	[sflag:s23] =	ssyncset.done $0x0  }
0x34: {  	[sflag:s23] =	ssyncadd.s32 $0xFFFFFB00  }
0x35: {  	_ =	swait.ge [sflag:s23], $0x500  }
0x36: {  	[sflag:s23] =	ssyncset.done $0x0  }
0x37: {  	[sflag:s23] =	ssyncadd.s32 $0xFFFFFB00  }
0x38: {  	_ =	swait.ge [sflag:s23], $0x500  }
0x39: {  	[sflag:s23] =	ssyncset.done $0x0  }
0x3a: {  	[sflag:s23] =	ssyncadd.s32 $0xFFFFFB00  }
0x3b: {  	_ =	swait.ge [sflag:s23], $0x500  }
0x3c: {  	[sflag:s23] =	ssyncset.done $0x0  }
0x3d: {  	[sflag:s23] =	ssyncadd.s32 $0xFFFFFB00  }
0x3e: {  	_ =	swait.ge [sflag:s23], $0x500  }
0x3f: {  	[sflag:s23] =	ssyncset.done $0x0  }
0x40: {  	[sflag:s23] =	ssyncadd.s32 $0xFFFFFB00  }
0x41: {  	_ =	swait.ge [sflag:s23], $0x500  }
0x42: {  	[sflag:s23] =	ssyncset.done $0x0  }
0x43: {  	[sflag:s23] =	ssyncadd.s32 $0xFFFFFB00  }
0x44: {  	_ =	swait.ge [sflag:s23], $0x500  }
0x45: {  	[sflag:s23] =	ssyncset.done $0x0  }
0x46: {  	[sflag:s23] =	ssyncadd.s32 $0xFFFFFB00  }
0x47: {  	_ =	swait.ge [sflag:s23], $0x500  }
0x48: {  	[sflag:s23] =	ssyncset.done $0x0  }
0x49: {  	[sflag:s23] =	ssyncadd.s32 $0xFFFFFB00  }
0x4a: {  	_ =	swait.ge [sflag:s23], $0x800  }
0x4b: {  	s18 =	simm.s32 $0x0;
	[sflag:s23] =	ssyncset.done $0x0  }
0x4c: {  	s14 =	simm.s32 $0x5C80;
	s4 =	rddreg [dreg:$0x9];
	[sflag:s23] =	ssyncadd.s32 $0xFFFFF800  }
0x4d: {  	[hbm4b:s4+s18] =	stream.linear.scatter [tilespmem:s14], [sflag:$0x9], $0x5000, $0x38;
	[tilespmem:$0x1C680] =	vst v63  }
0x4e: {  	_ =	swait.ge [sflag:s17], $0x5000  }
0x4f: {  	[sflag:s17] =	ssyncset.done $0x0  }
0x50: {  	s29 =	simm.s32 $0xAC80;
	s8 =	rddreg [dreg:$0xa];
	[sflag:s17] =	ssyncadd.s32 $0xFFFFB000  }
0x51: {  	[hbm4b:s8+s18] =	stream.linear.scatter [tilespmem:s29], [sflag:$0x9], $0x800, $0x38;
	[tilespmem:$0x1C680] =	vst v63  }
0x52: {  	_ =	swait.ge [sflag:s17], $0x800  }
0x53: {  	[sflag:s17] =	ssyncset.done $0x0  }
0x54: {  	s13 =	simm.s32 $0x6;
	[sflag:s17] =	ssyncadd.s32 $0xFFFFF800  }
0x55: {  	_ =	swait.ge [sflag:s13], $0x4000  }
0x56: {  	[sflag:s13] =	ssyncset.done $0x0  }
0x57: {  	[sflag:s13] =	ssyncadd.s32 $0xFFFFC000  }
0x58: {  	_ =	swait.ge [sflag:s7], $0x4000  }
0x59: {  	[sflag:s7] =	ssyncset.done $0x0  }
0x5a: {  	s22 =	stileid.u32;
	[sflag:s7] =	ssyncadd.s32 $0xFFFFC000  }
0x5b: {  	s4 =	sshll.u32 s22, $0x6;
	_ =	swait.ge [sflag:s9], $0x4000  }
0x5c: {  	s4 =	sor.u32 $0x1C09, s4;
	[sflag:s9] =	ssyncset.done $0x0;
	s22 =	rddreg [dreg:$0x7]  }
0x5d: {  	s13 =	rddreg [dreg:$0xb];
	[sflag:s9] =	ssyncadd.s32 $0xFFFFC000;
	s8 =	sshrl.u32 s22, $0x3  }
0x5e: {  	[hbm:s13], [sflag:s4] =	dma.local [spmem:s8], $0xA00  }
0x5f: {  	_ =	swait.ge [sflag:s17], $0xA00  }
0x60: {  	s4 =	rddreg [dreg:$0xd]  }
0x61: {  	s13 =	rddreg [dreg:$0xc];
	s8 =	sadd.s32 $0x1, s4  }
0x62: {  	p0 =	sne.s32 s8, s13  }
.Ltmp1:
0x63: {  	_ = 	snop;
	(pc) =	sbr.rel @!p0 .LBB2_15-.Ltmp1, $3  }
0x64: {  	_ =	sdelay $0x1  }
0x65: {  	[sflag:s17] =	ssyncset.done $0x0  }
0x66: {  	[sflag:s17] =	ssyncadd.s32 $0xFFFFF600  }
.LBB2_1:
0x67: {  	[dreg:$0xd] =	wrdreg s8  }
0x68: {  	s4 =	rddreg [dreg:$0x6]  }
0x69: {  	[tilespmem:s18], [sflag:$0x9] =	stream.linear.gather [hbm4b:s4+s18], $0x10, $0x38;
	[tilespmem:$0x1C680] =	vst v63  }
0x6a: {  	_ =	swait.ge [sflag:s17], $0x10  }
0x6b: {  	[sflag:s17] =	ssyncset.done $0x0  }
0x6c: {  	s4 =	simm.s32 $0x10;
	[sflag:s17] =	ssyncadd.s32 $0xFFFFFFF0  }
0x6d: {  	[tilespmem:s19], [sflag:$0x1] =	stream.indirect.gather [hbm4b:s5+s4], $0x80, s18, s4, $0xb8;
	[tilespmem:$0x1C680] =	vst v63  }
0x6e: {  	_ =	swait.ge [sflag:s20], $0x800  }
0x6f: {  	[sflag:s20] =	ssyncset.done $0x0  }
0x70: {  	[sflag:s20] =	ssyncadd.s32 $0xFFFFF800  }
0x71: {  	[tilespmem:s14], [sflag:$0x2] =	stream.indirect.gather [hbm4b:s0+s21], $0x80, s19, s21, $0xb8;
	[tilespmem:$0x1C680] =	vst v63  }
0x72: {  	s13 =	simm.s32 $0x880  }
0x73: {  	[tilespmem:s13], [sflag:$0x1] =	stream.indirect.gather [hbm4b:s5+s21], $0x80, s19, s21, $0xb8;
	[tilespmem:$0x1C680] =	vst v63  }
0x74: {  	s8 =	simm.s32 $0x100;
	s13 =	simm.s32 $0x6180  }
0x75: {  	[tilespmem:s13], [sflag:$0x2] =	stream.indirect.gather [hbm4b:s0+s21], $0x80, s8, s21, $0xb8;
	[tilespmem:$0x1C680] =	vst v63  }
0x76: {  	s14 =	simm.s32 $0xD80  }
0x77: {  	[tilespmem:s14], [sflag:$0x1] =	stream.indirect.gather [hbm4b:s5+s21], $0x80, s8, s21, $0xb8;
	[tilespmem:$0x1C680] =	vst v63  }
0x78: {  	s8 =	simm.s32 $0x180;
	s14 =	simm.s32 $0x6680  }
0x79: {  	[tilespmem:s14], [sflag:$0x2] =	stream.indirect.gather [hbm4b:s0+s21], $0x80, s8, s21, $0xb8;
	[tilespmem:$0x1C680] =	vst v63  }
0x7a: {  	s14 =	simm.s32 $0x1280  }
0x7b: {  	[tilespmem:s14], [sflag:$0x1] =	stream.indirect.gather [hbm4b:s5+s21], $0x80, s8, s21, $0xb8;
	[tilespmem:$0x1C680] =	vst v63  }
0x7c: {  	s8 =	simm.s32 $0x200;
	s14 =	simm.s32 $0x6B80  }
0x7d: {  	[tilespmem:s14], [sflag:$0x2] =	stream.indirect.gather [hbm4b:s0+s21], $0x80, s8, s21, $0xb8;
	[tilespmem:$0x1C680] =	vst v63  }
0x7e: {  	s14 =	simm.s32 $0x1780  }
0x7f: {  	[tilespmem:s14], [sflag:$0x1] =	stream.indirect.gather [hbm4b:s5+s21], $0x80, s8, s21, $0xb8;
	[tilespmem:$0x1C680] =	vst v63  }
0x80: {  	s8 =	simm.s32 $0x280;
	s14 =	simm.s32 $0x7080  }
0x81: {  	[tilespmem:s14], [sflag:$0x2] =	stream.indirect.gather [hbm4b:s0+s21], $0x80, s8, s21, $0xb8;
	[tilespmem:$0x1C680] =	vst v63  }
0x82: {  	s14 =	simm.s32 $0x1C80  }
0x83: {  	[tilespmem:s14], [sflag:$0x1] =	stream.indirect.gather [hbm4b:s5+s21], $0x80, s8, s21, $0xb8;
	[tilespmem:$0x1C680] =	vst v63  }
0x84: {  	s8 =	simm.s32 $0x300;
	s14 =	simm.s32 $0x7580  }
0x85: {  	[tilespmem:s14], [sflag:$0x2] =	stream.indirect.gather [hbm4b:s0+s21], $0x80, s8, s21, $0xb8;
	[tilespmem:$0x1C680] =	vst v63  }
0x86: {  	s14 =	simm.s32 $0x2180  }
0x87: {  	[tilespmem:s14], [sflag:$0x1] =	stream.indirect.gather [hbm4b:s5+s21], $0x80, s8, s21, $0xb8;
	[tilespmem:$0x1C680] =	vst v63  }
0x88: {  	s8 =	simm.s32 $0x380;
	s14 =	simm.s32 $0x7A80  }
0x89: {  	[tilespmem:s14], [sflag:$0x2] =	stream.indirect.gather [hbm4b:s0+s21], $0x80, s8, s21, $0xb8;
	[tilespmem:$0x1C680] =	vst v63  }
0x8a: {  	s14 =	simm.s32 $0x2680  }
0x8b: {  	[tilespmem:s14], [sflag:$0x1] =	stream.indirect.gather [hbm4b:s5+s21], $0x80, s8, s21, $0xb8;
	[tilespmem:$0x1C680] =	vst v63  }
0x8c: {  	s8 =	simm.s32 $0x400;
	s14 =	simm.s32 $0x7F80  }
0x8d: {  	[tilespmem:s14], [sflag:$0x2] =	stream.indirect.gather [hbm4b:s0+s21], $0x80, s8, s21, $0xb8;
	[tilespmem:$0x1C680] =	vst v63  }
0x8e: {  	s14 =	simm.s32 $0x2B80  }
0x8f: {  	[tilespmem:s14], [sflag:$0x1] =	stream.indirect.gather [hbm4b:s5+s21], $0x80, s8, s21, $0xb8;
	[tilespmem:$0x1C680] =	vst v63  }
0x90: {  	s8 =	simm.s32 $0x480;
	s14 =	simm.s32 $0x8480  }
0x91: {  	[tilespmem:s14], [sflag:$0x2] =	stream.indirect.gather [hbm4b:s0+s21], $0x80, s8, s21, $0xb8;
	[tilespmem:$0x1C680] =	vst v63  }
0x92: {  	s14 =	simm.s32 $0x3080  }
0x93: {  	[tilespmem:s14], [sflag:$0x1] =	stream.indirect.gather [hbm4b:s5+s21], $0x80, s8, s21, $0xb8;
	[tilespmem:$0x1C680] =	vst v63  }
0x94: {  	s8 =	simm.s32 $0x500;
	s14 =	simm.s32 $0x8980  }
0x95: {  	[tilespmem:s14], [sflag:$0x2] =	stream.indirect.gather [hbm4b:s0+s21], $0x80, s8, s21, $0xb8;
	[tilespmem:$0x1C680] =	vst v63  }
0x96: {  	s14 =	simm.s32 $0x3580  }
0x97: {  	[tilespmem:s14], [sflag:$0x1] =	stream.indirect.gather [hbm4b:s5+s21], $0x80, s8, s21, $0xb8;
	[tilespmem:$0x1C680] =	vst v63  }
0x98: {  	s8 =	simm.s32 $0x580;
	s14 =	simm.s32 $0x8E80  }
0x99: {  	[tilespmem:s14], [sflag:$0x2] =	stream.indirect.gather [hbm4b:s0+s21], $0x80, s8, s21, $0xb8;
	[tilespmem:$0x1C680] =	vst v63  }
0x9a: {  	s14 =	simm.s32 $0x3A80  }
0x9b: {  	[tilespmem:s14], [sflag:$0x1] =	stream.indirect.gather [hbm4b:s5+s21], $0x80, s8, s21, $0xb8;
	[tilespmem:$0x1C680] =	vst v63  }
0x9c: {  	s8 =	simm.s32 $0x600;
	s14 =	simm.s32 $0x9380  }
0x9d: {  	[tilespmem:s14], [sflag:$0x2] =	stream.indirect.gather [hbm4b:s0+s21], $0x80, s8, s21, $0xb8;
	[tilespmem:$0x1C680] =	vst v63  }
0x9e: {  	s14 =	simm.s32 $0x3F80  }
0x9f: {  	[tilespmem:s14], [sflag:$0x1] =	stream.indirect.gather [hbm4b:s5+s21], $0x80, s8, s21, $0xb8;
	[tilespmem:$0x1C680] =	vst v63  }
0xa0: {  	s8 =	simm.s32 $0x680;
	s14 =	simm.s32 $0x9880  }
0xa1: {  	[tilespmem:s14], [sflag:$0x2] =	stream.indirect.gather [hbm4b:s0+s21], $0x80, s8, s21, $0xb8;
	[tilespmem:$0x1C680] =	vst v63  }
0xa2: {  	s14 =	simm.s32 $0x4480  }
0xa3: {  	[tilespmem:s14], [sflag:$0x1] =	stream.indirect.gather [hbm4b:s5+s21], $0x80, s8, s21, $0xb8;
	[tilespmem:$0x1C680] =	vst v63  }
0xa4: {  	s8 =	simm.s32 $0x700;
	s14 =	simm.s32 $0x9D80  }
0xa5: {  	[tilespmem:s14], [sflag:$0x2] =	stream.indirect.gather [hbm4b:s0+s21], $0x80, s8, s21, $0xb8;
	[tilespmem:$0x1C680] =	vst v63  }
0xa6: {  	s14 =	simm.s32 $0x4980  }
0xa7: {  	[tilespmem:s14], [sflag:$0x1] =	stream.indirect.gather [hbm4b:s5+s21], $0x80, s8, s21, $0xb8;
	[tilespmem:$0x1C680] =	vst v63  }
0xa8: {  	s8 =	simm.s32 $0x780;
	s14 =	simm.s32 $0xA280  }
0xa9: {  	[tilespmem:s14], [sflag:$0x2] =	stream.indirect.gather [hbm4b:s0+s21], $0x80, s8, s21, $0xb8;
	[tilespmem:$0x1C680] =	vst v63  }
0xaa: {  	s14 =	simm.s32 $0x4E80  }
0xab: {  	[tilespmem:s14], [sflag:$0x1] =	stream.indirect.gather [hbm4b:s5+s21], $0x80, s8, s21, $0xb8;
	[tilespmem:$0x1C680] =	vst v63  }
0xac: {  	s8 =	simm.s32 $0x800;
	s14 =	simm.s32 $0xA780  }
0xad: {  	[tilespmem:s14], [sflag:$0x2] =	stream.indirect.gather [hbm4b:s0+s21], $0x80, s8, s21, $0xb8;
	[tilespmem:$0x1C680] =	vst v63  }
0xae: {  	s14 =	simm.s32 $0x5380  }
0xaf: {  	[tilespmem:s14], [sflag:$0x1] =	stream.indirect.gather [hbm4b:s5+s21], $0x80, s8, s21, $0xb8;
	[tilespmem:$0x1C680] =	vst v63  }
0xb0: {  	s13 =	simm.s32 $0x0;
	s14 =	simm.s32 $0x200  }
0xb1: {  	[tilespmem:s29], [sflag:$0x2] =	stream.indirect.gather [hbm4b:s0+s4], $0x80, s18, s4, $0xb8;
	[tilespmem:$0x1C680] =	vst v63  }
.LBB2_2:
0xb2: {  	p0 =	sne.s32 s14, $0xFE00;
	[tilespmem:s13+$0xB4F0] =	vst v4  }
0xb3: {  	[tilespmem:s13+$0xB480] =	vst v4  }
0xb4: {  	[tilespmem:s13+$0xB490] =	vst v4  }
.Ltmp2:
0xb5: {  	[tilespmem:s13+$0xB4A0] =	vst v4;
	(pc) =	sbr.rel @p0 .LBB2_2-.Ltmp2, $4  }
0xb6: {  	[tilespmem:s13+$0xB4B0] =	vst v4  }
0xb7: {  	[tilespmem:s13+$0xB4C0] =	vst v4  }
0xb8: {  	[tilespmem:s13+$0xB4D0] =	vst v4  }
0xb9: {  	[tilespmem:s13+$0xB4E0] =	vst v4;
	s13 =	sshra.s32 s14, $0x2;
	s14 =	sadd.s32 $0x200, s14  }
0xba: {  	[tilespmem:s13+$0xB4F0] =	vst v4  }
0xbb: {  	[tilespmem:s13+$0xB480] =	vst v4  }
0xbc: {  	[tilespmem:s13+$0xB490] =	vst v4  }
0xbd: {  	[tilespmem:s13+$0xB4A0] =	vst v4  }
0xbe: {  	[tilespmem:s13+$0xB4B0] =	vst v4  }
0xbf: {  	[tilespmem:s13+$0xB4C0] =	vst v4  }
0xc0: {  	[tilespmem:s13+$0xB4D0] =	vst v4  }
0xc1: {  	[tilespmem:s13+$0xB4E0] =	vst v4  }
0xc2: {  	[spmem:s22] =	stream.linear.scatter [tilespmem:s15], [sflag:$0x9], $0x4000, $0x38;
	[tilespmem:$0x1C680] =	vst v63  }
0xc3: {  	_ =	swait.ge [sflag:s17], $0x4000  }
0xc4: {  	[sflag:s17] =	ssyncset.done $0x0  }
0xc5: {  	s4 =	rddreg [dreg:$0x8];
	[sflag:s17] =	ssyncadd.s32 $0xFFFFC000  }
0xc6: {  	[spmem:s4] =	stream.linear.scatter [tilespmem:s15], [sflag:$0x9], $0x1200, $0x38;
	[tilespmem:$0x1C680] =	vst v63  }
0xc7: {  	_ =	swait.ge [sflag:s17], $0x1200  }
0xc8: {  	[sflag:s17] =	ssyncset.done $0x0  }
0xc9: {  	[sflag:s17] =	ssyncadd.s32 $0xFFFFEE00  }
0xca: {  	_ =	swait.ge [sflag:s20], $0x500  }
0xcb: {  	[sflag:s20] =	ssyncset.done $0x0  }
0xcc: {  	[sflag:s20] =	ssyncadd.s32 $0xFFFFFB00  }
0xcd: {  	_ =	swait.ge [sflag:s20], $0x500  }
0xce: {  	[sflag:s20] =	ssyncset.done $0x0  }
0xcf: {  	[sflag:s20] =	ssyncadd.s32 $0xFFFFFB00  }
0xd0: {  	_ =	swait.ge [sflag:s20], $0x500  }
0xd1: {  	[sflag:s20] =	ssyncset.done $0x0  }
0xd2: {  	[sflag:s20] =	ssyncadd.s32 $0xFFFFFB00  }
0xd3: {  	_ =	swait.ge [sflag:s20], $0x500  }
0xd4: {  	[sflag:s20] =	ssyncset.done $0x0  }
0xd5: {  	[sflag:s20] =	ssyncadd.s32 $0xFFFFFB00  }
0xd6: {  	_ =	swait.ge [sflag:s20], $0x500  }
0xd7: {  	[sflag:s20] =	ssyncset.done $0x0  }
0xd8: {  	[sflag:s20] =	ssyncadd.s32 $0xFFFFFB00  }
0xd9: {  	_ =	swait.ge [sflag:s20], $0x500  }
0xda: {  	[sflag:s20] =	ssyncset.done $0x0  }
0xdb: {  	[sflag:s20] =	ssyncadd.s32 $0xFFFFFB00  }
0xdc: {  	_ =	swait.ge [sflag:s20], $0x500  }
0xdd: {  	[sflag:s20] =	ssyncset.done $0x0  }
0xde: {  	[sflag:s20] =	ssyncadd.s32 $0xFFFFFB00  }
0xdf: {  	_ =	swait.ge [sflag:s20], $0x500  }
0xe0: {  	[sflag:s20] =	ssyncset.done $0x0  }
0xe1: {  	[sflag:s20] =	ssyncadd.s32 $0xFFFFFB00  }
0xe2: {  	_ =	swait.ge [sflag:s20], $0x500  }
0xe3: {  	[sflag:s20] =	ssyncset.done $0x0  }
0xe4: {  	[sflag:s20] =	ssyncadd.s32 $0xFFFFFB00  }
0xe5: {  	_ =	swait.ge [sflag:s20], $0x500  }
0xe6: {  	[sflag:s20] =	ssyncset.done $0x0  }
0xe7: {  	[sflag:s20] =	ssyncadd.s32 $0xFFFFFB00  }
0xe8: {  	_ =	swait.ge [sflag:s20], $0x500  }
0xe9: {  	[sflag:s20] =	ssyncset.done $0x0  }
0xea: {  	[sflag:s20] =	ssyncadd.s32 $0xFFFFFB00  }
0xeb: {  	_ =	swait.ge [sflag:s20], $0x500  }
0xec: {  	[sflag:s20] =	ssyncset.done $0x0  }
0xed: {  	[sflag:s20] =	ssyncadd.s32 $0xFFFFFB00  }
0xee: {  	_ =	swait.ge [sflag:s20], $0x500  }
0xef: {  	[sflag:s20] =	ssyncset.done $0x0  }
0xf0: {  	[sflag:s20] =	ssyncadd.s32 $0xFFFFFB00  }
0xf1: {  	_ =	swait.ge [sflag:s20], $0x500  }
0xf2: {  	[sflag:s20] =	ssyncset.done $0x0  }
0xf3: {  	[sflag:s20] =	ssyncadd.s32 $0xFFFFFB00  }
0xf4: {  	_ =	swait.ge [sflag:s20], $0x500  }
.Ltmp3:
0xf5: {  	[sflag:s20] =	ssyncset.done $0x0;
	(pc) =	sbr.rel .LBB2_4-.Ltmp3, $4  }
0xf6: {  	[sflag:s20] =	ssyncadd.s32 $0xFFFFFB00  }
0xf7: {  	_ =	swait.ge [sflag:s20], $0x500  }
0xf8: {  	s13 =	simm.s32 $0x0;
	s14 =	simm.s32 $0xFFFFFFFE;
	[sflag:s20] =	ssyncset.done $0x0  }
0xf9: {  	s29 =	simm.s32 $0x0;
	s22 =	simm.s32 $0xB80;
	[sflag:s20] =	ssyncadd.s32 $0xFFFFFB00  }
.LBB2_12:
0xfa: {  	v5 =	vld [tilespmem:s22+$0x100];
	_ =	sdelay $0x4  }
0xfb: {  	[tilespmem:$0x5980] =	vst v5  }
0xfc: {  	v5 =	vld [tilespmem:s22+$0x110];
	_ =	sdelay $0x4  }
0xfd: {  	[tilespmem:$0x5990] =	vst v5  }
0xfe: {  	v5 =	vld [tilespmem:s22+$0x180];
	_ =	sdelay $0x4  }
0xff: {  	[tilespmem:$0x59A0] =	vst v5  }
0x100: {  	v5 =	vld [tilespmem:s22+$0x190];
	_ =	sdelay $0x4  }
0x101: {  	[tilespmem:$0x59B0] =	vst v5  }
0x102: {  	v5 =	vld [tilespmem:s22+$0x200];
	_ =	sdelay $0x4  }
0x103: {  	[tilespmem:$0x59C0] =	vst v5  }
0x104: {  	v5 =	vld [tilespmem:s22+$0x210];
	_ =	sdelay $0x4  }
0x105: {  	[tilespmem:$0x59D0] =	vst v5  }
0x106: {  	v5 =	vld [tilespmem:s22+$0x280];
	_ =	sdelay $0x4  }
0x107: {  	[tilespmem:$0x59E0] =	vst v5  }
0x108: {  	v5 =	vld [tilespmem:s22+$0x290];
	_ =	sdelay $0x4  }
0x109: {  	[tilespmem:$0x59F0] =	vst v5  }
0x10a: {  	[tilespmem:s30], [sflag:$0x5] =	stream.indirect.gather [hbm4b:s0+s19], $0x80, s26, s19, $0xb8;
	[tilespmem:$0x1C680] =	vst v63  }
.LBB2_13:
0x10b: {  	_ =	swait.ge [sflag:s2], $0x4000  }
0x10c: {  	s4 =	sadd.s32 s13, s6;
	[sflag:s2] =	ssyncset.done $0x0  }
0x10d: {  	v5 =	vmov s4;
	[sflag:s2] =	ssyncadd.s32 $0xFFFFC000  }
0x10e: {  	s8 =	sadd.s32 $0x1, s4;
	[tilespmem:$0x5A80] =	vst v5;
	v5 =	vsel vm0, s4, v0  }
0x10f: {  	[tilespmem:$0x5A90] =	vst v5;
	v5 =	vmov s8  }
0x110: {  	s13 =	sadd.s32 $0xC, s13;
	s18 =	sadd.s32 $0x2, s4;
	[tilespmem:$0x5AA0] =	vst v5;
	v5 =	vsel vm0, s8, v1  }
0x111: {  	p0 =	sne.s32 s13, $0xA8;
	[tilespmem:$0x5AB0] =	vst v5;
	v5 =	vmov s18  }
.Ltmp4:
0x112: {  	s4 =	sadd.s32 $0x3, s4;
	[tilespmem:$0x5AC0] =	vst v5;
	v5 =	vsel vm0, s18, v2;
	(pc) =	sbr.rel @!p0 .LBB2_14-.Ltmp4, $4  }
0x113: {  	[tilespmem:$0x5AD0] =	vst v5;
	v5 =	vmov s4  }
0x114: {  	[tilespmem:$0x5AE0] =	vst v5;
	v5 =	vsel vm0, s4, v3  }
0x115: {  	s29 =	sadd.s32 $0x1, s29;
	s14 =	sadd.s32 $0x3, s14;
	s22 =	sadd.s32 $0x600, s22;
	[tilespmem:$0x5AF0] =	vst v5  }
0x116: {  	[spmem:s3] =	stream.indirect.scatter.add.f32 [tilespmem:s15], [sflag:$0x6], $0x80, s1, s19, $0xb8;
	[tilespmem:$0x1C680] =	vst v63  }
.LBB2_4:
0x117: {  	p0 =	seq.s32 s13, $0x0  }
0x118: {  	s8 =	simm.s32 @!p0 $0x6  }
0x119: {  	_ =	swait.ge @!p0 [sflag:s8], $0x4000  }
0x11a: {  	[sflag:s8] =	ssyncset.done @!p0 $0x0  }
0x11b: {  	[sflag:s8] =	ssyncadd.s32 @!p0 $0xFFFFC000  }
0x11c: {  	v5 =	vld [tilespmem:s22+$0xFFFFFD00];
	_ =	sdelay $0x4  }
0x11d: {  	[tilespmem:$0x5880] =	vst v5  }
0x11e: {  	v5 =	vld [tilespmem:s22+$0xFFFFFD10];
	_ =	sdelay $0x4  }
0x11f: {  	[tilespmem:$0x5890] =	vst v5  }
0x120: {  	v5 =	vld [tilespmem:s22+$0xFFFFFD80];
	_ =	sdelay $0x4  }
0x121: {  	[tilespmem:$0x58A0] =	vst v5  }
0x122: {  	v5 =	vld [tilespmem:s22+$0xFFFFFD90];
	_ =	sdelay $0x4  }
0x123: {  	[tilespmem:$0x58B0] =	vst v5  }
0x124: {  	v5 =	vld [tilespmem:s22+$0xFFFFFE00];
	_ =	sdelay $0x4  }
0x125: {  	[tilespmem:$0x58C0] =	vst v5  }
0x126: {  	v5 =	vld [tilespmem:s22+$0xFFFFFE10];
	_ =	sdelay $0x4  }
0x127: {  	[tilespmem:$0x58D0] =	vst v5  }
0x128: {  	v5 =	vld [tilespmem:s22+$0xFFFFFE80];
	_ =	sdelay $0x4  }
0x129: {  	[tilespmem:$0x58E0] =	vst v5  }
0x12a: {  	v5 =	vld [tilespmem:s22+$0xFFFFFE90];
	_ =	sdelay $0x3  }
0x12b: {  	p0 =	sgt.u32 s14, $0x27  }
0x12c: {  	s8 =	simm.s32 @!p0 $0x4;
	[tilespmem:$0x58F0] =	vst v5  }
0x12d: {  	[tilespmem:s15], [sflag:$0x3] =	stream.indirect.gather [hbm4b:s0+s19], $0x80, s16, s19, $0xb8;
	[tilespmem:$0x1C680] =	vst v63  }
0x12e: {  	s4 =	sadd.s32 @!p0 s13, s6;
	_ =	swait.ge @!p0 [sflag:s8], $0x4000  }
0x12f: {  	s18 =	sadd.s32 @!p0 $0xFFFFFFF8, s4;
	[sflag:s8] =	ssyncset.done @!p0 $0x0  }
0x130: {  	vm1 =	vmmov @!p0 $0x1ff;
	v5 =	vmov @!p0 s18;
	[sflag:s8] =	ssyncadd.s32 @!p0 $0xFFFFC000  }
0x131: {  	s8 =	sadd.s32 @!p0 $0xFFFFFFF9, s4;
	[tilespmem:$0x5B00] =	vst @!p0 v5;
	v5 =	vsel @!p0 vm1, s18, v0  }
0x132: {  	[tilespmem:$0x5B10] =	vst @!p0 v5;
	v5 =	vmov @!p0 s8  }
0x133: {  	[tilespmem:$0x5B20] =	vst @!p0 v5;
	v5 =	vsel @!p0 vm1, s8, v1;
	s8 =	sadd.s32 @!p0 $0xFFFFFFFA, s4  }
0x134: {  	[tilespmem:$0x5B30] =	vst @!p0 v5;
	v5 =	vmov @!p0 s8  }
0x135: {  	s4 =	sadd.s32 @!p0 $0xFFFFFFFB, s4;
	[tilespmem:$0x5B40] =	vst @!p0 v5;
	v5 =	vsel @!p0 vm1, s8, v2  }
0x136: {  	[tilespmem:$0x5B50] =	vst @!p0 v5;
	v5 =	vmov @!p0 s4  }
0x137: {  	[tilespmem:$0x5B60] =	vst @!p0 v5;
	v5 =	vsel @!p0 vm1, s4, v3  }
0x138: {  	s18 =	simm.s32 @!p0 $0xF480;
	s8 =	simm.s32 @!p0 $0x5B00;
	s4 =	simm.s32 @!p0 $0x80;
	[tilespmem:$0x5B70] =	vst @!p0 v5  }
0x139: {  	[spmem:s3] =	stream.indirect.scatter.add.f32 @!p0 [tilespmem:s18], [sflag:$0x7], $0x80, s8, s4, $0xb8;
	[tilespmem:$0x1C680] =	vst v63  }
0x13a: {  	p0 =	seq.s32 s29, $0x0  }
.Ltmp5:
0x13b: {  	_ = 	snop;
	(pc) =	sbr.rel @p0 .LBB2_7-.Ltmp5, $1  }
0x13c: {  	_ =	sdelay $0x3  }
0x13d: {  	p1 =	seq.s32 s29, $0xD  }
.Ltmp6:
0x13e: {  	_ = 	snop;
	(pc) =	sbr.rel @p1 .LBB2_8-.Ltmp6, $2  }
0x13f: {  	_ =	sdelay $0x2  }
0x140: {  	s8 =	simm.s32 $0x26  }
0x141: {  	_ =	swait.ge [sflag:s7], $0x4000  }
0x142: {  	[sflag:s7] =	ssyncset.done $0x0  }
0x143: {  	[sflag:s7] =	ssyncadd.s32 $0xFFFFC000  }
.LBB2_7:
0x144: {  	v5 =	vld [tilespmem:s22+$0xFFFFFF00];
	_ =	sdelay $0x4  }
0x145: {  	[tilespmem:$0x5900] =	vst v5  }
0x146: {  	v5 =	vld [tilespmem:s22+$0xFFFFFF10];
	_ =	sdelay $0x4  }
0x147: {  	[tilespmem:$0x5910] =	vst v5  }
0x148: {  	v5 =	vld [tilespmem:s22+$0xFFFFFF80];
	_ =	sdelay $0x4  }
0x149: {  	[tilespmem:$0x5920] =	vst v5  }
0x14a: {  	v5 =	vld [tilespmem:s22+$0xFFFFFF90];
	_ =	sdelay $0x4  }
0x14b: {  	[tilespmem:$0x5930] =	vst v5  }
0x14c: {  	v5 =	vld [tilespmem:s22+$0x0];
	_ =	sdelay $0x4  }
0x14d: {  	[tilespmem:$0x5940] =	vst v5  }
0x14e: {  	v5 =	vld [tilespmem:s22+$0x10];
	_ =	sdelay $0x4  }
0x14f: {  	[tilespmem:$0x5950] =	vst v5  }
0x150: {  	v5 =	vld [tilespmem:s22+$0x80];
	_ =	sdelay $0x4  }
0x151: {  	[tilespmem:$0x5960] =	vst v5  }
0x152: {  	s8 =	sadd.s32 $0x1, s14;
	v5 =	vld [tilespmem:s22+$0x90]  }
0x153: {  	p1 =	sgt.u32 s8, $0x27  }
.Ltmp7:
0x154: {  	_ = 	snop;
	(pc) =	sbr.rel @p1 .LBB2_9-.Ltmp7, $3  }
0x155: {  	_ =	sdelay $0x1  }
0x156: {  	[tilespmem:$0x5970] =	vst v5  }
0x157: {  	[tilespmem:s28], [sflag:$0x4] =	stream.indirect.gather [hbm4b:s0+s19], $0x80, s24, s19, $0xb8;
	[tilespmem:$0x1C680] =	vst v63  }
.LBB2_8:
0x158: {  	_ =	swait.ge [sflag:s31], $0x4000;
	s4 =	sshll.u32 s8, $0x2  }
0x159: {  	[sflag:s31] =	ssyncset.done $0x0;
	s8 =	sadd.s32 s6, s4  }
0x15a: {  	[sflag:s31] =	ssyncadd.s32 $0xFFFFC000;
	v5 =	vmov s8  }
0x15b: {  	s18 =	sadd.s32 s4, s10;
	[tilespmem:$0x5B80] =	vst v5;
	v5 =	vsel vm0, s8, v0  }
0x15c: {  	[tilespmem:$0x5B90] =	vst v5;
	v5 =	vmov s18  }
0x15d: {  	[tilespmem:$0x5BA0] =	vst v5;
	v5 =	vsel vm0, s18, v1;
	s18 =	sadd.s32 s4, s11  }
0x15e: {  	[tilespmem:$0x5BB0] =	vst v5;
	v5 =	vmov s18  }
0x15f: {  	s4 =	sadd.s32 s4, s12;
	[tilespmem:$0x5BC0] =	vst v5;
	v5 =	vsel vm0, s18, v2  }
0x160: {  	[tilespmem:$0x5BD0] =	vst v5;
	v5 =	vmov s4  }
0x161: {  	[tilespmem:$0x5BE0] =	vst v5;
	v5 =	vsel vm0, s4, v3  }
0x162: {  	[tilespmem:$0x5BF0] =	vst v5  }
0x163: {  	[spmem:s3] =	stream.indirect.scatter.add.f32 [tilespmem:s30], [sflag:$0x8], $0x80, s25, s19, $0xb8;
	[tilespmem:$0x1C680] =	vst v63  }
.LBB2_9:
.Ltmp8:
0x164: {  	(pc) =	sbr.rel @p0 .LBB2_12-.Ltmp8, $1  }
0x165: {  	_ =	sdelay $0x3  }
0x166: {  	p0 =	seq.s32 s29, $0xD  }
.Ltmp9:
0x167: {  	_ = 	snop;
	(pc) =	sbr.rel @p0 .LBB2_13-.Ltmp9, $1  }
0x168: {  	_ =	sdelay $0x3  }
.Ltmp10:
0x169: {  	(pc) =	sbr.rel .LBB2_12-.Ltmp10, $4  }
0x16a: {  	_ = 	snop  }
0x16b: {  	_ =	swait.ge [sflag:s9], $0x4000  }
0x16c: {  	[sflag:s9] =	ssyncset.done $0x0  }
0x16d: {  	[sflag:s9] =	ssyncadd.s32 $0xFFFFC000  }
.LBB2_15:
0x16e: {  	_ =	sfence.sel $0x180000  }
0x16f: {  	[bflag:$0x0] =	sbarrier.arrive $0xFFFF  }
0x170: {  	_ =	strace $0x90000047  }
0x171: {  	s0 =	stileid.u32;
	[bflag:$0x2] =	sbarrier.arrive $0xFFFF  }
0x172: {  	p0 =	sne.s32 s0, $0x0;
	s0 =	rddreg [dreg:$0x5]  }
0x173: {  	s0 =	sadd.s32 @!p0 $0x100000, s0  }
0x174: {  	[sflag:s0] =	ssyncadd.tile.s32 @!p0 $0x1;
	_ =	shalt  }
.Lfunc_end2:
_tile_overlayer_lowered:
.L_overlay_start_2:
0x175: {  	(tag) =	ssettag $0x2  }
0x176: {  	s0 =	rddreg [dreg:$0x0];
	s2 =	stileid.u32  }
0x177: {  	s1 =	rddreg [dreg:$0x1];
	p0 =	sne.s32 s2, $0x0  }
0x178: {  	s3 =	rddreg [dreg:$0x2];
	[bflag:$0x3] =	sbarrier.arrive $0xFFFF;
	s2 =	simm.s32 @!p0 $0x1C09  }
0x179: {  	[timem:s3], [sflag:s2] =	dma.local @!p0 [hbm:s0], s1  }
0x17a: {  	s0 =	simm.s32 @!p0 $0x9  }
0x17b: {  	_ =	swait.ge @!p0 [sflag:s0], s1  }
0x17c: {  	s1 =	ssub.s32 @!p0 $0x0, s1;
	[sflag:s0] =	ssyncset.done @!p0 $0x0  }
0x17d: {  	[sflag:s0] =	ssyncadd.s32 @!p0 s1  }
0x17e: {  	[bflag:$0x3] =	sbarrier.arrive $0xFFFF  }
0x17f: {  	_ =	shalt  }

</sc_bundles>
